<compile_context>
chip_gen: v7x
topology: tpu7x:2x2x1
jax: 0.10.2.dev20260603
libtpu: 0.0.44.dev20260713+nightly
codegen_flags: <defaults>
</compile_context>

<pallas_src>
import functools

import jax
import jax.numpy as jnp
import numpy as np
from jax import lax
from jax.experimental import pallas as pl
from jax.experimental.pallas import tpu as pltpu
from jax.experimental.pallas import tpu_sc as plsc

N = 10000
D = 128
G = 512
GLOBAL_DIM = 128
H = 256

NUM_RG = 4
NUM_FG = 8
ROWS_PER = 2512
FPW = D // NUM_FG
BLK = 16

_mesh = plsc.VectorSubcoreMesh(core_axis_name="c", subcore_axis_name="s")


@functools.partial(
    pl.kernel,
    mesh=_mesh,
    compiler_params=pltpu.CompilerParams(
        use_tc_tiling_on_sc=False, needs_layout_passes=False),
    out_type=[
        jax.ShapeDtypeStruct((NUM_RG, G, D), jnp.float32),
        jax.ShapeDtypeStruct((NUM_RG, G, D), jnp.float32),
        jax.ShapeDtypeStruct((NUM_RG, G, D), jnp.float32),
        jax.ShapeDtypeStruct((NUM_RG, G, D), jnp.float32),
        jax.ShapeDtypeStruct((NUM_RG, 520, 128), jnp.float32),
    ],
    scratch_types=[
        pltpu.VMEM((ROWS_PER, FPW), jnp.float32),
        pltpu.VMEM((ROWS_PER + 16,), jnp.int32),
        pltpu.VMEM((G, FPW), jnp.float32),
        pltpu.VMEM((G, FPW), jnp.float32),
        pltpu.VMEM((G, FPW), jnp.float32),
        pltpu.VMEM((G, FPW), jnp.float32),
        pltpu.VMEM((520, 16), jnp.float32),
        pltpu.SemaphoreType.DMA,
        pltpu.SemaphoreType.DMA,
        pltpu.SemaphoreType.DMA,
    ],
)
def _sc_aggregate(x_hbm, batch_hbm,
                  sums_hbm, sq_hbm, mx_hbm, mn_hbm, cnt_hbm,
                  xv, bv, accs, accq, accmx, accmn, accc,
                  sem_b, sem_x, sem_o):
    cix = lax.axis_index("c")
    six = lax.axis_index("s")
    wid = six * 2 + cix
    fg = wid // NUM_RG
    rg = wid % NUM_RG
    r0 = rg * 2496
    f0 = fg * FPW
    nblk = jnp.where(rg == NUM_RG - 1, 2512 // BLK, 2496 // BLK)

    hb = pltpu.async_copy(
        batch_hbm.at[pl.ds(r0, ROWS_PER)], bv.at[pl.ds(0, ROWS_PER)], sem_b)
    hx = pltpu.async_copy(
        x_hbm.at[pl.ds(r0, ROWS_PER), pl.ds(f0, FPW)], xv, sem_x)

    lanes = lax.iota(jnp.int32, 16)
    zero = jnp.zeros((16,), jnp.float32)
    neg = jnp.full((16,), -jnp.inf, jnp.float32)
    pos = jnp.full((16,), jnp.inf, jnp.float32)

    hb.wait()
    first = bv[pl.ds(0, 16)][0]
    nrows = jnp.where(rg == NUM_RG - 1, 2512, 2496)
    last0 = bv[pl.ds(nrows - 16, 16)][15]

    def zbody(i, _):
        plsc.store_scatter(accc, [jnp.full((16,), i, jnp.int32), lanes], zero)
        return 0
    lax.fori_loop(first, last0 + 1, zbody, 0)
    hx.wait()

    def flush(cur, cnt, vs, vq, vmx, vmn):
        i0 = jnp.full((16,), cur, jnp.int32)
        plsc.store_scatter(accs, [i0, lanes], vs)
        plsc.store_scatter(accq, [i0, lanes], vq)
        plsc.store_scatter(accmx, [i0, lanes], vmx)
        plsc.store_scatter(accmn, [i0, lanes], vmn)
        plsc.store_scatter(accc, [i0, lanes], jnp.full((16,), cnt, jnp.float32))

    def step(seg, v, carry):
        cur, cnt, vs, vq, vmx, vmn = carry
        ch = seg != cur
        chv = jnp.full((16,), ch)
        i0 = jnp.full((16,), cur, jnp.int32)
        plsc.store_scatter(accs, [i0, lanes], vs, mask=chv)
        plsc.store_scatter(accq, [i0, lanes], vq, mask=chv)
        plsc.store_scatter(accmx, [i0, lanes], vmx, mask=chv)
        plsc.store_scatter(accmn, [i0, lanes], vmn, mask=chv)
        plsc.store_scatter(accc, [i0, lanes],
                           jnp.full((16,), cnt, jnp.float32), mask=chv)
        vv = v * v
        return (seg,
                jnp.where(ch, 1.0, cnt + 1.0),
                jnp.where(ch, v, vs + v),
                jnp.where(ch, vv, vq + vv),
                jnp.where(ch, v, jnp.maximum(vmx, v)),
                jnp.where(ch, v, jnp.minimum(vmn, v)))

    def blk_body(b, carry):
        lb = b * BLK
        segv = bv[pl.ds(lb, 16)]
        for j in range(BLK):
            carry = step(segv[j], xv[lb + j], carry)
        return carry

    carry = lax.fori_loop(
        0, nblk, blk_body, (first, 0.0, zero, zero, neg, pos))
    flush(*carry)
    last = carry[0]

    h1 = pltpu.async_copy(accs, sums_hbm.at[rg, :, pl.ds(f0, FPW)], sem_o)
    h2 = pltpu.async_copy(accq, sq_hbm.at[rg, :, pl.ds(f0, FPW)], sem_o)
    h3 = pltpu.async_copy(accmx, mx_hbm.at[rg, :, pl.ds(f0, FPW)], sem_o)
    h4 = pltpu.async_copy(accmn, mn_hbm.at[rg, :, pl.ds(f0, FPW)], sem_o)
    h1.wait()
    h2.wait()
    h3.wait()
    h4.wait()

    @pl.when(fg == 0)
    def _():
        accc[512] = jnp.full((16,), first.astype(jnp.float32))
        accc[513] = jnp.full((16,), last.astype(jnp.float32))
        pltpu.sync_copy(accc, cnt_hbm.at[rg, :, pl.ds(0, 16)])


def _tc_finish_body(sums_ref, sq_ref, mx_ref, mn_ref, cnt_ref,
                    u_ref, W1_ref, b1_ref, g_ref, be_ref, W2_ref, b2_ref,
                    out_ref):
    segs = lax.broadcasted_iota(jnp.int32, (G, 1), 0).astype(jnp.float32)

    s_sum = jnp.zeros((G, D), jnp.float32)
    s_q = jnp.zeros((G, D), jnp.float32)
    s_mx = jnp.full((G, D), -jnp.inf, jnp.float32)
    s_mn = jnp.full((G, D), jnp.inf, jnp.float32)
    counts = jnp.zeros((G, 1), jnp.float32)
    for i in range(NUM_RG):
        rf = cnt_ref[i, 512:513, 0:1]
        rl = cnt_ref[i, 513:514, 0:1]
        valid = (segs >= rf) & (segs <= rl)
        s_sum = s_sum + jnp.where(valid, sums_ref[i], 0.0)
        s_q = s_q + jnp.where(valid, sq_ref[i], 0.0)
        s_mx = jnp.maximum(s_mx, jnp.where(valid, mx_ref[i], -jnp.inf))
        s_mn = jnp.minimum(s_mn, jnp.where(valid, mn_ref[i], jnp.inf))
        counts = counts + jnp.where(valid, cnt_ref[i, 0:512, 0:1], 0.0)

    c1 = jnp.maximum(counts, 1.0)
    mean = s_sum / c1
    mean2 = s_q / c1
    var = jnp.maximum(mean2 - mean * mean, 0.0)
    std = jnp.sqrt(var + 1e-5)
    present = counts > 0.0
    mean = jnp.where(present, mean, 0.0)
    std = jnp.where(present, std, float(np.sqrt(1e-5)))
    s_mx = jnp.where(present, s_mx, 0.0)
    s_mn = jnp.where(present, s_mn, 0.0)

    big = jnp.concatenate([u_ref[...], mean, std, s_mx, s_mn], axis=1)
    h = jnp.dot(big, W1_ref[...], preferred_element_type=jnp.float32)
    h = h + b1_ref[...]
    alpha = 1.6732632423543772
    scale = 1.0507009873554805
    h = scale * jnp.where(h > 0, h, alpha * (jnp.exp(h) - 1.0))
    mu = jnp.mean(h, axis=1, keepdims=True)
    varh = jnp.mean((h - mu) ** 2, axis=1, keepdims=True)
    h = (h - mu) / jnp.sqrt(varh + 1e-5) * g_ref[...] + be_ref[...]
    out_ref[...] = jnp.dot(h, W2_ref[...],
                           preferred_element_type=jnp.float32) + b2_ref[...]


_tc_finish = pl.pallas_call(
    _tc_finish_body,
    out_shape=jax.ShapeDtypeStruct((G, GLOBAL_DIM), jnp.float32),
)


def kernel(x, edge_index, edge_attr, u, batch, W1, b1, gamma, beta, W2, b2):
    del edge_index, edge_attr
    sums, sq, mx, mn, cnt = _sc_aggregate(
        x.astype(jnp.float32), batch.astype(jnp.int32))
    return _tc_finish(sums, sq, mx, mn, cnt,
                      u, W1, b1.reshape(1, H), gamma.reshape(1, H),
                      beta.reshape(1, H), W2, b2.reshape(1, GLOBAL_DIM))

# --- scband reference (transcript-rebuilt; emitter-appended) ---
"""Pipeline reference for scband-global-pnamodel-11209864642802 (READ-ONLY COPY).

The authoritative reference and input builder live on the scoring server;
editing this copy changes nothing except your own understanding.
"""

import jax, jax.numpy as jnp
import numpy as np

N = 10000
E = 320000
D = 128
G = 512
GLOBAL_DIM = 128
H = 256


def setup_inputs(seed: int = 0):
    key = jax.random.key(seed)
    ks = jax.random.split(key, 8)
    x = jax.random.normal(ks[0], (N, D), dtype=jnp.float32)
    edge_index = jax.random.randint(ks[1], (2, E), 0, N)
    edge_attr = jax.random.normal(ks[2], (E, 16), dtype=jnp.float32)
    u = jax.random.normal(ks[3], (G, GLOBAL_DIM), dtype=jnp.float32)
    batch = jnp.sort(jax.random.randint(ks[4], (N,), 0, G))
    in_dim = GLOBAL_DIM + 4 * D
    W1 = jax.random.normal(ks[5], (in_dim, H), dtype=jnp.float32) * (1.0 / np.sqrt(in_dim))
    b1 = jnp.zeros((H,), dtype=jnp.float32)
    gamma = jnp.ones((H,), dtype=jnp.float32)
    beta = jnp.zeros((H,), dtype=jnp.float32)
    W2 = jax.random.normal(ks[6], (H, GLOBAL_DIM), dtype=jnp.float32) * (1.0 / np.sqrt(H))
    b2 = jnp.zeros((GLOBAL_DIM,), dtype=jnp.float32)
    return {"x": x, "edge_index": edge_index, "edge_attr": edge_attr, "u": u, "batch": batch,
            "W1": W1, "b1": b1, "gamma": gamma, "beta": beta, "W2": W2, "b2": b2}


def _multi_aggr(x, batch, num_segments):
    ones = jnp.ones((x.shape[0],), dtype=x.dtype)
    counts = jax.ops.segment_sum(ones, batch, num_segments=num_segments)
    counts_c = jnp.clip(counts, 1.0, None)[:, None]
    s = jax.ops.segment_sum(x, batch, num_segments=num_segments)
    mean = s / counts_c
    s2 = jax.ops.segment_sum(x * x, batch, num_segments=num_segments)
    mean2 = s2 / counts_c
    var = jnp.clip(mean2 - mean * mean, 0.0, None)
    std = jnp.sqrt(var + 1e-5)
    mx = jax.ops.segment_max(x, batch, num_segments=num_segments)
    mn = -jax.ops.segment_max(-x, batch, num_segments=num_segments)
    present = (counts > 0)[:, None]
    mx = jnp.where(present, mx, 0.0)
    mn = jnp.where(present, mn, 0.0)
    return jnp.concatenate([mean, std, mx, mn], axis=1)


def _layernorm(h, gamma, beta, eps=1e-5):
    mu = jnp.mean(h, axis=-1, keepdims=True)
    var = jnp.mean((h - mu) ** 2, axis=-1, keepdims=True)
    return (h - mu) / jnp.sqrt(var + eps) * gamma + beta


def reference(x, edge_index, edge_attr, u, batch, W1, b1, gamma, beta, W2, b2):
    # MultiAggregation(['mean','std','max','min']) pooled over graph ids (batch)
    aggr = _multi_aggr(x, batch, u.shape[0])
    out = jnp.concatenate([u, aggr], axis=1)
    # global_mlp: Linear -> SELU -> LayerNorm -> Linear (dropout=0.0 is identity)
    h = out @ W1 + b1
    h = jax.nn.selu(h)
    h = _layernorm(h, gamma, beta)
    return h @ W2 + b2

if __name__ == "__main__":
    import jax
    _d = setup_inputs()
    print(jax.jit(kernel)(*tuple(_d.values())))

</pallas_src>

<mosaic_0001>
#map = affine_map<(d0, d1) -> (0, 0)>
#map1 = affine_map<(d0, d1) -> (0)>
#map2 = affine_map<(d0, d1) -> (0, 0, 0)>
module attributes {stable_mosaic.version = 14 : i64} {
  func.func @_sc_aggregate(%arg0: i32, %arg1: i32, %arg2: memref<10000x128xf32, #tpu.memory_space<hbm>>, %arg3: memref<10000xi32, #tpu.memory_space<hbm>>, %arg4: memref<4x512x128xf32, #tpu.memory_space<hbm>>, %arg5: memref<4x512x128xf32, #tpu.memory_space<hbm>>, %arg6: memref<4x512x128xf32, #tpu.memory_space<hbm>>, %arg7: memref<4x512x128xf32, #tpu.memory_space<hbm>>, %arg8: memref<4x520x128xf32, #tpu.memory_space<hbm>>, %arg9: memref<2512x16xf32, #tpu.memory_space<vmem>>, %arg10: memref<2528xi32, #tpu.memory_space<vmem>>, %arg11: memref<512x16xf32, #tpu.memory_space<vmem>>, %arg12: memref<512x16xf32, #tpu.memory_space<vmem>>, %arg13: memref<512x16xf32, #tpu.memory_space<vmem>>, %arg14: memref<512x16xf32, #tpu.memory_space<vmem>>, %arg15: memref<520x16xf32, #tpu.memory_space<vmem>>, %arg16: memref<!tpu.dma_semaphore, #tpu.memory_space<semaphore_mem>>, %arg17: memref<!tpu.dma_semaphore, #tpu.memory_space<semaphore_mem>>, %arg18: memref<!tpu.dma_semaphore, #tpu.memory_space<semaphore_mem>>) attributes {dimension_semantics = [#tpu.dimension_semantics<core_parallel>, #tpu.dimension_semantics<subcore_parallel>], iteration_bounds = array<i64: 2, 16>, scalar_prefetch = 0 : i64, scratch_operands = 10 : i64, tpu.core_type = #tpu.core_type<sc_vector_subcore>, window_params = [{transform_indices = #map}, {transform_indices = #map1}, {transform_indices = #map2}, {transform_indices = #map2}, {transform_indices = #map2}, {transform_indices = #map2}, {transform_indices = #map2}]} {
    %mul3A = arith.constant 2 : i32
    %mul3A_0 = arith.muli %arg1, %mul3A : i32
    %add3A = arith.addi %mul3A_0, %arg0 : i32
    %jit3A = arith.constant 4 : i32
    %div3A = arith.divsi %add3A, %jit3A : i32
    %sign3A = arith.constant 0 : i32
    %sign3A_1 = arith.cmpi sgt, %add3A, %sign3A : i32
    %sign3A_2 = arith.extui %sign3A_1 : i1 to i32
    %sign3A_3 = arith.constant 0 : i32
    %sign3A_4 = arith.cmpi slt, %add3A, %sign3A_3 : i32
    %sign3A_5 = arith.extui %sign3A_4 : i1 to i32
    %sign3A_6 = arith.subi %sign3A_2, %sign3A_5 : i32
    %sign3A_7 = arith.constant 0 : i32
    %sign3A_8 = arith.cmpi sgt, %jit3A, %sign3A_7 : i32
    %sign3A_9 = arith.extui %sign3A_8 : i1 to i32
    %sign3A_10 = arith.constant 0 : i32
    %sign3A_11 = arith.cmpi slt, %jit3A, %sign3A_10 : i32
    %sign3A_12 = arith.extui %sign3A_11 : i1 to i32
    %sign3A_13 = arith.subi %sign3A_9, %sign3A_12 : i32
    %ne3A = arith.cmpi ne, %sign3A_6, %sign3A_13 : i32
    %rem3A = arith.remsi %add3A, %jit3A : i32
    %ne3A_14 = arith.constant 0 : i32
    %ne3A_15 = arith.cmpi ne, %rem3A, %ne3A_14 : i32
    %and3A = arith.andi %ne3A, %ne3A_15 : i1
    %sub3A = arith.constant 1 : i32
    %sub3A_16 = arith.subi %div3A, %sub3A : i32
    %select_n3A = arith.select %and3A, %sub3A_16, %div3A : i32
    %jit3A_17 = arith.constant 4 : i32
    %eq3A = arith.constant 0 : i32
    %eq3A_18 = arith.cmpi eq, %jit3A_17, %eq3A : i32
    %jit3A_19 = arith.constant 1 : i32
    %select_n3A_20 = arith.select %eq3A_18, %jit3A_19, %jit3A_17 : i32
    %rem3A_21 = arith.remsi %add3A, %select_n3A_20 : i32
    %ne3A_22 = arith.constant 0 : i32
    %ne3A_23 = arith.cmpi ne, %rem3A_21, %ne3A_22 : i32
    %lt3A = arith.constant 0 : i32
    %lt3A_24 = arith.cmpi slt, %rem3A_21, %lt3A : i32
    %lt3A_25 = arith.constant 0 : i32
    %lt3A_26 = arith.cmpi slt, %select_n3A_20, %lt3A_25 : i32
    %ne3A_27 = arith.xori %lt3A_24, %lt3A_26 : i1
    %and3A_28 = arith.andi %ne3A_27, %ne3A_23 : i1
    %add3A_29 = arith.addi %rem3A_21, %select_n3A_20 : i32
    %select_n3A_30 = arith.select %and3A_28, %add3A_29, %rem3A_21 : i32
    %mul3A_31 = arith.constant 2496 : i32
    %mul3A_32 = arith.muli %select_n3A_30, %mul3A_31 : i32
    %mul3A_33 = arith.constant 16 : i32
    %mul3A_34 = arith.muli %select_n3A, %mul3A_33 : i32
    %eq3A_35 = arith.constant 3 : i32
    %eq3A_36 = arith.cmpi eq, %select_n3A_30, %eq3A_35 : i32
    %jit3A_37 = arith.constant 157 : i32
    %jit3A_38 = arith.constant 156 : i32
    %select_n3A_39 = arith.select %eq3A_36, %jit3A_37, %jit3A_38 : i32
    %dma_start3A = arith.constant 0 : i32
    %dma_start3A_40 = tpu.memref_slice %arg10[%dma_start3A] : memref<2528xi32, #tpu.memory_space<vmem>> -> memref<2512xi32, #tpu.memory_space<vmem>>
    %dma_start3A_41 = tpu.memref_slice %arg3[%mul3A_32] : memref<10000xi32, #tpu.memory_space<hbm>> -> memref<2512xi32, #tpu.memory_space<hbm>>
    %dma_start3A_42 = arith.constant 0 : i32
    %dma_start3A_43 = tpu.memref_slice %arg10[%dma_start3A_42] : memref<2528xi32, #tpu.memory_space<vmem>> -> memref<2512xi32, #tpu.memory_space<vmem>>
    %dma_start3A_44 = tpu.memref_slice %arg3[%mul3A_32] : memref<10000xi32, #tpu.memory_space<hbm>> -> memref<2512xi32, #tpu.memory_space<hbm>>
    tpu.enqueue_dma source(%dma_start3A_44 : memref<2512xi32, #tpu.memory_space<hbm>>) target(%dma_start3A_43 : memref<2512xi32, #tpu.memory_space<vmem>>) target_semaphore(%arg16 : memref<!tpu.dma_semaphore, #tpu.memory_space<semaphore_mem>>)
    %dma_start3A_45 = tpu.memref_slice %arg2[%mul3A_32, %mul3A_34] : memref<10000x128xf32, #tpu.memory_space<hbm>> -> memref<2512x16xf32, #tpu.memory_space<hbm>>
    %dma_start3A_46 = tpu.memref_slice %arg2[%mul3A_32, %mul3A_34] : memref<10000x128xf32, #tpu.memory_space<hbm>> -> memref<2512x16xf32, #tpu.memory_space<hbm>>
    tpu.enqueue_dma source(%dma_start3A_46 : memref<2512x16xf32, #tpu.memory_space<hbm>>) target(%arg9 : memref<2512x16xf32, #tpu.memory_space<vmem>>) target_semaphore(%arg17 : memref<!tpu.dma_semaphore, #tpu.memory_space<semaphore_mem>>)
    %iota3A = tpu.iota {dimensions = array<i32: 0>} : vector<16xi32>
    %broadcast_in_dim3A = arith.constant 0.000000e+00 : f32
    %broadcast_in_dim3A_47 = vector.broadcast %broadcast_in_dim3A : f32 to vector<16xf32>
    %broadcast_in_dim3A_48 = arith.constant 0xFF800000 : f32
    %broadcast_in_dim3A_49 = vector.broadcast %broadcast_in_dim3A_48 : f32 to vector<16xf32>
    %broadcast_in_dim3A_50 = arith.constant 0x7F800000 : f32
    %broadcast_in_dim3A_51 = vector.broadcast %broadcast_in_dim3A_50 : f32 to vector<16xf32>
    %dma_wait3A = arith.constant 0 : i32
    %dma_wait3A_52 = tpu.memref_slice %arg10[%dma_wait3A] : memref<2528xi32, #tpu.memory_space<vmem>> -> memref<2512xi32, #tpu.memory_space<vmem>>
    %dma_wait3A_53 = tpu.memref_slice %arg3[%mul3A_32] : memref<10000xi32, #tpu.memory_space<hbm>> -> memref<2512xi32, #tpu.memory_space<hbm>>
    %dma_wait3A_54 = arith.constant 0 : i32
    %dma_wait3A_55 = tpu.memref_slice %arg10[%dma_wait3A_54] : memref<2528xi32, #tpu.memory_space<vmem>> -> memref<2512xi32, #tpu.memory_space<vmem>>
    %dma_wait3A_56 = tpu.memref_slice %arg3[%mul3A_32] : memref<10000xi32, #tpu.memory_space<hbm>> -> memref<2512xi32, #tpu.memory_space<hbm>>
    tpu.wait_dma2 semaphore(%arg16 : memref<!tpu.dma_semaphore, #tpu.memory_space<semaphore_mem>>) src(%dma_wait3A_56 : memref<2512xi32, #tpu.memory_space<hbm>>) dst(%dma_wait3A_55 : memref<2512xi32, #tpu.memory_space<vmem>>)
    %get3A = arith.constant 0 : index
    %get3A_57 = tpu.vector_load %arg10[%get3A] {strides = array<i32>} : memref<2528xi32, #tpu.memory_space<vmem>>, vector<16xi32>,
    %slice3A = vector.extract_strided_slice %get3A_57 {offsets = [0], sizes = [1], strides = [1]} : vector<16xi32> to vector<1xi32>
    %squeeze3A = vector.extract %slice3A[0] : i32 from vector<1xi32>
    %eq3A_58 = arith.constant 3 : i32
    %eq3A_59 = arith.cmpi eq, %select_n3A_30, %eq3A_58 : i32
    %jit3A_60 = arith.constant 2512 : i32
    %jit3A_61 = arith.constant 2496 : i32
    %select_n3A_62 = arith.select %eq3A_59, %jit3A_60, %jit3A_61 : i32
    %sub3A_63 = arith.constant 16 : i32
    %sub3A_64 = arith.subi %select_n3A_62, %sub3A_63 : i32
    %get3A_65 = arith.index_cast %sub3A_64 : i32 to index
    %get3A_66 = tpu.vector_load %arg10[%get3A_65] {strides = array<i32>} : memref<2528xi32, #tpu.memory_space<vmem>>, vector<16xi32>,
    %slice3A_67 = vector.extract_strided_slice %get3A_66 {offsets = [15], sizes = [1], strides = [1]} : vector<16xi32> to vector<1xi32>
    %squeeze3A_68 = vector.extract %slice3A_67[0] : i32 from vector<1xi32>
    %add3A_69 = arith.constant 1 : i32
    %add3A_70 = arith.addi %squeeze3A_68, %add3A_69 : i32
    %while3A = arith.constant 0 : i32
    %while3A_71 = arith.subi %add3A_70, %squeeze3A : i32
    %while3A_72 = arith.addi %squeeze3A, %while3A_71 : i32
    %while3A_73 = arith.constant 1 : i32
    %while3A_74 = arith.divsi %while3A_71, %while3A_73 : i32
    %while3A_75 = arith.muli %while3A_74, %while3A_73 : i32
    %while3A_76 = arith.addi %squeeze3A, %while3A_75 : i32
    %while3A_77 = arith.constant 1 : i32
    %while3A_78 = scf.for %while3A_148 = %squeeze3A to %while3A_76 step %while3A_77 iter_args(%while3A_149 = %while3A) -> (i32)  : i32 {
      %broadcast_in_dim3A_150 = vector.broadcast %while3A_148 : i32 to vector<16xi32>
      tpu.vector_store_idx %arg15[%broadcast_in_dim3A_150, %iota3A], %broadcast_in_dim3A_47 : memref<520x16xf32, #tpu.memory_space<vmem>>[vector<16xi32>, vector<16xi32>], vector<16xf32>,
      %while3A_151 = arith.constant 0 : i32
      scf.yield %while3A_151 : i32
    }
    %while3A_79 = arith.constant 1 : i32
    %while3A_80 = scf.for %while3A_148 = %while3A_76 to %while3A_72 step %while3A_79 iter_args(%while3A_149 = %while3A_78) -> (i32)  : i32 {
      %broadcast_in_dim3A_150 = vector.broadcast %while3A_148 : i32 to vector<16xi32>
      tpu.vector_store_idx %arg15[%broadcast_in_dim3A_150, %iota3A], %broadcast_in_dim3A_47 : memref<520x16xf32, #tpu.memory_space<vmem>>[vector<16xi32>, vector<16xi32>], vector<16xf32>,
      %while3A_151 = arith.constant 0 : i32
      scf.yield %while3A_151 : i32
    }
    %dma_wait3A_81 = tpu.memref_slice %arg2[%mul3A_32, %mul3A_34] : memref<10000x128xf32, #tpu.memory_space<hbm>> -> memref<2512x16xf32, #tpu.memory_space<hbm>>
    %dma_wait3A_82 = tpu.memref_slice %arg2[%mul3A_32, %mul3A_34] : memref<10000x128xf32, #tpu.memory_space<hbm>> -> memref<2512x16xf32, #tpu.memory_space<hbm>>
    tpu.wait_dma2 semaphore(%arg17 : memref<!tpu.dma_semaphore, #tpu.memory_space<semaphore_mem>>) src(%dma_wait3A_82 : memref<2512x16xf32, #tpu.memory_space<hbm>>) dst(%arg9 : memref<2512x16xf32, #tpu.memory_space<vmem>>)
    %while3A_83 = arith.constant 0 : i32
    %while3A_84 = arith.constant 0.000000e+00 : f32
    %while3A_85 = arith.subi %select_n3A_39, %while3A_83 : i32
    %while3A_86 = arith.addi %while3A_83, %while3A_85 : i32
    %while3A_87 = arith.constant 1 : i32
    %while3A_88 = arith.divsi %while3A_85, %while3A_87 : i32
    %while3A_89 = arith.muli %while3A_88, %while3A_87 : i32
    %while3A_90 = arith.addi %while3A_83, %while3A_89 : i32
    %while3A_91 = arith.constant 1 : i32
    %while3A_92:6 = scf.for %while3A_148 = %while3A_83 to %while3A_90 step %while3A_91 iter_args(%while3A_149 = %squeeze3A, %while3A_150 = %while3A_84, %while3A_151 = %broadcast_in_dim3A_47, %while3A_152 = %broadcast_in_dim3A_47, %while3A_153 = %broadcast_in_dim3A_49, %while3A_154 = %broadcast_in_dim3A_51) -> (i32, f32, vector<16xf32>, vector<16xf32>, vector<16xf32>, vector<16xf32>)  : i32 {
      %mul3A_155 = arith.constant 16 : i32
      %mul3A_156 = arith.muli %while3A_148, %mul3A_155 : i32
      %get3A_157 = arith.index_cast %mul3A_156 : i32 to index
      %get3A_158 = tpu.vector_load %arg10[%get3A_157] {strides = array<i32>} : memref<2528xi32, #tpu.memory_space<vmem>>, vector<16xi32>,
      %slice3A_159 = vector.extract_strided_slice %get3A_158 {offsets = [0], sizes = [1], strides = [1]} : vector<16xi32> to vector<1xi32>
      %squeeze3A_160 = vector.extract %slice3A_159[0] : i32 from vector<1xi32>
      %add3A_161 = arith.constant 0 : i32
      %add3A_162 = arith.addi %mul3A_156, %add3A_161 : i32
      %get3A_163 = arith.index_cast %add3A_162 : i32 to index
      %get3A_164 = arith.constant 0 : index
      %get3A_165 = tpu.vector_load %arg9[%get3A_163, %get3A_164] {strides = array<i32>} : memref<2512x16xf32, #tpu.memory_space<vmem>>, vector<16xf32>,
      %ne3A_166 = arith.cmpi ne, %squeeze3A_160, %while3A_149 : i32
      %broadcast_in_dim3A_167 = vector.broadcast %ne3A_166 : i1 to vector<16xi1>
      %broadcast_in_dim3A_168 = vector.broadcast %while3A_149 : i32 to vector<16xi32>
      tpu.vector_store_idx %arg11[%broadcast_in_dim3A_168, %iota3A], %while3A_151 masked %broadcast_in_dim3A_167 : memref<512x16xf32, #tpu.memory_space<vmem>>[vector<16xi32>, vector<16xi32>], vector<16xf32>, vector<16xi1>
      tpu.vector_store_idx %arg12[%broadcast_in_dim3A_168, %iota3A], %while3A_152 masked %broadcast_in_dim3A_167 : memref<512x16xf32, #tpu.memory_space<vmem>>[vector<16xi32>, vector<16xi32>], vector<16xf32>, vector<16xi1>
      tpu.vector_store_idx %arg13[%broadcast_in_dim3A_168, %iota3A], %while3A_153 masked %broadcast_in_dim3A_167 : memref<512x16xf32, #tpu.memory_space<vmem>>[vector<16xi32>, vector<16xi32>], vector<16xf32>, vector<16xi1>
      tpu.vector_store_idx %arg14[%broadcast_in_dim3A_168, %iota3A], %while3A_154 masked %broadcast_in_dim3A_167 : memref<512x16xf32, #tpu.memory_space<vmem>>[vector<16xi32>, vector<16xi32>], vector<16xf32>, vector<16xi1>
      %broadcast_in_dim3A_169 = vector.broadcast %while3A_150 : f32 to vector<16xf32>
      tpu.vector_store_idx %arg15[%broadcast_in_dim3A_168, %iota3A], %broadcast_in_dim3A_169 masked %broadcast_in_dim3A_167 : memref<520x16xf32, #tpu.memory_space<vmem>>[vector<16xi32>, vector<16xi32>], vector<16xf32>, vector<16xi1>
      %mul3A_170 = arith.mulf %get3A_165, %get3A_165 : vector<16xf32>
      %add3A_171 = arith.constant 1.000000e+00 : f32
      %add3A_172 = arith.addf %while3A_150, %add3A_171 : f32
      %jit3A_173 = arith.constant 1.000000e+00 : f32
      %select_n3A_174 = arith.select %ne3A_166, %jit3A_173, %add3A_172 : f32
      %add3A_175 = arith.addf %while3A_151, %get3A_165 : vector<16xf32>
      %select_n3A_176 = arith.select %ne3A_166, %get3A_165, %add3A_175 : vector<16xf32>
      %add3A_177 = arith.addf %while3A_152, %mul3A_170 : vector<16xf32>
      %select_n3A_178 = arith.select %ne3A_166, %mul3A_170, %add3A_177 : vector<16xf32>
      %max3A = arith.maximumf %while3A_153, %get3A_165 : vector<16xf32>
      %select_n3A_179 = arith.select %ne3A_166, %get3A_165, %max3A : vector<16xf32>
      %min3A = arith.minimumf %while3A_154, %get3A_165 : vector<16xf32>
      %select_n3A_180 = arith.select %ne3A_166, %get3A_165, %min3A : vector<16xf32>
      %slice3A_181 = vector.extract_strided_slice %get3A_158 {offsets = [1], sizes = [1], strides = [1]} : vector<16xi32> to vector<1xi32>
      %squeeze3A_182 = vector.extract %slice3A_181[0] : i32 from vector<1xi32>
      %add3A_183 = arith.constant 1 : i32
      %add3A_184 = arith.addi %mul3A_156, %add3A_183 : i32
      %get3A_185 = arith.index_cast %add3A_184 : i32 to index
      %get3A_186 = arith.constant 0 : index
      %get3A_187 = tpu.vector_load %arg9[%get3A_185, %get3A_186] {strides = array<i32>} : memref<2512x16xf32, #tpu.memory_space<vmem>>, vector<16xf32>,
      %ne3A_188 = arith.cmpi ne, %squeeze3A_182, %squeeze3A_160 : i32
      %broadcast_in_dim3A_189 = vector.broadcast %ne3A_188 : i1 to vector<16xi1>
      %broadcast_in_dim3A_190 = vector.broadcast %squeeze3A_160 : i32 to vector<16xi32>
      tpu.vector_store_idx %arg11[%broadcast_in_dim3A_190, %iota3A], %select_n3A_176 masked %broadcast_in_dim3A_189 : memref<512x16xf32, #tpu.memory_space<vmem>>[vector<16xi32>, vector<16xi32>], vector<16xf32>, vector<16xi1>
      tpu.vector_store_idx %arg12[%broadcast_in_dim3A_190, %iota3A], %select_n3A_178 masked %broadcast_in_dim3A_189 : memref<512x16xf32, #tpu.memory_space<vmem>>[vector<16xi32>, vector<16xi32>], vector<16xf32>, vector<16xi1>
      tpu.vector_store_idx %arg13[%broadcast_in_dim3A_190, %iota3A], %select_n3A_179 masked %broadcast_in_dim3A_189 : memref<512x16xf32, #tpu.memory_space<vmem>>[vector<16xi32>, vector<16xi32>], vector<16xf32>, vector<16xi1>
      tpu.vector_store_idx %arg14[%broadcast_in_dim3A_190, %iota3A], %select_n3A_180 masked %broadcast_in_dim3A_189 : memref<512x16xf32, #tpu.memory_space<vmem>>[vector<16xi32>, vector<16xi32>], vector<16xf32>, vector<16xi1>
      %broadcast_in_dim3A_191 = vector.broadcast %select_n3A_174 : f32 to vector<16xf32>
      tpu.vector_store_idx %arg15[%broadcast_in_dim3A_190, %iota3A], %broadcast_in_dim3A_191 masked %broadcast_in_dim3A_189 : memref<520x16xf32, #tpu.memory_space<vmem>>[vector<16xi32>, vector<16xi32>], vector<16xf32>, vector<16xi1>
      %mul3A_192 = arith.mulf %get3A_187, %get3A_187 : vector<16xf32>
      %add3A_193 = arith.constant 1.000000e+00 : f32
      %add3A_194 = arith.addf %select_n3A_174, %add3A_193 : f32
      %jit3A_195 = arith.constant 1.000000e+00 : f32
      %select_n3A_196 = arith.select %ne3A_188, %jit3A_195, %add3A_194 : f32
      %add3A_197 = arith.addf %select_n3A_176, %get3A_187 : vector<16xf32>
      %select_n3A_198 = arith.select %ne3A_188, %get3A_187, %add3A_197 : vector<16xf32>
      %add3A_199 = arith.addf %select_n3A_178, %mul3A_192 : vector<16xf32>
      %select_n3A_200 = arith.select %ne3A_188, %mul3A_192, %add3A_199 : vector<16xf32>
      %max3A_201 = arith.maximumf %select_n3A_179, %get3A_187 : vector<16xf32>
      %select_n3A_202 = arith.select %ne3A_188, %get3A_187, %max3A_201 : vector<16xf32>
      %min3A_203 = arith.minimumf %select_n3A_180, %get3A_187 : vector<16xf32>
      %select_n3A_204 = arith.select %ne3A_188, %get3A_187, %min3A_203 : vector<16xf32>
      %slice3A_205 = vector.extract_strided_slice %get3A_158 {offsets = [2], sizes = [1], strides = [1]} : vector<16xi32> to vector<1xi32>
      %squeeze3A_206 = vector.extract %slice3A_205[0] : i32 from vector<1xi32>
      %add3A_207 = arith.constant 2 : i32
      %add3A_208 = arith.addi %mul3A_156, %add3A_207 : i32
      %get3A_209 = arith.index_cast %add3A_208 : i32 to index
      %get3A_210 = arith.constant 0 : index
      %get3A_211 = tpu.vector_load %arg9[%get3A_209, %get3A_210] {strides = array<i32>} : memref<2512x16xf32, #tpu.memory_space<vmem>>, vector<16xf32>,
      %ne3A_212 = arith.cmpi ne, %squeeze3A_206, %squeeze3A_182 : i32
      %broadcast_in_dim3A_213 = vector.broadcast %ne3A_212 : i1 to vector<16xi1>
      %broadcast_in_dim3A_214 = vector.broadcast %squeeze3A_182 : i32 to vector<16xi32>
      tpu.vector_store_idx %arg11[%broadcast_in_dim3A_214, %iota3A], %select_n3A_198 masked %broadcast_in_dim3A_213 : memref<512x16xf32, #tpu.memory_space<vmem>>[vector<16xi32>, vector<16xi32>], vector<16xf32>, vector<16xi1>
      tpu.vector_store_idx %arg12[%broadcast_in_dim3A_214, %iota3A], %select_n3A_200 masked %broadcast_in_dim3A_213 : memref<512x16xf32, #tpu.memory_space<vmem>>[vector<16xi32>, vector<16xi32>], vector<16xf32>, vector<16xi1>
      tpu.vector_store_idx %arg13[%broadcast_in_dim3A_214, %iota3A], %select_n3A_202 masked %broadcast_in_dim3A_213 : memref<512x16xf32, #tpu.memory_space<vmem>>[vector<16xi32>, vector<16xi32>], vector<16xf32>, vector<16xi1>
      tpu.vector_store_idx %arg14[%broadcast_in_dim3A_214, %iota3A], %select_n3A_204 masked %broadcast_in_dim3A_213 : memref<512x16xf32, #tpu.memory_space<vmem>>[vector<16xi32>, vector<16xi32>], vector<16xf32>, vector<16xi1>
      %broadcast_in_dim3A_215 = vector.broadcast %select_n3A_196 : f32 to vector<16xf32>
      tpu.vector_store_idx %arg15[%broadcast_in_dim3A_214, %iota3A], %broadcast_in_dim3A_215 masked %broadcast_in_dim3A_213 : memref<520x16xf32, #tpu.memory_space<vmem>>[vector<16xi32>, vector<16xi32>], vector<16xf32>, vector<16xi1>
      %mul3A_216 = arith.mulf %get3A_211, %get3A_211 : vector<16xf32>
      %add3A_217 = arith.constant 1.000000e+00 : f32
      %add3A_218 = arith.addf %select_n3A_196, %add3A_217 : f32
      %jit3A_219 = arith.constant 1.000000e+00 : f32
      %select_n3A_220 = arith.select %ne3A_212, %jit3A_219, %add3A_218 : f32
      %add3A_221 = arith.addf %select_n3A_198, %get3A_211 : vector<16xf32>
      %select_n3A_222 = arith.select %ne3A_212, %get3A_211, %add3A_221 : vector<16xf32>
      %add3A_223 = arith.addf %select_n3A_200, %mul3A_216 : vector<16xf32>
      %select_n3A_224 = arith.select %ne3A_212, %mul3A_216, %add3A_223 : vector<16xf32>
      %max3A_225 = arith.maximumf %select_n3A_202, %get3A_211 : vector<16xf32>
      %select_n3A_226 = arith.select %ne3A_212, %get3A_211, %max3A_225 : vector<16xf32>
      %min3A_227 = arith.minimumf %select_n3A_204, %get3A_211 : vector<16xf32>
      %select_n3A_228 = arith.select %ne3A_212, %get3A_211, %min3A_227 : vector<16xf32>
      %slice3A_229 = vector.extract_strided_slice %get3A_158 {offsets = [3], sizes = [1], strides = [1]} : vector<16xi32> to vector<1xi32>
      %squeeze3A_230 = vector.extract %slice3A_229[0] : i32 from vector<1xi32>
      %add3A_231 = arith.constant 3 : i32
      %add3A_232 = arith.addi %mul3A_156, %add3A_231 : i32
      %get3A_233 = arith.index_cast %add3A_232 : i32 to index
      %get3A_234 = arith.constant 0 : index
      %get3A_235 = tpu.vector_load %arg9[%get3A_233, %get3A_234] {strides = array<i32>} : memref<2512x16xf32, #tpu.memory_space<vmem>>, vector<16xf32>,
      %ne3A_236 = arith.cmpi ne, %squeeze3A_230, %squeeze3A_206 : i32
      %broadcast_in_dim3A_237 = vector.broadcast %ne3A_236 : i1 to vector<16xi1>
      %broadcast_in_dim3A_238 = vector.broadcast %squeeze3A_206 : i32 to vector<16xi32>
      tpu.vector_store_idx %arg11[%broadcast_in_dim3A_238, %iota3A], %select_n3A_222 masked %broadcast_in_dim3A_237 : memref<512x16xf32, #tpu.memory_space<vmem>>[vector<16xi32>, vector<16xi32>], vector<16xf32>, vector<16xi1>
      tpu.vector_store_idx %arg12[%broadcast_in_dim3A_238, %iota3A], %select_n3A_224 masked %broadcast_in_dim3A_237 : memref<512x16xf32, #tpu.memory_space<vmem>>[vector<16xi32>, vector<16xi32>], vector<16xf32>, vector<16xi1>
      tpu.vector_store_idx %arg13[%broadcast_in_dim3A_238, %iota3A], %select_n3A_226 masked %broadcast_in_dim3A_237 : memref<512x16xf32, #tpu.memory_space<vmem>>[vector<16xi32>, vector<16xi32>], vector<16xf32>, vector<16xi1>
      tpu.vector_store_idx %arg14[%broadcast_in_dim3A_238, %iota3A], %select_n3A_228 masked %broadcast_in_dim3A_237 : memref<512x16xf32, #tpu.memory_space<vmem>>[vector<16xi32>, vector<16xi32>], vector<16xf32>, vector<16xi1>
      %broadcast_in_dim3A_239 = vector.broadcast %select_n3A_220 : f32 to vector<16xf32>
      tpu.vector_store_idx %arg15[%broadcast_in_dim3A_238, %iota3A], %broadcast_in_dim3A_239 masked %broadcast_in_dim3A_237 : memref<520x16xf32, #tpu.memory_space<vmem>>[vector<16xi32>, vector<16xi32>], vector<16xf32>, vector<16xi1>
      %mul3A_240 = arith.mulf %get3A_235, %get3A_235 : vector<16xf32>
      %add3A_241 = arith.constant 1.000000e+00 : f32
      %add3A_242 = arith.addf %select_n3A_220, %add3A_241 : f32
      %jit3A_243 = arith.constant 1.000000e+00 : f32
      %select_n3A_244 = arith.select %ne3A_236, %jit3A_243, %add3A_242 : f32
      %add3A_245 = arith.addf %select_n3A_222, %get3A_235 : vector<16xf32>
      %select_n3A_246 = arith.select %ne3A_236, %get3A_235, %add3A_245 : vector<16xf32>
      %add3A_247 = arith.addf %select_n3A_224, %mul3A_240 : vector<16xf32>
      %select_n3A_248 = arith.select %ne3A_236, %mul3A_240, %add3A_247 : vector<16xf32>
      %max3A_249 = arith.maximumf %select_n3A_226, %get3A_235 : vector<16xf32>
      %select_n3A_250 = arith.select %ne3A_236, %get3A_235, %max3A_249 : vector<16xf32>
      %min3A_251 = arith.minimumf %select_n3A_228, %get3A_235 : vector<16xf32>
      %select_n3A_252 = arith.select %ne3A_236, %get3A_235, %min3A_251 : vector<16xf32>
      %slice3A_253 = vector.extract_strided_slice %get3A_158 {offsets = [4], sizes = [1], strides = [1]} : vector<16xi32> to vector<1xi32>
      %squeeze3A_254 = vector.extract %slice3A_253[0] : i32 from vector<1xi32>
      %add3A_255 = arith.constant 4 : i32
      %add3A_256 = arith.addi %mul3A_156, %add3A_255 : i32
      %get3A_257 = arith.index_cast %add3A_256 : i32 to index
      %get3A_258 = arith.constant 0 : index
      %get3A_259 = tpu.vector_load %arg9[%get3A_257, %get3A_258] {strides = array<i32>} : memref<2512x16xf32, #tpu.memory_space<vmem>>, vector<16xf32>,
      %ne3A_260 = arith.cmpi ne, %squeeze3A_254, %squeeze3A_230 : i32
      %broadcast_in_dim3A_261 = vector.broadcast %ne3A_260 : i1 to vector<16xi1>
      %broadcast_in_dim3A_262 = vector.broadcast %squeeze3A_230 : i32 to vector<16xi32>
      tpu.vector_store_idx %arg11[%broadcast_in_dim3A_262, %iota3A], %select_n3A_246 masked %broadcast_in_dim3A_261 : memref<512x16xf32, #tpu.memory_space<vmem>>[vector<16xi32>, vector<16xi32>], vector<16xf32>, vector<16xi1>
      tpu.vector_store_idx %arg12[%broadcast_in_dim3A_262, %iota3A], %select_n3A_248 masked %broadcast_in_dim3A_261 : memref<512x16xf32, #tpu.memory_space<vmem>>[vector<16xi32>, vector<16xi32>], vector<16xf32>, vector<16xi1>
      tpu.vector_store_idx %arg13[%broadcast_in_dim3A_262, %iota3A], %select_n3A_250 masked %broadcast_in_dim3A_261 : memref<512x16xf32, #tpu.memory_space<vmem>>[vector<16xi32>, vector<16xi32>], vector<16xf32>, vector<16xi1>
      tpu.vector_store_idx %arg14[%broadcast_in_dim3A_262, %iota3A], %select_n3A_252 masked %broadcast_in_dim3A_261 : memref<512x16xf32, #tpu.memory_space<vmem>>[vector<16xi32>, vector<16xi32>], vector<16xf32>, vector<16xi1>
      %broadcast_in_dim3A_263 = vector.broadcast %select_n3A_244 : f32 to vector<16xf32>
      tpu.vector_store_idx %arg15[%broadcast_in_dim3A_262, %iota3A], %broadcast_in_dim3A_263 masked %broadcast_in_dim3A_261 : memref<520x16xf32, #tpu.memory_space<vmem>>[vector<16xi32>, vector<16xi32>], vector<16xf32>, vector<16xi1>
      %mul3A_264 = arith.mulf %get3A_259, %get3A_259 : vector<16xf32>
      %add3A_265 = arith.constant 1.000000e+00 : f32
      %add3A_266 = arith.addf %select_n3A_244, %add3A_265 : f32
      %jit3A_267 = arith.constant 1.000000e+00 : f32
      %select_n3A_268 = arith.select %ne3A_260, %jit3A_267, %add3A_266 : f32
      %add3A_269 = arith.addf %select_n3A_246, %get3A_259 : vector<16xf32>
      %select_n3A_270 = arith.select %ne3A_260, %get3A_259, %add3A_269 : vector<16xf32>
      %add3A_271 = arith.addf %select_n3A_248, %mul3A_264 : vector<16xf32>
      %select_n3A_272 = arith.select %ne3A_260, %mul3A_264, %add3A_271 : vector<16xf32>
      %max3A_273 = arith.maximumf %select_n3A_250, %get3A_259 : vector<16xf32>
      %select_n3A_274 = arith.select %ne3A_260, %get3A_259, %max3A_273 : vector<16xf32>
      %min3A_275 = arith.minimumf %select_n3A_252, %get3A_259 : vector<16xf32>
      %select_n3A_276 = arith.select %ne3A_260, %get3A_259, %min3A_275 : vector<16xf32>
      %slice3A_277 = vector.extract_strided_slice %get3A_158 {offsets = [5], sizes = [1], strides = [1]} : vector<16xi32> to vector<1xi32>
      %squeeze3A_278 = vector.extract %slice3A_277[0] : i32 from vector<1xi32>
      %add3A_279 = arith.constant 5 : i32
      %add3A_280 = arith.addi %mul3A_156, %add3A_279 : i32
      %get3A_281 = arith.index_cast %add3A_280 : i32 to index
      %get3A_282 = arith.constant 0 : index
      %get3A_283 = tpu.vector_load %arg9[%get3A_281, %get3A_282] {strides = array<i32>} : memref<2512x16xf32, #tpu.memory_space<vmem>>, vector<16xf32>,
      %ne3A_284 = arith.cmpi ne, %squeeze3A_278, %squeeze3A_254 : i32
      %broadcast_in_dim3A_285 = vector.broadcast %ne3A_284 : i1 to vector<16xi1>
      %broadcast_in_dim3A_286 = vector.broadcast %squeeze3A_254 : i32 to vector<16xi32>
      tpu.vector_store_idx %arg11[%broadcast_in_dim3A_286, %iota3A], %select_n3A_270 masked %broadcast_in_dim3A_285 : memref<512x16xf32, #tpu.memory_space<vmem>>[vector<16xi32>, vector<16xi32>], vector<16xf32>, vector<16xi1>
      tpu.vector_store_idx %arg12[%broadcast_in_dim3A_286, %iota3A], %select_n3A_272 masked %broadcast_in_dim3A_285 : memref<512x16xf32, #tpu.memory_space<vmem>>[vector<16xi32>, vector<16xi32>], vector<16xf32>, vector<16xi1>
      tpu.vector_store_idx %arg13[%broadcast_in_dim3A_286, %iota3A], %select_n3A_274 masked %broadcast_in_dim3A_285 : memref<512x16xf32, #tpu.memory_space<vmem>>[vector<16xi32>, vector<16xi32>], vector<16xf32>, vector<16xi1>
      tpu.vector_store_idx %arg14[%broadcast_in_dim3A_286, %iota3A], %select_n3A_276 masked %broadcast_in_dim3A_285 : memref<512x16xf32, #tpu.memory_space<vmem>>[vector<16xi32>, vector<16xi32>], vector<16xf32>, vector<16xi1>
      %broadcast_in_dim3A_287 = vector.broadcast %select_n3A_268 : f32 to vector<16xf32>
      tpu.vector_store_idx %arg15[%broadcast_in_dim3A_286, %iota3A], %broadcast_in_dim3A_287 masked %broadcast_in_dim3A_285 : memref<520x16xf32, #tpu.memory_space<vmem>>[vector<16xi32>, vector<16xi32>], vector<16xf32>, vector<16xi1>
      %mul3A_288 = arith.mulf %get3A_283, %get3A_283 : vector<16xf32>
      %add3A_289 = arith.constant 1.000000e+00 : f32
      %add3A_290 = arith.addf %select_n3A_268, %add3A_289 : f32
      %jit3A_291 = arith.constant 1.000000e+00 : f32
      %select_n3A_292 = arith.select %ne3A_284, %jit3A_291, %add3A_290 : f32
      %add3A_293 = arith.addf %select_n3A_270, %get3A_283 : vector<16xf32>
      %select_n3A_294 = arith.select %ne3A_284, %get3A_283, %add3A_293 : vector<16xf32>
      %add3A_295 = arith.addf %select_n3A_272, %mul3A_288 : vector<16xf32>
      %select_n3A_296 = arith.select %ne3A_284, %mul3A_288, %add3A_295 : vector<16xf32>
      %max3A_297 = arith.maximumf %select_n3A_274, %get3A_283 : vector<16xf32>
      %select_n3A_298 = arith.select %ne3A_284, %get3A_283, %max3A_297 : vector<16xf32>
      %min3A_299 = arith.minimumf %select_n3A_276, %get3A_283 : vector<16xf32>
      %select_n3A_300 = arith.select %ne3A_284, %get3A_283, %min3A_299 : vector<16xf32>
      %slice3A_301 = vector.extract_strided_slice %get3A_158 {offsets = [6], sizes = [1], strides = [1]} : vector<16xi32> to vector<1xi32>
      %squeeze3A_302 = vector.extract %slice3A_301[0] : i32 from vector<1xi32>
      %add3A_303 = arith.constant 6 : i32
      %add3A_304 = arith.addi %mul3A_156, %add3A_303 : i32
      %get3A_305 = arith.index_cast %add3A_304 : i32 to index
      %get3A_306 = arith.constant 0 : index
      %get3A_307 = tpu.vector_load %arg9[%get3A_305, %get3A_306] {strides = array<i32>} : memref<2512x16xf32, #tpu.memory_space<vmem>>, vector<16xf32>,
      %ne3A_308 = arith.cmpi ne, %squeeze3A_302, %squeeze3A_278 : i32
      %broadcast_in_dim3A_309 = vector.broadcast %ne3A_308 : i1 to vector<16xi1>
      %broadcast_in_dim3A_310 = vector.broadcast %squeeze3A_278 : i32 to vector<16xi32>
      tpu.vector_store_idx %arg11[%broadcast_in_dim3A_310, %iota3A], %select_n3A_294 masked %broadcast_in_dim3A_309 : memref<512x16xf32, #tpu.memory_space<vmem>>[vector<16xi32>, vector<16xi32>], vector<16xf32>, vector<16xi1>
      tpu.vector_store_idx %arg12[%broadcast_in_dim3A_310, %iota3A], %select_n3A_296 masked %broadcast_in_dim3A_309 : memref<512x16xf32, #tpu.memory_space<vmem>>[vector<16xi32>, vector<16xi32>], vector<16xf32>, vector<16xi1>
      tpu.vector_store_idx %arg13[%broadcast_in_dim3A_310, %iota3A], %select_n3A_298 masked %broadcast_in_dim3A_309 : memref<512x16xf32, #tpu.memory_space<vmem>>[vector<16xi32>, vector<16xi32>], vector<16xf32>, vector<16xi1>
      tpu.vector_store_idx %arg14[%broadcast_in_dim3A_310, %iota3A], %select_n3A_300 masked %broadcast_in_dim3A_309 : memref<512x16xf32, #tpu.memory_space<vmem>>[vector<16xi32>, vector<16xi32>], vector<16xf32>, vector<16xi1>
      %broadcast_in_dim3A_311 = vector.broadcast %select_n3A_292 : f32 to vector<16xf32>
      tpu.vector_store_idx %arg15[%broadcast_in_dim3A_310, %iota3A], %broadcast_in_dim3A_311 masked %broadcast_in_dim3A_309 : memref<520x16xf32, #tpu.memory_space<vmem>>[vector<16xi32>, vector<16xi32>], vector<16xf32>, vector<16xi1>
      %mul3A_312 = arith.mulf %get3A_307, %get3A_307 : vector<16xf32>
      %add3A_313 = arith.constant 1.000000e+00 : f32
      %add3A_314 = arith.addf %select_n3A_292, %add3A_313 : f32
      %jit3A_315 = arith.constant 1.000000e+00 : f32
      %select_n3A_316 = arith.select %ne3A_308, %jit3A_315, %add3A_314 : f32
      %add3A_317 = arith.addf %select_n3A_294, %get3A_307 : vector<16xf32>
      %select_n3A_318 = arith.select %ne3A_308, %get3A_307, %add3A_317 : vector<16xf32>
      %add3A_319 = arith.addf %select_n3A_296, %mul3A_312 : vector<16xf32>
      %select_n3A_320 = arith.select %ne3A_308, %mul3A_312, %add3A_319 : vector<16xf32>
      %max3A_321 = arith.maximumf %select_n3A_298, %get3A_307 : vector<16xf32>
      %select_n3A_322 = arith.select %ne3A_308, %get3A_307, %max3A_321 : vector<16xf32>
      %min3A_323 = arith.minimumf %select_n3A_300, %get3A_307 : vector<16xf32>
      %select_n3A_324 = arith.select %ne3A_308, %get3A_307, %min3A_323 : vector<16xf32>
      %slice3A_325 = vector.extract_strided_slice %get3A_158 {offsets = [7], sizes = [1], strides = [1]} : vector<16xi32> to vector<1xi32>
      %squeeze3A_326 = vector.extract %slice3A_325[0] : i32 from vector<1xi32>
      %add3A_327 = arith.constant 7 : i32
      %add3A_328 = arith.addi %mul3A_156, %add3A_327 : i32
      %get3A_329 = arith.index_cast %add3A_328 : i32 to index
      %get3A_330 = arith.constant 0 : index
      %get3A_331 = tpu.vector_load %arg9[%get3A_329, %get3A_330] {strides = array<i32>} : memref<2512x16xf32, #tpu.memory_space<vmem>>, vector<16xf32>,
      %ne3A_332 = arith.cmpi ne, %squeeze3A_326, %squeeze3A_302 : i32
      %broadcast_in_dim3A_333 = vector.broadcast %ne3A_332 : i1 to vector<16xi1>
      %broadcast_in_dim3A_334 = vector.broadcast %squeeze3A_302 : i32 to vector<16xi32>
      tpu.vector_store_idx %arg11[%broadcast_in_dim3A_334, %iota3A], %select_n3A_318 masked %broadcast_in_dim3A_333 : memref<512x16xf32, #tpu.memory_space<vmem>>[vector<16xi32>, vector<16xi32>], vector<16xf32>, vector<16xi1>
      tpu.vector_store_idx %arg12[%broadcast_in_dim3A_334, %iota3A], %select_n3A_320 masked %broadcast_in_dim3A_333 : memref<512x16xf32, #tpu.memory_space<vmem>>[vector<16xi32>, vector<16xi32>], vector<16xf32>, vector<16xi1>
      tpu.vector_store_idx %arg13[%broadcast_in_dim3A_334, %iota3A], %select_n3A_322 masked %broadcast_in_dim3A_333 : memref<512x16xf32, #tpu.memory_space<vmem>>[vector<16xi32>, vector<16xi32>], vector<16xf32>, vector<16xi1>
      tpu.vector_store_idx %arg14[%broadcast_in_dim3A_334, %iota3A], %select_n3A_324 masked %broadcast_in_dim3A_333 : memref<512x16xf32, #tpu.memory_space<vmem>>[vector<16xi32>, vector<16xi32>], vector<16xf32>, vector<16xi1>
      %broadcast_in_dim3A_335 = vector.broadcast %select_n3A_316 : f32 to vector<16xf32>
      tpu.vector_store_idx %arg15[%broadcast_in_dim3A_334, %iota3A], %broadcast_in_dim3A_335 masked %broadcast_in_dim3A_333 : memref<520x16xf32, #tpu.memory_space<vmem>>[vector<16xi32>, vector<16xi32>], vector<16xf32>, vector<16xi1>
      %mul3A_336 = arith.mulf %get3A_331, %get3A_331 : vector<16xf32>
      %add3A_337 = arith.constant 1.000000e+00 : f32
      %add3A_338 = arith.addf %select_n3A_316, %add3A_337 : f32
      %jit3A_339 = arith.constant 1.000000e+00 : f32
      %select_n3A_340 = arith.select %ne3A_332, %jit3A_339, %add3A_338 : f32
      %add3A_341 = arith.addf %select_n3A_318, %get3A_331 : vector<16xf32>
      %select_n3A_342 = arith.select %ne3A_332, %get3A_331, %add3A_341 : vector<16xf32>
      %add3A_343 = arith.addf %select_n3A_320, %mul3A_336 : vector<16xf32>
      %select_n3A_344 = arith.select %ne3A_332, %mul3A_336, %add3A_343 : vector<16xf32>
      %max3A_345 = arith.maximumf %select_n3A_322, %get3A_331 : vector<16xf32>
      %select_n3A_346 = arith.select %ne3A_332, %get3A_331, %max3A_345 : vector<16xf32>
      %min3A_347 = arith.minimumf %select_n3A_324, %get3A_331 : vector<16xf32>
      %select_n3A_348 = arith.select %ne3A_332, %get3A_331, %min3A_347 : vector<16xf32>
      %slice3A_349 = vector.extract_strided_slice %get3A_158 {offsets = [8], sizes = [1], strides = [1]} : vector<16xi32> to vector<1xi32>
      %squeeze3A_350 = vector.extract %slice3A_349[0] : i32 from vector<1xi32>
      %add3A_351 = arith.constant 8 : i32
      %add3A_352 = arith.addi %mul3A_156, %add3A_351 : i32
      %get3A_353 = arith.index_cast %add3A_352 : i32 to index
      %get3A_354 = arith.constant 0 : index
      %get3A_355 = tpu.vector_load %arg9[%get3A_353, %get3A_354] {strides = array<i32>} : memref<2512x16xf32, #tpu.memory_space<vmem>>, vector<16xf32>,
      %ne3A_356 = arith.cmpi ne, %squeeze3A_350, %squeeze3A_326 : i32
      %broadcast_in_dim3A_357 = vector.broadcast %ne3A_356 : i1 to vector<16xi1>
      %broadcast_in_dim3A_358 = vector.broadcast %squeeze3A_326 : i32 to vector<16xi32>
      tpu.vector_store_idx %arg11[%broadcast_in_dim3A_358, %iota3A], %select_n3A_342 masked %broadcast_in_dim3A_357 : memref<512x16xf32, #tpu.memory_space<vmem>>[vector<16xi32>, vector<16xi32>], vector<16xf32>, vector<16xi1>
      tpu.vector_store_idx %arg12[%broadcast_in_dim3A_358, %iota3A], %select_n3A_344 masked %broadcast_in_dim3A_357 : memref<512x16xf32, #tpu.memory_space<vmem>>[vector<16xi32>, vector<16xi32>], vector<16xf32>, vector<16xi1>
      tpu.vector_store_idx %arg13[%broadcast_in_dim3A_358, %iota3A], %select_n3A_346 masked %broadcast_in_dim3A_357 : memref<512x16xf32, #tpu.memory_space<vmem>>[vector<16xi32>, vector<16xi32>], vector<16xf32>, vector<16xi1>
      tpu.vector_store_idx %arg14[%broadcast_in_dim3A_358, %iota3A], %select_n3A_348 masked %broadcast_in_dim3A_357 : memref<512x16xf32, #tpu.memory_space<vmem>>[vector<16xi32>, vector<16xi32>], vector<16xf32>, vector<16xi1>
      %broadcast_in_dim3A_359 = vector.broadcast %select_n3A_340 : f32 to vector<16xf32>
      tpu.vector_store_idx %arg15[%broadcast_in_dim3A_358, %iota3A], %broadcast_in_dim3A_359 masked %broadcast_in_dim3A_357 : memref<520x16xf32, #tpu.memory_space<vmem>>[vector<16xi32>, vector<16xi32>], vector<16xf32>, vector<16xi1>
      %mul3A_360 = arith.mulf %get3A_355, %get3A_355 : vector<16xf32>
      %add3A_361 = arith.constant 1.000000e+00 : f32
      %add3A_362 = arith.addf %select_n3A_340, %add3A_361 : f32
      %jit3A_363 = arith.constant 1.000000e+00 : f32
      %select_n3A_364 = arith.select %ne3A_356, %jit3A_363, %add3A_362 : f32
      %add3A_365 = arith.addf %select_n3A_342, %get3A_355 : vector<16xf32>
      %select_n3A_366 = arith.select %ne3A_356, %get3A_355, %add3A_365 : vector<16xf32>
      %add3A_367 = arith.addf %select_n3A_344, %mul3A_360 : vector<16xf32>
      %select_n3A_368 = arith.select %ne3A_356, %mul3A_360, %add3A_367 : vector<16xf32>
      %max3A_369 = arith.maximumf %select_n3A_346, %get3A_355 : vector<16xf32>
      %select_n3A_370 = arith.select %ne3A_356, %get3A_355, %max3A_369 : vector<16xf32>
      %min3A_371 = arith.minimumf %select_n3A_348, %get3A_355 : vector<16xf32>
      %select_n3A_372 = arith.select %ne3A_356, %get3A_355, %min3A_371 : vector<16xf32>
      %slice3A_373 = vector.extract_strided_slice %get3A_158 {offsets = [9], sizes = [1], strides = [1]} : vector<16xi32> to vector<1xi32>
      %squeeze3A_374 = vector.extract %slice3A_373[0] : i32 from vector<1xi32>
      %add3A_375 = arith.constant 9 : i32
      %add3A_376 = arith.addi %mul3A_156, %add3A_375 : i32
      %get3A_377 = arith.index_cast %add3A_376 : i32 to index
      %get3A_378 = arith.constant 0 : index
      %get3A_379 = tpu.vector_load %arg9[%get3A_377, %get3A_378] {strides = array<i32>} : memref<2512x16xf32, #tpu.memory_space<vmem>>, vector<16xf32>,
      %ne3A_380 = arith.cmpi ne, %squeeze3A_374, %squeeze3A_350 : i32
      %broadcast_in_dim3A_381 = vector.broadcast %ne3A_380 : i1 to vector<16xi1>
      %broadcast_in_dim3A_382 = vector.broadcast %squeeze3A_350 : i32 to vector<16xi32>
      tpu.vector_store_idx %arg11[%broadcast_in_dim3A_382, %iota3A], %select_n3A_366 masked %broadcast_in_dim3A_381 : memref<512x16xf32, #tpu.memory_space<vmem>>[vector<16xi32>, vector<16xi32>], vector<16xf32>, vector<16xi1>
      tpu.vector_store_idx %arg12[%broadcast_in_dim3A_382, %iota3A], %select_n3A_368 masked %broadcast_in_dim3A_381 : memref<512x16xf32, #tpu.memory_space<vmem>>[vector<16xi32>, vector<16xi32>], vector<16xf32>, vector<16xi1>
      tpu.vector_store_idx %arg13[%broadcast_in_dim3A_382, %iota3A], %select_n3A_370 masked %broadcast_in_dim3A_381 : memref<512x16xf32, #tpu.memory_space<vmem>>[vector<16xi32>, vector<16xi32>], vector<16xf32>, vector<16xi1>
      tpu.vector_store_idx %arg14[%broadcast_in_dim3A_382, %iota3A], %select_n3A_372 masked %broadcast_in_dim3A_381 : memref<512x16xf32, #tpu.memory_space<vmem>>[vector<16xi32>, vector<16xi32>], vector<16xf32>, vector<16xi1>
      %broadcast_in_dim3A_383 = vector.broadcast %select_n3A_364 : f32 to vector<16xf32>
      tpu.vector_store_idx %arg15[%broadcast_in_dim3A_382, %iota3A], %broadcast_in_dim3A_383 masked %broadcast_in_dim3A_381 : memref<520x16xf32, #tpu.memory_space<vmem>>[vector<16xi32>, vector<16xi32>], vector<16xf32>, vector<16xi1>
      %mul3A_384 = arith.mulf %get3A_379, %get3A_379 : vector<16xf32>
      %add3A_385 = arith.constant 1.000000e+00 : f32
      %add3A_386 = arith.addf %select_n3A_364, %add3A_385 : f32
      %jit3A_387 = arith.constant 1.000000e+00 : f32
      %select_n3A_388 = arith.select %ne3A_380, %jit3A_387, %add3A_386 : f32
      %add3A_389 = arith.addf %select_n3A_366, %get3A_379 : vector<16xf32>
      %select_n3A_390 = arith.select %ne3A_380, %get3A_379, %add3A_389 : vector<16xf32>
      %add3A_391 = arith.addf %select_n3A_368, %mul3A_384 : vector<16xf32>
      %select_n3A_392 = arith.select %ne3A_380, %mul3A_384, %add3A_391 : vector<16xf32>
      %max3A_393 = arith.maximumf %select_n3A_370, %get3A_379 : vector<16xf32>
      %select_n3A_394 = arith.select %ne3A_380, %get3A_379, %max3A_393 : vector<16xf32>
      %min3A_395 = arith.minimumf %select_n3A_372, %get3A_379 : vector<16xf32>
      %select_n3A_396 = arith.select %ne3A_380, %get3A_379, %min3A_395 : vector<16xf32>
      %slice3A_397 = vector.extract_strided_slice %get3A_158 {offsets = [10], sizes = [1], strides = [1]} : vector<16xi32> to vector<1xi32>
      %squeeze3A_398 = vector.extract %slice3A_397[0] : i32 from vector<1xi32>
      %add3A_399 = arith.constant 10 : i32
      %add3A_400 = arith.addi %mul3A_156, %add3A_399 : i32
      %get3A_401 = arith.index_cast %add3A_400 : i32 to index
      %get3A_402 = arith.constant 0 : index
      %get3A_403 = tpu.vector_load %arg9[%get3A_401, %get3A_402] {strides = array<i32>} : memref<2512x16xf32, #tpu.memory_space<vmem>>, vector<16xf32>,
      %ne3A_404 = arith.cmpi ne, %squeeze3A_398, %squeeze3A_374 : i32
      %broadcast_in_dim3A_405 = vector.broadcast %ne3A_404 : i1 to vector<16xi1>
      %broadcast_in_dim3A_406 = vector.broadcast %squeeze3A_374 : i32 to vector<16xi32>
      tpu.vector_store_idx %arg11[%broadcast_in_dim3A_406, %iota3A], %select_n3A_390 masked %broadcast_in_dim3A_405 : memref<512x16xf32, #tpu.memory_space<vmem>>[vector<16xi32>, vector<16xi32>], vector<16xf32>, vector<16xi1>
      tpu.vector_store_idx %arg12[%broadcast_in_dim3A_406, %iota3A], %select_n3A_392 masked %broadcast_in_dim3A_405 : memref<512x16xf32, #tpu.memory_space<vmem>>[vector<16xi32>, vector<16xi32>], vector<16xf32>, vector<16xi1>
      tpu.vector_store_idx %arg13[%broadcast_in_dim3A_406, %iota3A], %select_n3A_394 masked %broadcast_in_dim3A_405 : memref<512x16xf32, #tpu.memory_space<vmem>>[vector<16xi32>, vector<16xi32>], vector<16xf32>, vector<16xi1>
      tpu.vector_store_idx %arg14[%broadcast_in_dim3A_406, %iota3A], %select_n3A_396 masked %broadcast_in_dim3A_405 : memref<512x16xf32, #tpu.memory_space<vmem>>[vector<16xi32>, vector<16xi32>], vector<16xf32>, vector<16xi1>
      %broadcast_in_dim3A_407 = vector.broadcast %select_n3A_388 : f32 to vector<16xf32>
      tpu.vector_store_idx %arg15[%broadcast_in_dim3A_406, %iota3A], %broadcast_in_dim3A_407 masked %broadcast_in_dim3A_405 : memref<520x16xf32, #tpu.memory_space<vmem>>[vector<16xi32>, vector<16xi32>], vector<16xf32>, vector<16xi1>
      %mul3A_408 = arith.mulf %get3A_403, %get3A_403 : vector<16xf32>
      %add3A_409 = arith.constant 1.000000e+00 : f32
      %add3A_410 = arith.addf %select_n3A_388, %add3A_409 : f32
      %jit3A_411 = arith.constant 1.000000e+00 : f32
      %select_n3A_412 = arith.select %ne3A_404, %jit3A_411, %add3A_410 : f32
      %add3A_413 = arith.addf %select_n3A_390, %get3A_403 : vector<16xf32>
      %select_n3A_414 = arith.select %ne3A_404, %get3A_403, %add3A_413 : vector<16xf32>
      %add3A_415 = arith.addf %select_n3A_392, %mul3A_408 : vector<16xf32>
      %select_n3A_416 = arith.select %ne3A_404, %mul3A_408, %add3A_415 : vector<16xf32>
      %max3A_417 = arith.maximumf %select_n3A_394, %get3A_403 : vector<16xf32>
      %select_n3A_418 = arith.select %ne3A_404, %get3A_403, %max3A_417 : vector<16xf32>
      %min3A_419 = arith.minimumf %select_n3A_396, %get3A_403 : vector<16xf32>
      %select_n3A_420 = arith.select %ne3A_404, %get3A_403, %min3A_419 : vector<16xf32>
      %slice3A_421 = vector.extract_strided_slice %get3A_158 {offsets = [11], sizes = [1], strides = [1]} : vector<16xi32> to vector<1xi32>
      %squeeze3A_422 = vector.extract %slice3A_421[0] : i32 from vector<1xi32>
      %add3A_423 = arith.constant 11 : i32
      %add3A_424 = arith.addi %mul3A_156, %add3A_423 : i32
      %get3A_425 = arith.index_cast %add3A_424 : i32 to index
      %get3A_426 = arith.constant 0 : index
      %get3A_427 = tpu.vector_load %arg9[%get3A_425, %get3A_426] {strides = array<i32>} : memref<2512x16xf32, #tpu.memory_space<vmem>>, vector<16xf32>,
      %ne3A_428 = arith.cmpi ne, %squeeze3A_422, %squeeze3A_398 : i32
      %broadcast_in_dim3A_429 = vector.broadcast %ne3A_428 : i1 to vector<16xi1>
      %broadcast_in_dim3A_430 = vector.broadcast %squeeze3A_398 : i32 to vector<16xi32>
      tpu.vector_store_idx %arg11[%broadcast_in_dim3A_430, %iota3A], %select_n3A_414 masked %broadcast_in_dim3A_429 : memref<512x16xf32, #tpu.memory_space<vmem>>[vector<16xi32>, vector<16xi32>], vector<16xf32>, vector<16xi1>
      tpu.vector_store_idx %arg12[%broadcast_in_dim3A_430, %iota3A], %select_n3A_416 masked %broadcast_in_dim3A_429 : memref<512x16xf32, #tpu.memory_space<vmem>>[vector<16xi32>, vector<16xi32>], vector<16xf32>, vector<16xi1>
      tpu.vector_store_idx %arg13[%broadcast_in_dim3A_430, %iota3A], %select_n3A_418 masked %broadcast_in_dim3A_429 : memref<512x16xf32, #tpu.memory_space<vmem>>[vector<16xi32>, vector<16xi32>], vector<16xf32>, vector<16xi1>
      tpu.vector_store_idx %arg14[%broadcast_in_dim3A_430, %iota3A], %select_n3A_420 masked %broadcast_in_dim3A_429 : memref<512x16xf32, #tpu.memory_space<vmem>>[vector<16xi32>, vector<16xi32>], vector<16xf32>, vector<16xi1>
      %broadcast_in_dim3A_431 = vector.broadcast %select_n3A_412 : f32 to vector<16xf32>
      tpu.vector_store_idx %arg15[%broadcast_in_dim3A_430, %iota3A], %broadcast_in_dim3A_431 masked %broadcast_in_dim3A_429 : memref<520x16xf32, #tpu.memory_space<vmem>>[vector<16xi32>, vector<16xi32>], vector<16xf32>, vector<16xi1>
      %mul3A_432 = arith.mulf %get3A_427, %get3A_427 : vector<16xf32>
      %add3A_433 = arith.constant 1.000000e+00 : f32
      %add3A_434 = arith.addf %select_n3A_412, %add3A_433 : f32
      %jit3A_435 = arith.constant 1.000000e+00 : f32
      %select_n3A_436 = arith.select %ne3A_428, %jit3A_435, %add3A_434 : f32
      %add3A_437 = arith.addf %select_n3A_414, %get3A_427 : vector<16xf32>
      %select_n3A_438 = arith.select %ne3A_428, %get3A_427, %add3A_437 : vector<16xf32>
      %add3A_439 = arith.addf %select_n3A_416, %mul3A_432 : vector<16xf32>
      %select_n3A_440 = arith.select %ne3A_428, %mul3A_432, %add3A_439 : vector<16xf32>
      %max3A_441 = arith.maximumf %select_n3A_418, %get3A_427 : vector<16xf32>
      %select_n3A_442 = arith.select %ne3A_428, %get3A_427, %max3A_441 : vector<16xf32>
      %min3A_443 = arith.minimumf %select_n3A_420, %get3A_427 : vector<16xf32>
      %select_n3A_444 = arith.select %ne3A_428, %get3A_427, %min3A_443 : vector<16xf32>
      %slice3A_445 = vector.extract_strided_slice %get3A_158 {offsets = [12], sizes = [1], strides = [1]} : vector<16xi32> to vector<1xi32>
      %squeeze3A_446 = vector.extract %slice3A_445[0] : i32 from vector<1xi32>
      %add3A_447 = arith.constant 12 : i32
      %add3A_448 = arith.addi %mul3A_156, %add3A_447 : i32
      %get3A_449 = arith.index_cast %add3A_448 : i32 to index
      %get3A_450 = arith.constant 0 : index
      %get3A_451 = tpu.vector_load %arg9[%get3A_449, %get3A_450] {strides = array<i32>} : memref<2512x16xf32, #tpu.memory_space<vmem>>, vector<16xf32>,
      %ne3A_452 = arith.cmpi ne, %squeeze3A_446, %squeeze3A_422 : i32
      %broadcast_in_dim3A_453 = vector.broadcast %ne3A_452 : i1 to vector<16xi1>
      %broadcast_in_dim3A_454 = vector.broadcast %squeeze3A_422 : i32 to vector<16xi32>
      tpu.vector_store_idx %arg11[%broadcast_in_dim3A_454, %iota3A], %select_n3A_438 masked %broadcast_in_dim3A_453 : memref<512x16xf32, #tpu.memory_space<vmem>>[vector<16xi32>, vector<16xi32>], vector<16xf32>, vector<16xi1>
      tpu.vector_store_idx %arg12[%broadcast_in_dim3A_454, %iota3A], %select_n3A_440 masked %broadcast_in_dim3A_453 : memref<512x16xf32, #tpu.memory_space<vmem>>[vector<16xi32>, vector<16xi32>], vector<16xf32>, vector<16xi1>
      tpu.vector_store_idx %arg13[%broadcast_in_dim3A_454, %iota3A], %select_n3A_442 masked %broadcast_in_dim3A_453 : memref<512x16xf32, #tpu.memory_space<vmem>>[vector<16xi32>, vector<16xi32>], vector<16xf32>, vector<16xi1>
      tpu.vector_store_idx %arg14[%broadcast_in_dim3A_454, %iota3A], %select_n3A_444 masked %broadcast_in_dim3A_453 : memref<512x16xf32, #tpu.memory_space<vmem>>[vector<16xi32>, vector<16xi32>], vector<16xf32>, vector<16xi1>
      %broadcast_in_dim3A_455 = vector.broadcast %select_n3A_436 : f32 to vector<16xf32>
      tpu.vector_store_idx %arg15[%broadcast_in_dim3A_454, %iota3A], %broadcast_in_dim3A_455 masked %broadcast_in_dim3A_453 : memref<520x16xf32, #tpu.memory_space<vmem>>[vector<16xi32>, vector<16xi32>], vector<16xf32>, vector<16xi1>
      %mul3A_456 = arith.mulf %get3A_451, %get3A_451 : vector<16xf32>
      %add3A_457 = arith.constant 1.000000e+00 : f32
      %add3A_458 = arith.addf %select_n3A_436, %add3A_457 : f32
      %jit3A_459 = arith.constant 1.000000e+00 : f32
      %select_n3A_460 = arith.select %ne3A_452, %jit3A_459, %add3A_458 : f32
      %add3A_461 = arith.addf %select_n3A_438, %get3A_451 : vector<16xf32>
      %select_n3A_462 = arith.select %ne3A_452, %get3A_451, %add3A_461 : vector<16xf32>
      %add3A_463 = arith.addf %select_n3A_440, %mul3A_456 : vector<16xf32>
      %select_n3A_464 = arith.select %ne3A_452, %mul3A_456, %add3A_463 : vector<16xf32>
      %max3A_465 = arith.maximumf %select_n3A_442, %get3A_451 : vector<16xf32>
      %select_n3A_466 = arith.select %ne3A_452, %get3A_451, %max3A_465 : vector<16xf32>
      %min3A_467 = arith.minimumf %select_n3A_444, %get3A_451 : vector<16xf32>
      %select_n3A_468 = arith.select %ne3A_452, %get3A_451, %min3A_467 : vector<16xf32>
      %slice3A_469 = vector.extract_strided_slice %get3A_158 {offsets = [13], sizes = [1], strides = [1]} : vector<16xi32> to vector<1xi32>
      %squeeze3A_470 = vector.extract %slice3A_469[0] : i32 from vector<1xi32>
      %add3A_471 = arith.constant 13 : i32
      %add3A_472 = arith.addi %mul3A_156, %add3A_471 : i32
      %get3A_473 = arith.index_cast %add3A_472 : i32 to index
      %get3A_474 = arith.constant 0 : index
      %get3A_475 = tpu.vector_load %arg9[%get3A_473, %get3A_474] {strides = array<i32>} : memref<2512x16xf32, #tpu.memory_space<vmem>>, vector<16xf32>,
      %ne3A_476 = arith.cmpi ne, %squeeze3A_470, %squeeze3A_446 : i32
      %broadcast_in_dim3A_477 = vector.broadcast %ne3A_476 : i1 to vector<16xi1>
      %broadcast_in_dim3A_478 = vector.broadcast %squeeze3A_446 : i32 to vector<16xi32>
      tpu.vector_store_idx %arg11[%broadcast_in_dim3A_478, %iota3A], %select_n3A_462 masked %broadcast_in_dim3A_477 : memref<512x16xf32, #tpu.memory_space<vmem>>[vector<16xi32>, vector<16xi32>], vector<16xf32>, vector<16xi1>
      tpu.vector_store_idx %arg12[%broadcast_in_dim3A_478, %iota3A], %select_n3A_464 masked %broadcast_in_dim3A_477 : memref<512x16xf32, #tpu.memory_space<vmem>>[vector<16xi32>, vector<16xi32>], vector<16xf32>, vector<16xi1>
      tpu.vector_store_idx %arg13[%broadcast_in_dim3A_478, %iota3A], %select_n3A_466 masked %broadcast_in_dim3A_477 : memref<512x16xf32, #tpu.memory_space<vmem>>[vector<16xi32>, vector<16xi32>], vector<16xf32>, vector<16xi1>
      tpu.vector_store_idx %arg14[%broadcast_in_dim3A_478, %iota3A], %select_n3A_468 masked %broadcast_in_dim3A_477 : memref<512x16xf32, #tpu.memory_space<vmem>>[vector<16xi32>, vector<16xi32>], vector<16xf32>, vector<16xi1>
      %broadcast_in_dim3A_479 = vector.broadcast %select_n3A_460 : f32 to vector<16xf32>
      tpu.vector_store_idx %arg15[%broadcast_in_dim3A_478, %iota3A], %broadcast_in_dim3A_479 masked %broadcast_in_dim3A_477 : memref<520x16xf32, #tpu.memory_space<vmem>>[vector<16xi32>, vector<16xi32>], vector<16xf32>, vector<16xi1>
      %mul3A_480 = arith.mulf %get3A_475, %get3A_475 : vector<16xf32>
      %add3A_481 = arith.constant 1.000000e+00 : f32
      %add3A_482 = arith.addf %select_n3A_460, %add3A_481 : f32
      %jit3A_483 = arith.constant 1.000000e+00 : f32
      %select_n3A_484 = arith.select %ne3A_476, %jit3A_483, %add3A_482 : f32
      %add3A_485 = arith.addf %select_n3A_462, %get3A_475 : vector<16xf32>
      %select_n3A_486 = arith.select %ne3A_476, %get3A_475, %add3A_485 : vector<16xf32>
      %add3A_487 = arith.addf %select_n3A_464, %mul3A_480 : vector<16xf32>
      %select_n3A_488 = arith.select %ne3A_476, %mul3A_480, %add3A_487 : vector<16xf32>
      %max3A_489 = arith.maximumf %select_n3A_466, %get3A_475 : vector<16xf32>
      %select_n3A_490 = arith.select %ne3A_476, %get3A_475, %max3A_489 : vector<16xf32>
      %min3A_491 = arith.minimumf %select_n3A_468, %get3A_475 : vector<16xf32>
      %select_n3A_492 = arith.select %ne3A_476, %get3A_475, %min3A_491 : vector<16xf32>
      %slice3A_493 = vector.extract_strided_slice %get3A_158 {offsets = [14], sizes = [1], strides = [1]} : vector<16xi32> to vector<1xi32>
      %squeeze3A_494 = vector.extract %slice3A_493[0] : i32 from vector<1xi32>
      %add3A_495 = arith.constant 14 : i32
      %add3A_496 = arith.addi %mul3A_156, %add3A_495 : i32
      %get3A_497 = arith.index_cast %add3A_496 : i32 to index
      %get3A_498 = arith.constant 0 : index
      %get3A_499 = tpu.vector_load %arg9[%get3A_497, %get3A_498] {strides = array<i32>} : memref<2512x16xf32, #tpu.memory_space<vmem>>, vector<16xf32>,
      %ne3A_500 = arith.cmpi ne, %squeeze3A_494, %squeeze3A_470 : i32
      %broadcast_in_dim3A_501 = vector.broadcast %ne3A_500 : i1 to vector<16xi1>
      %broadcast_in_dim3A_502 = vector.broadcast %squeeze3A_470 : i32 to vector<16xi32>
      tpu.vector_store_idx %arg11[%broadcast_in_dim3A_502, %iota3A], %select_n3A_486 masked %broadcast_in_dim3A_501 : memref<512x16xf32, #tpu.memory_space<vmem>>[vector<16xi32>, vector<16xi32>], vector<16xf32>, vector<16xi1>
      tpu.vector_store_idx %arg12[%broadcast_in_dim3A_502, %iota3A], %select_n3A_488 masked %broadcast_in_dim3A_501 : memref<512x16xf32, #tpu.memory_space<vmem>>[vector<16xi32>, vector<16xi32>], vector<16xf32>, vector<16xi1>
      tpu.vector_store_idx %arg13[%broadcast_in_dim3A_502, %iota3A], %select_n3A_490 masked %broadcast_in_dim3A_501 : memref<512x16xf32, #tpu.memory_space<vmem>>[vector<16xi32>, vector<16xi32>], vector<16xf32>, vector<16xi1>
      tpu.vector_store_idx %arg14[%broadcast_in_dim3A_502, %iota3A], %select_n3A_492 masked %broadcast_in_dim3A_501 : memref<512x16xf32, #tpu.memory_space<vmem>>[vector<16xi32>, vector<16xi32>], vector<16xf32>, vector<16xi1>
      %broadcast_in_dim3A_503 = vector.broadcast %select_n3A_484 : f32 to vector<16xf32>
      tpu.vector_store_idx %arg15[%broadcast_in_dim3A_502, %iota3A], %broadcast_in_dim3A_503 masked %broadcast_in_dim3A_501 : memref<520x16xf32, #tpu.memory_space<vmem>>[vector<16xi32>, vector<16xi32>], vector<16xf32>, vector<16xi1>
      %mul3A_504 = arith.mulf %get3A_499, %get3A_499 : vector<16xf32>
      %add3A_505 = arith.constant 1.000000e+00 : f32
      %add3A_506 = arith.addf %select_n3A_484, %add3A_505 : f32
      %jit3A_507 = arith.constant 1.000000e+00 : f32
      %select_n3A_508 = arith.select %ne3A_500, %jit3A_507, %add3A_506 : f32
      %add3A_509 = arith.addf %select_n3A_486, %get3A_499 : vector<16xf32>
      %select_n3A_510 = arith.select %ne3A_500, %get3A_499, %add3A_509 : vector<16xf32>
      %add3A_511 = arith.addf %select_n3A_488, %mul3A_504 : vector<16xf32>
      %select_n3A_512 = arith.select %ne3A_500, %mul3A_504, %add3A_511 : vector<16xf32>
      %max3A_513 = arith.maximumf %select_n3A_490, %get3A_499 : vector<16xf32>
      %select_n3A_514 = arith.select %ne3A_500, %get3A_499, %max3A_513 : vector<16xf32>
      %min3A_515 = arith.minimumf %select_n3A_492, %get3A_499 : vector<16xf32>
      %select_n3A_516 = arith.select %ne3A_500, %get3A_499, %min3A_515 : vector<16xf32>
      %slice3A_517 = vector.extract_strided_slice %get3A_158 {offsets = [15], sizes = [1], strides = [1]} : vector<16xi32> to vector<1xi32>
      %squeeze3A_518 = vector.extract %slice3A_517[0] : i32 from vector<1xi32>
      %add3A_519 = arith.constant 15 : i32
      %add3A_520 = arith.addi %mul3A_156, %add3A_519 : i32
      %get3A_521 = arith.index_cast %add3A_520 : i32 to index
      %get3A_522 = arith.constant 0 : index
      %get3A_523 = tpu.vector_load %arg9[%get3A_521, %get3A_522] {strides = array<i32>} : memref<2512x16xf32, #tpu.memory_space<vmem>>, vector<16xf32>,
      %ne3A_524 = arith.cmpi ne, %squeeze3A_518, %squeeze3A_494 : i32
      %broadcast_in_dim3A_525 = vector.broadcast %ne3A_524 : i1 to vector<16xi1>
      %broadcast_in_dim3A_526 = vector.broadcast %squeeze3A_494 : i32 to vector<16xi32>
      tpu.vector_store_idx %arg11[%broadcast_in_dim3A_526, %iota3A], %select_n3A_510 masked %broadcast_in_dim3A_525 : memref<512x16xf32, #tpu.memory_space<vmem>>[vector<16xi32>, vector<16xi32>], vector<16xf32>, vector<16xi1>
      tpu.vector_store_idx %arg12[%broadcast_in_dim3A_526, %iota3A], %select_n3A_512 masked %broadcast_in_dim3A_525 : memref<512x16xf32, #tpu.memory_space<vmem>>[vector<16xi32>, vector<16xi32>], vector<16xf32>, vector<16xi1>
      tpu.vector_store_idx %arg13[%broadcast_in_dim3A_526, %iota3A], %select_n3A_514 masked %broadcast_in_dim3A_525 : memref<512x16xf32, #tpu.memory_space<vmem>>[vector<16xi32>, vector<16xi32>], vector<16xf32>, vector<16xi1>
      tpu.vector_store_idx %arg14[%broadcast_in_dim3A_526, %iota3A], %select_n3A_516 masked %broadcast_in_dim3A_525 : memref<512x16xf32, #tpu.memory_space<vmem>>[vector<16xi32>, vector<16xi32>], vector<16xf32>, vector<16xi1>
      %broadcast_in_dim3A_527 = vector.broadcast %select_n3A_508 : f32 to vector<16xf32>
      tpu.vector_store_idx %arg15[%broadcast_in_dim3A_526, %iota3A], %broadcast_in_dim3A_527 masked %broadcast_in_dim3A_525 : memref<520x16xf32, #tpu.memory_space<vmem>>[vector<16xi32>, vector<16xi32>], vector<16xf32>, vector<16xi1>
      %mul3A_528 = arith.mulf %get3A_523, %get3A_523 : vector<16xf32>
      %add3A_529 = arith.constant 1.000000e+00 : f32
      %add3A_530 = arith.addf %select_n3A_508, %add3A_529 : f32
      %jit3A_531 = arith.constant 1.000000e+00 : f32
      %select_n3A_532 = arith.select %ne3A_524, %jit3A_531, %add3A_530 : f32
      %add3A_533 = arith.addf %select_n3A_510, %get3A_523 : vector<16xf32>
      %select_n3A_534 = arith.select %ne3A_524, %get3A_523, %add3A_533 : vector<16xf32>
      %add3A_535 = arith.addf %select_n3A_512, %mul3A_528 : vector<16xf32>
      %select_n3A_536 = arith.select %ne3A_524, %mul3A_528, %add3A_535 : vector<16xf32>
      %max3A_537 = arith.maximumf %select_n3A_514, %get3A_523 : vector<16xf32>
      %select_n3A_538 = arith.select %ne3A_524, %get3A_523, %max3A_537 : vector<16xf32>
      %min3A_539 = arith.minimumf %select_n3A_516, %get3A_523 : vector<16xf32>
      %select_n3A_540 = arith.select %ne3A_524, %get3A_523, %min3A_539 : vector<16xf32>
      scf.yield %squeeze3A_518, %select_n3A_532, %select_n3A_534, %select_n3A_536, %select_n3A_538, %select_n3A_540 : i32, f32, vector<16xf32>, vector<16xf32>, vector<16xf32>, vector<16xf32>
    }
    %while3A_93 = arith.constant 1 : i32
    %while3A_94:6 = scf.for %while3A_148 = %while3A_90 to %while3A_86 step %while3A_93 iter_args(%while3A_149 = %while3A_92#0, %while3A_150 = %while3A_92#1, %while3A_151 = %while3A_92#2, %while3A_152 = %while3A_92#3, %while3A_153 = %while3A_92#4, %while3A_154 = %while3A_92#5) -> (i32, f32, vector<16xf32>, vector<16xf32>, vector<16xf32>, vector<16xf32>)  : i32 {
      %mul3A_155 = arith.constant 16 : i32
      %mul3A_156 = arith.muli %while3A_148, %mul3A_155 : i32
      %get3A_157 = arith.index_cast %mul3A_156 : i32 to index
      %get3A_158 = tpu.vector_load %arg10[%get3A_157] {strides = array<i32>} : memref<2528xi32, #tpu.memory_space<vmem>>, vector<16xi32>,
      %slice3A_159 = vector.extract_strided_slice %get3A_158 {offsets = [0], sizes = [1], strides = [1]} : vector<16xi32> to vector<1xi32>
      %squeeze3A_160 = vector.extract %slice3A_159[0] : i32 from vector<1xi32>
      %add3A_161 = arith.constant 0 : i32
      %add3A_162 = arith.addi %mul3A_156, %add3A_161 : i32
      %get3A_163 = arith.index_cast %add3A_162 : i32 to index
      %get3A_164 = arith.constant 0 : index
      %get3A_165 = tpu.vector_load %arg9[%get3A_163, %get3A_164] {strides = array<i32>} : memref<2512x16xf32, #tpu.memory_space<vmem>>, vector<16xf32>,
      %ne3A_166 = arith.cmpi ne, %squeeze3A_160, %while3A_149 : i32
      %broadcast_in_dim3A_167 = vector.broadcast %ne3A_166 : i1 to vector<16xi1>
      %broadcast_in_dim3A_168 = vector.broadcast %while3A_149 : i32 to vector<16xi32>
      tpu.vector_store_idx %arg11[%broadcast_in_dim3A_168, %iota3A], %while3A_151 masked %broadcast_in_dim3A_167 : memref<512x16xf32, #tpu.memory_space<vmem>>[vector<16xi32>, vector<16xi32>], vector<16xf32>, vector<16xi1>
      tpu.vector_store_idx %arg12[%broadcast_in_dim3A_168, %iota3A], %while3A_152 masked %broadcast_in_dim3A_167 : memref<512x16xf32, #tpu.memory_space<vmem>>[vector<16xi32>, vector<16xi32>], vector<16xf32>, vector<16xi1>
      tpu.vector_store_idx %arg13[%broadcast_in_dim3A_168, %iota3A], %while3A_153 masked %broadcast_in_dim3A_167 : memref<512x16xf32, #tpu.memory_space<vmem>>[vector<16xi32>, vector<16xi32>], vector<16xf32>, vector<16xi1>
      tpu.vector_store_idx %arg14[%broadcast_in_dim3A_168, %iota3A], %while3A_154 masked %broadcast_in_dim3A_167 : memref<512x16xf32, #tpu.memory_space<vmem>>[vector<16xi32>, vector<16xi32>], vector<16xf32>, vector<16xi1>
      %broadcast_in_dim3A_169 = vector.broadcast %while3A_150 : f32 to vector<16xf32>
      tpu.vector_store_idx %arg15[%broadcast_in_dim3A_168, %iota3A], %broadcast_in_dim3A_169 masked %broadcast_in_dim3A_167 : memref<520x16xf32, #tpu.memory_space<vmem>>[vector<16xi32>, vector<16xi32>], vector<16xf32>, vector<16xi1>
      %mul3A_170 = arith.mulf %get3A_165, %get3A_165 : vector<16xf32>
      %add3A_171 = arith.constant 1.000000e+00 : f32
      %add3A_172 = arith.addf %while3A_150, %add3A_171 : f32
      %jit3A_173 = arith.constant 1.000000e+00 : f32
      %select_n3A_174 = arith.select %ne3A_166, %jit3A_173, %add3A_172 : f32
      %add3A_175 = arith.addf %while3A_151, %get3A_165 : vector<16xf32>
      %select_n3A_176 = arith.select %ne3A_166, %get3A_165, %add3A_175 : vector<16xf32>
      %add3A_177 = arith.addf %while3A_152, %mul3A_170 : vector<16xf32>
      %select_n3A_178 = arith.select %ne3A_166, %mul3A_170, %add3A_177 : vector<16xf32>
      %max3A = arith.maximumf %while3A_153, %get3A_165 : vector<16xf32>
      %select_n3A_179 = arith.select %ne3A_166, %get3A_165, %max3A : vector<16xf32>
      %min3A = arith.minimumf %while3A_154, %get3A_165 : vector<16xf32>
      %select_n3A_180 = arith.select %ne3A_166, %get3A_165, %min3A : vector<16xf32>
      %slice3A_181 = vector.extract_strided_slice %get3A_158 {offsets = [1], sizes = [1], strides = [1]} : vector<16xi32> to vector<1xi32>
      %squeeze3A_182 = vector.extract %slice3A_181[0] : i32 from vector<1xi32>
      %add3A_183 = arith.constant 1 : i32
      %add3A_184 = arith.addi %mul3A_156, %add3A_183 : i32
      %get3A_185 = arith.index_cast %add3A_184 : i32 to index
      %get3A_186 = arith.constant 0 : index
      %get3A_187 = tpu.vector_load %arg9[%get3A_185, %get3A_186] {strides = array<i32>} : memref<2512x16xf32, #tpu.memory_space<vmem>>, vector<16xf32>,
      %ne3A_188 = arith.cmpi ne, %squeeze3A_182, %squeeze3A_160 : i32
      %broadcast_in_dim3A_189 = vector.broadcast %ne3A_188 : i1 to vector<16xi1>
      %broadcast_in_dim3A_190 = vector.broadcast %squeeze3A_160 : i32 to vector<16xi32>
      tpu.vector_store_idx %arg11[%broadcast_in_dim3A_190, %iota3A], %select_n3A_176 masked %broadcast_in_dim3A_189 : memref<512x16xf32, #tpu.memory_space<vmem>>[vector<16xi32>, vector<16xi32>], vector<16xf32>, vector<16xi1>
      tpu.vector_store_idx %arg12[%broadcast_in_dim3A_190, %iota3A], %select_n3A_178 masked %broadcast_in_dim3A_189 : memref<512x16xf32, #tpu.memory_space<vmem>>[vector<16xi32>, vector<16xi32>], vector<16xf32>, vector<16xi1>
      tpu.vector_store_idx %arg13[%broadcast_in_dim3A_190, %iota3A], %select_n3A_179 masked %broadcast_in_dim3A_189 : memref<512x16xf32, #tpu.memory_space<vmem>>[vector<16xi32>, vector<16xi32>], vector<16xf32>, vector<16xi1>
      tpu.vector_store_idx %arg14[%broadcast_in_dim3A_190, %iota3A], %select_n3A_180 masked %broadcast_in_dim3A_189 : memref<512x16xf32, #tpu.memory_space<vmem>>[vector<16xi32>, vector<16xi32>], vector<16xf32>, vector<16xi1>
      %broadcast_in_dim3A_191 = vector.broadcast %select_n3A_174 : f32 to vector<16xf32>
      tpu.vector_store_idx %arg15[%broadcast_in_dim3A_190, %iota3A], %broadcast_in_dim3A_191 masked %broadcast_in_dim3A_189 : memref<520x16xf32, #tpu.memory_space<vmem>>[vector<16xi32>, vector<16xi32>], vector<16xf32>, vector<16xi1>
      %mul3A_192 = arith.mulf %get3A_187, %get3A_187 : vector<16xf32>
      %add3A_193 = arith.constant 1.000000e+00 : f32
      %add3A_194 = arith.addf %select_n3A_174, %add3A_193 : f32
      %jit3A_195 = arith.constant 1.000000e+00 : f32
      %select_n3A_196 = arith.select %ne3A_188, %jit3A_195, %add3A_194 : f32
      %add3A_197 = arith.addf %select_n3A_176, %get3A_187 : vector<16xf32>
      %select_n3A_198 = arith.select %ne3A_188, %get3A_187, %add3A_197 : vector<16xf32>
      %add3A_199 = arith.addf %select_n3A_178, %mul3A_192 : vector<16xf32>
      %select_n3A_200 = arith.select %ne3A_188, %mul3A_192, %add3A_199 : vector<16xf32>
      %max3A_201 = arith.maximumf %select_n3A_179, %get3A_187 : vector<16xf32>
      %select_n3A_202 = arith.select %ne3A_188, %get3A_187, %max3A_201 : vector<16xf32>
      %min3A_203 = arith.minimumf %select_n3A_180, %get3A_187 : vector<16xf32>
      %select_n3A_204 = arith.select %ne3A_188, %get3A_187, %min3A_203 : vector<16xf32>
      %slice3A_205 = vector.extract_strided_slice %get3A_158 {offsets = [2], sizes = [1], strides = [1]} : vector<16xi32> to vector<1xi32>
      %squeeze3A_206 = vector.extract %slice3A_205[0] : i32 from vector<1xi32>
      %add3A_207 = arith.constant 2 : i32
      %add3A_208 = arith.addi %mul3A_156, %add3A_207 : i32
      %get3A_209 = arith.index_cast %add3A_208 : i32 to index
      %get3A_210 = arith.constant 0 : index
      %get3A_211 = tpu.vector_load %arg9[%get3A_209, %get3A_210] {strides = array<i32>} : memref<2512x16xf32, #tpu.memory_space<vmem>>, vector<16xf32>,
      %ne3A_212 = arith.cmpi ne, %squeeze3A_206, %squeeze3A_182 : i32
      %broadcast_in_dim3A_213 = vector.broadcast %ne3A_212 : i1 to vector<16xi1>
      %broadcast_in_dim3A_214 = vector.broadcast %squeeze3A_182 : i32 to vector<16xi32>
      tpu.vector_store_idx %arg11[%broadcast_in_dim3A_214, %iota3A], %select_n3A_198 masked %broadcast_in_dim3A_213 : memref<512x16xf32, #tpu.memory_space<vmem>>[vector<16xi32>, vector<16xi32>], vector<16xf32>, vector<16xi1>
      tpu.vector_store_idx %arg12[%broadcast_in_dim3A_214, %iota3A], %select_n3A_200 masked %broadcast_in_dim3A_213 : memref<512x16xf32, #tpu.memory_space<vmem>>[vector<16xi32>, vector<16xi32>], vector<16xf32>, vector<16xi1>
      tpu.vector_store_idx %arg13[%broadcast_in_dim3A_214, %iota3A], %select_n3A_202 masked %broadcast_in_dim3A_213 : memref<512x16xf32, #tpu.memory_space<vmem>>[vector<16xi32>, vector<16xi32>], vector<16xf32>, vector<16xi1>
      tpu.vector_store_idx %arg14[%broadcast_in_dim3A_214, %iota3A], %select_n3A_204 masked %broadcast_in_dim3A_213 : memref<512x16xf32, #tpu.memory_space<vmem>>[vector<16xi32>, vector<16xi32>], vector<16xf32>, vector<16xi1>
      %broadcast_in_dim3A_215 = vector.broadcast %select_n3A_196 : f32 to vector<16xf32>
      tpu.vector_store_idx %arg15[%broadcast_in_dim3A_214, %iota3A], %broadcast_in_dim3A_215 masked %broadcast_in_dim3A_213 : memref<520x16xf32, #tpu.memory_space<vmem>>[vector<16xi32>, vector<16xi32>], vector<16xf32>, vector<16xi1>
      %mul3A_216 = arith.mulf %get3A_211, %get3A_211 : vector<16xf32>
      %add3A_217 = arith.constant 1.000000e+00 : f32
      %add3A_218 = arith.addf %select_n3A_196, %add3A_217 : f32
      %jit3A_219 = arith.constant 1.000000e+00 : f32
      %select_n3A_220 = arith.select %ne3A_212, %jit3A_219, %add3A_218 : f32
      %add3A_221 = arith.addf %select_n3A_198, %get3A_211 : vector<16xf32>
      %select_n3A_222 = arith.select %ne3A_212, %get3A_211, %add3A_221 : vector<16xf32>
      %add3A_223 = arith.addf %select_n3A_200, %mul3A_216 : vector<16xf32>
      %select_n3A_224 = arith.select %ne3A_212, %mul3A_216, %add3A_223 : vector<16xf32>
      %max3A_225 = arith.maximumf %select_n3A_202, %get3A_211 : vector<16xf32>
      %select_n3A_226 = arith.select %ne3A_212, %get3A_211, %max3A_225 : vector<16xf32>
      %min3A_227 = arith.minimumf %select_n3A_204, %get3A_211 : vector<16xf32>
      %select_n3A_228 = arith.select %ne3A_212, %get3A_211, %min3A_227 : vector<16xf32>
      %slice3A_229 = vector.extract_strided_slice %get3A_158 {offsets = [3], sizes = [1], strides = [1]} : vector<16xi32> to vector<1xi32>
      %squeeze3A_230 = vector.extract %slice3A_229[0] : i32 from vector<1xi32>
      %add3A_231 = arith.constant 3 : i32
      %add3A_232 = arith.addi %mul3A_156, %add3A_231 : i32
      %get3A_233 = arith.index_cast %add3A_232 : i32 to index
      %get3A_234 = arith.constant 0 : index
      %get3A_235 = tpu.vector_load %arg9[%get3A_233, %get3A_234] {strides = array<i32>} : memref<2512x16xf32, #tpu.memory_space<vmem>>, vector<16xf32>,
      %ne3A_236 = arith.cmpi ne, %squeeze3A_230, %squeeze3A_206 : i32
      %broadcast_in_dim3A_237 = vector.broadcast %ne3A_236 : i1 to vector<16xi1>
      %broadcast_in_dim3A_238 = vector.broadcast %squeeze3A_206 : i32 to vector<16xi32>
      tpu.vector_store_idx %arg11[%broadcast_in_dim3A_238, %iota3A], %select_n3A_222 masked %broadcast_in_dim3A_237 : memref<512x16xf32, #tpu.memory_space<vmem>>[vector<16xi32>, vector<16xi32>], vector<16xf32>, vector<16xi1>
      tpu.vector_store_idx %arg12[%broadcast_in_dim3A_238, %iota3A], %select_n3A_224 masked %broadcast_in_dim3A_237 : memref<512x16xf32, #tpu.memory_space<vmem>>[vector<16xi32>, vector<16xi32>], vector<16xf32>, vector<16xi1>
      tpu.vector_store_idx %arg13[%broadcast_in_dim3A_238, %iota3A], %select_n3A_226 masked %broadcast_in_dim3A_237 : memref<512x16xf32, #tpu.memory_space<vmem>>[vector<16xi32>, vector<16xi32>], vector<16xf32>, vector<16xi1>
      tpu.vector_store_idx %arg14[%broadcast_in_dim3A_238, %iota3A], %select_n3A_228 masked %broadcast_in_dim3A_237 : memref<512x16xf32, #tpu.memory_space<vmem>>[vector<16xi32>, vector<16xi32>], vector<16xf32>, vector<16xi1>
      %broadcast_in_dim3A_239 = vector.broadcast %select_n3A_220 : f32 to vector<16xf32>
      tpu.vector_store_idx %arg15[%broadcast_in_dim3A_238, %iota3A], %broadcast_in_dim3A_239 masked %broadcast_in_dim3A_237 : memref<520x16xf32, #tpu.memory_space<vmem>>[vector<16xi32>, vector<16xi32>], vector<16xf32>, vector<16xi1>
      %mul3A_240 = arith.mulf %get3A_235, %get3A_235 : vector<16xf32>
      %add3A_241 = arith.constant 1.000000e+00 : f32
      %add3A_242 = arith.addf %select_n3A_220, %add3A_241 : f32
      %jit3A_243 = arith.constant 1.000000e+00 : f32
      %select_n3A_244 = arith.select %ne3A_236, %jit3A_243, %add3A_242 : f32
      %add3A_245 = arith.addf %select_n3A_222, %get3A_235 : vector<16xf32>
      %select_n3A_246 = arith.select %ne3A_236, %get3A_235, %add3A_245 : vector<16xf32>
      %add3A_247 = arith.addf %select_n3A_224, %mul3A_240 : vector<16xf32>
      %select_n3A_248 = arith.select %ne3A_236, %mul3A_240, %add3A_247 : vector<16xf32>
      %max3A_249 = arith.maximumf %select_n3A_226, %get3A_235 : vector<16xf32>
      %select_n3A_250 = arith.select %ne3A_236, %get3A_235, %max3A_249 : vector<16xf32>
      %min3A_251 = arith.minimumf %select_n3A_228, %get3A_235 : vector<16xf32>
      %select_n3A_252 = arith.select %ne3A_236, %get3A_235, %min3A_251 : vector<16xf32>
      %slice3A_253 = vector.extract_strided_slice %get3A_158 {offsets = [4], sizes = [1], strides = [1]} : vector<16xi32> to vector<1xi32>
      %squeeze3A_254 = vector.extract %slice3A_253[0] : i32 from vector<1xi32>
      %add3A_255 = arith.constant 4 : i32
      %add3A_256 = arith.addi %mul3A_156, %add3A_255 : i32
      %get3A_257 = arith.index_cast %add3A_256 : i32 to index
      %get3A_258 = arith.constant 0 : index
      %get3A_259 = tpu.vector_load %arg9[%get3A_257, %get3A_258] {strides = array<i32>} : memref<2512x16xf32, #tpu.memory_space<vmem>>, vector<16xf32>,
      %ne3A_260 = arith.cmpi ne, %squeeze3A_254, %squeeze3A_230 : i32
      %broadcast_in_dim3A_261 = vector.broadcast %ne3A_260 : i1 to vector<16xi1>
      %broadcast_in_dim3A_262 = vector.broadcast %squeeze3A_230 : i32 to vector<16xi32>
      tpu.vector_store_idx %arg11[%broadcast_in_dim3A_262, %iota3A], %select_n3A_246 masked %broadcast_in_dim3A_261 : memref<512x16xf32, #tpu.memory_space<vmem>>[vector<16xi32>, vector<16xi32>], vector<16xf32>, vector<16xi1>
      tpu.vector_store_idx %arg12[%broadcast_in_dim3A_262, %iota3A], %select_n3A_248 masked %broadcast_in_dim3A_261 : memref<512x16xf32, #tpu.memory_space<vmem>>[vector<16xi32>, vector<16xi32>], vector<16xf32>, vector<16xi1>
      tpu.vector_store_idx %arg13[%broadcast_in_dim3A_262, %iota3A], %select_n3A_250 masked %broadcast_in_dim3A_261 : memref<512x16xf32, #tpu.memory_space<vmem>>[vector<16xi32>, vector<16xi32>], vector<16xf32>, vector<16xi1>
      tpu.vector_store_idx %arg14[%broadcast_in_dim3A_262, %iota3A], %select_n3A_252 masked %broadcast_in_dim3A_261 : memref<512x16xf32, #tpu.memory_space<vmem>>[vector<16xi32>, vector<16xi32>], vector<16xf32>, vector<16xi1>
      %broadcast_in_dim3A_263 = vector.broadcast %select_n3A_244 : f32 to vector<16xf32>
      tpu.vector_store_idx %arg15[%broadcast_in_dim3A_262, %iota3A], %broadcast_in_dim3A_263 masked %broadcast_in_dim3A_261 : memref<520x16xf32, #tpu.memory_space<vmem>>[vector<16xi32>, vector<16xi32>], vector<16xf32>, vector<16xi1>
      %mul3A_264 = arith.mulf %get3A_259, %get3A_259 : vector<16xf32>
      %add3A_265 = arith.constant 1.000000e+00 : f32
      %add3A_266 = arith.addf %select_n3A_244, %add3A_265 : f32
      %jit3A_267 = arith.constant 1.000000e+00 : f32
      %select_n3A_268 = arith.select %ne3A_260, %jit3A_267, %add3A_266 : f32
      %add3A_269 = arith.addf %select_n3A_246, %get3A_259 : vector<16xf32>
      %select_n3A_270 = arith.select %ne3A_260, %get3A_259, %add3A_269 : vector<16xf32>
      %add3A_271 = arith.addf %select_n3A_248, %mul3A_264 : vector<16xf32>
      %select_n3A_272 = arith.select %ne3A_260, %mul3A_264, %add3A_271 : vector<16xf32>
      %max3A_273 = arith.maximumf %select_n3A_250, %get3A_259 : vector<16xf32>
      %select_n3A_274 = arith.select %ne3A_260, %get3A_259, %max3A_273 : vector<16xf32>
      %min3A_275 = arith.minimumf %select_n3A_252, %get3A_259 : vector<16xf32>
      %select_n3A_276 = arith.select %ne3A_260, %get3A_259, %min3A_275 : vector<16xf32>
      %slice3A_277 = vector.extract_strided_slice %get3A_158 {offsets = [5], sizes = [1], strides = [1]} : vector<16xi32> to vector<1xi32>
      %squeeze3A_278 = vector.extract %slice3A_277[0] : i32 from vector<1xi32>
      %add3A_279 = arith.constant 5 : i32
      %add3A_280 = arith.addi %mul3A_156, %add3A_279 : i32
      %get3A_281 = arith.index_cast %add3A_280 : i32 to index
      %get3A_282 = arith.constant 0 : index
      %get3A_283 = tpu.vector_load %arg9[%get3A_281, %get3A_282] {strides = array<i32>} : memref<2512x16xf32, #tpu.memory_space<vmem>>, vector<16xf32>,
      %ne3A_284 = arith.cmpi ne, %squeeze3A_278, %squeeze3A_254 : i32
      %broadcast_in_dim3A_285 = vector.broadcast %ne3A_284 : i1 to vector<16xi1>
      %broadcast_in_dim3A_286 = vector.broadcast %squeeze3A_254 : i32 to vector<16xi32>
      tpu.vector_store_idx %arg11[%broadcast_in_dim3A_286, %iota3A], %select_n3A_270 masked %broadcast_in_dim3A_285 : memref<512x16xf32, #tpu.memory_space<vmem>>[vector<16xi32>, vector<16xi32>], vector<16xf32>, vector<16xi1>
      tpu.vector_store_idx %arg12[%broadcast_in_dim3A_286, %iota3A], %select_n3A_272 masked %broadcast_in_dim3A_285 : memref<512x16xf32, #tpu.memory_space<vmem>>[vector<16xi32>, vector<16xi32>], vector<16xf32>, vector<16xi1>
      tpu.vector_store_idx %arg13[%broadcast_in_dim3A_286, %iota3A], %select_n3A_274 masked %broadcast_in_dim3A_285 : memref<512x16xf32, #tpu.memory_space<vmem>>[vector<16xi32>, vector<16xi32>], vector<16xf32>, vector<16xi1>
      tpu.vector_store_idx %arg14[%broadcast_in_dim3A_286, %iota3A], %select_n3A_276 masked %broadcast_in_dim3A_285 : memref<512x16xf32, #tpu.memory_space<vmem>>[vector<16xi32>, vector<16xi32>], vector<16xf32>, vector<16xi1>
      %broadcast_in_dim3A_287 = vector.broadcast %select_n3A_268 : f32 to vector<16xf32>
      tpu.vector_store_idx %arg15[%broadcast_in_dim3A_286, %iota3A], %broadcast_in_dim3A_287 masked %broadcast_in_dim3A_285 : memref<520x16xf32, #tpu.memory_space<vmem>>[vector<16xi32>, vector<16xi32>], vector<16xf32>, vector<16xi1>
      %mul3A_288 = arith.mulf %get3A_283, %get3A_283 : vector<16xf32>
      %add3A_289 = arith.constant 1.000000e+00 : f32
      %add3A_290 = arith.addf %select_n3A_268, %add3A_289 : f32
      %jit3A_291 = arith.constant 1.000000e+00 : f32
      %select_n3A_292 = arith.select %ne3A_284, %jit3A_291, %add3A_290 : f32
      %add3A_293 = arith.addf %select_n3A_270, %get3A_283 : vector<16xf32>
      %select_n3A_294 = arith.select %ne3A_284, %get3A_283, %add3A_293 : vector<16xf32>
      %add3A_295 = arith.addf %select_n3A_272, %mul3A_288 : vector<16xf32>
      %select_n3A_296 = arith.select %ne3A_284, %mul3A_288, %add3A_295 : vector<16xf32>
      %max3A_297 = arith.maximumf %select_n3A_274, %get3A_283 : vector<16xf32>
      %select_n3A_298 = arith.select %ne3A_284, %get3A_283, %max3A_297 : vector<16xf32>
      %min3A_299 = arith.minimumf %select_n3A_276, %get3A_283 : vector<16xf32>
      %select_n3A_300 = arith.select %ne3A_284, %get3A_283, %min3A_299 : vector<16xf32>
      %slice3A_301 = vector.extract_strided_slice %get3A_158 {offsets = [6], sizes = [1], strides = [1]} : vector<16xi32> to vector<1xi32>
      %squeeze3A_302 = vector.extract %slice3A_301[0] : i32 from vector<1xi32>
      %add3A_303 = arith.constant 6 : i32
      %add3A_304 = arith.addi %mul3A_156, %add3A_303 : i32
      %get3A_305 = arith.index_cast %add3A_304 : i32 to index
      %get3A_306 = arith.constant 0 : index
      %get3A_307 = tpu.vector_load %arg9[%get3A_305, %get3A_306] {strides = array<i32>} : memref<2512x16xf32, #tpu.memory_space<vmem>>, vector<16xf32>,
      %ne3A_308 = arith.cmpi ne, %squeeze3A_302, %squeeze3A_278 : i32
      %broadcast_in_dim3A_309 = vector.broadcast %ne3A_308 : i1 to vector<16xi1>
      %broadcast_in_dim3A_310 = vector.broadcast %squeeze3A_278 : i32 to vector<16xi32>
      tpu.vector_store_idx %arg11[%broadcast_in_dim3A_310, %iota3A], %select_n3A_294 masked %broadcast_in_dim3A_309 : memref<512x16xf32, #tpu.memory_space<vmem>>[vector<16xi32>, vector<16xi32>], vector<16xf32>, vector<16xi1>
      tpu.vector_store_idx %arg12[%broadcast_in_dim3A_310, %iota3A], %select_n3A_296 masked %broadcast_in_dim3A_309 : memref<512x16xf32, #tpu.memory_space<vmem>>[vector<16xi32>, vector<16xi32>], vector<16xf32>, vector<16xi1>
      tpu.vector_store_idx %arg13[%broadcast_in_dim3A_310, %iota3A], %select_n3A_298 masked %broadcast_in_dim3A_309 : memref<512x16xf32, #tpu.memory_space<vmem>>[vector<16xi32>, vector<16xi32>], vector<16xf32>, vector<16xi1>
      tpu.vector_store_idx %arg14[%broadcast_in_dim3A_310, %iota3A], %select_n3A_300 masked %broadcast_in_dim3A_309 : memref<512x16xf32, #tpu.memory_space<vmem>>[vector<16xi32>, vector<16xi32>], vector<16xf32>, vector<16xi1>
      %broadcast_in_dim3A_311 = vector.broadcast %select_n3A_292 : f32 to vector<16xf32>
      tpu.vector_store_idx %arg15[%broadcast_in_dim3A_310, %iota3A], %broadcast_in_dim3A_311 masked %broadcast_in_dim3A_309 : memref<520x16xf32, #tpu.memory_space<vmem>>[vector<16xi32>, vector<16xi32>], vector<16xf32>, vector<16xi1>
      %mul3A_312 = arith.mulf %get3A_307, %get3A_307 : vector<16xf32>
      %add3A_313 = arith.constant 1.000000e+00 : f32
      %add3A_314 = arith.addf %select_n3A_292, %add3A_313 : f32
      %jit3A_315 = arith.constant 1.000000e+00 : f32
      %select_n3A_316 = arith.select %ne3A_308, %jit3A_315, %add3A_314 : f32
      %add3A_317 = arith.addf %select_n3A_294, %get3A_307 : vector<16xf32>
      %select_n3A_318 = arith.select %ne3A_308, %get3A_307, %add3A_317 : vector<16xf32>
      %add3A_319 = arith.addf %select_n3A_296, %mul3A_312 : vector<16xf32>
      %select_n3A_320 = arith.select %ne3A_308, %mul3A_312, %add3A_319 : vector<16xf32>
      %max3A_321 = arith.maximumf %select_n3A_298, %get3A_307 : vector<16xf32>
      %select_n3A_322 = arith.select %ne3A_308, %get3A_307, %max3A_321 : vector<16xf32>
      %min3A_323 = arith.minimumf %select_n3A_300, %get3A_307 : vector<16xf32>
      %select_n3A_324 = arith.select %ne3A_308, %get3A_307, %min3A_323 : vector<16xf32>
      %slice3A_325 = vector.extract_strided_slice %get3A_158 {offsets = [7], sizes = [1], strides = [1]} : vector<16xi32> to vector<1xi32>
      %squeeze3A_326 = vector.extract %slice3A_325[0] : i32 from vector<1xi32>
      %add3A_327 = arith.constant 7 : i32
      %add3A_328 = arith.addi %mul3A_156, %add3A_327 : i32
      %get3A_329 = arith.index_cast %add3A_328 : i32 to index
      %get3A_330 = arith.constant 0 : index
      %get3A_331 = tpu.vector_load %arg9[%get3A_329, %get3A_330] {strides = array<i32>} : memref<2512x16xf32, #tpu.memory_space<vmem>>, vector<16xf32>,
      %ne3A_332 = arith.cmpi ne, %squeeze3A_326, %squeeze3A_302 : i32
      %broadcast_in_dim3A_333 = vector.broadcast %ne3A_332 : i1 to vector<16xi1>
      %broadcast_in_dim3A_334 = vector.broadcast %squeeze3A_302 : i32 to vector<16xi32>
      tpu.vector_store_idx %arg11[%broadcast_in_dim3A_334, %iota3A], %select_n3A_318 masked %broadcast_in_dim3A_333 : memref<512x16xf32, #tpu.memory_space<vmem>>[vector<16xi32>, vector<16xi32>], vector<16xf32>, vector<16xi1>
      tpu.vector_store_idx %arg12[%broadcast_in_dim3A_334, %iota3A], %select_n3A_320 masked %broadcast_in_dim3A_333 : memref<512x16xf32, #tpu.memory_space<vmem>>[vector<16xi32>, vector<16xi32>], vector<16xf32>, vector<16xi1>
      tpu.vector_store_idx %arg13[%broadcast_in_dim3A_334, %iota3A], %select_n3A_322 masked %broadcast_in_dim3A_333 : memref<512x16xf32, #tpu.memory_space<vmem>>[vector<16xi32>, vector<16xi32>], vector<16xf32>, vector<16xi1>
      tpu.vector_store_idx %arg14[%broadcast_in_dim3A_334, %iota3A], %select_n3A_324 masked %broadcast_in_dim3A_333 : memref<512x16xf32, #tpu.memory_space<vmem>>[vector<16xi32>, vector<16xi32>], vector<16xf32>, vector<16xi1>
      %broadcast_in_dim3A_335 = vector.broadcast %select_n3A_316 : f32 to vector<16xf32>
      tpu.vector_store_idx %arg15[%broadcast_in_dim3A_334, %iota3A], %broadcast_in_dim3A_335 masked %broadcast_in_dim3A_333 : memref<520x16xf32, #tpu.memory_space<vmem>>[vector<16xi32>, vector<16xi32>], vector<16xf32>, vector<16xi1>
      %mul3A_336 = arith.mulf %get3A_331, %get3A_331 : vector<16xf32>
      %add3A_337 = arith.constant 1.000000e+00 : f32
      %add3A_338 = arith.addf %select_n3A_316, %add3A_337 : f32
      %jit3A_339 = arith.constant 1.000000e+00 : f32
      %select_n3A_340 = arith.select %ne3A_332, %jit3A_339, %add3A_338 : f32
      %add3A_341 = arith.addf %select_n3A_318, %get3A_331 : vector<16xf32>
      %select_n3A_342 = arith.select %ne3A_332, %get3A_331, %add3A_341 : vector<16xf32>
      %add3A_343 = arith.addf %select_n3A_320, %mul3A_336 : vector<16xf32>
      %select_n3A_344 = arith.select %ne3A_332, %mul3A_336, %add3A_343 : vector<16xf32>
      %max3A_345 = arith.maximumf %select_n3A_322, %get3A_331 : vector<16xf32>
      %select_n3A_346 = arith.select %ne3A_332, %get3A_331, %max3A_345 : vector<16xf32>
      %min3A_347 = arith.minimumf %select_n3A_324, %get3A_331 : vector<16xf32>
      %select_n3A_348 = arith.select %ne3A_332, %get3A_331, %min3A_347 : vector<16xf32>
      %slice3A_349 = vector.extract_strided_slice %get3A_158 {offsets = [8], sizes = [1], strides = [1]} : vector<16xi32> to vector<1xi32>
      %squeeze3A_350 = vector.extract %slice3A_349[0] : i32 from vector<1xi32>
      %add3A_351 = arith.constant 8 : i32
      %add3A_352 = arith.addi %mul3A_156, %add3A_351 : i32
      %get3A_353 = arith.index_cast %add3A_352 : i32 to index
      %get3A_354 = arith.constant 0 : index
      %get3A_355 = tpu.vector_load %arg9[%get3A_353, %get3A_354] {strides = array<i32>} : memref<2512x16xf32, #tpu.memory_space<vmem>>, vector<16xf32>,
      %ne3A_356 = arith.cmpi ne, %squeeze3A_350, %squeeze3A_326 : i32
      %broadcast_in_dim3A_357 = vector.broadcast %ne3A_356 : i1 to vector<16xi1>
      %broadcast_in_dim3A_358 = vector.broadcast %squeeze3A_326 : i32 to vector<16xi32>
      tpu.vector_store_idx %arg11[%broadcast_in_dim3A_358, %iota3A], %select_n3A_342 masked %broadcast_in_dim3A_357 : memref<512x16xf32, #tpu.memory_space<vmem>>[vector<16xi32>, vector<16xi32>], vector<16xf32>, vector<16xi1>
      tpu.vector_store_idx %arg12[%broadcast_in_dim3A_358, %iota3A], %select_n3A_344 masked %broadcast_in_dim3A_357 : memref<512x16xf32, #tpu.memory_space<vmem>>[vector<16xi32>, vector<16xi32>], vector<16xf32>, vector<16xi1>
      tpu.vector_store_idx %arg13[%broadcast_in_dim3A_358, %iota3A], %select_n3A_346 masked %broadcast_in_dim3A_357 : memref<512x16xf32, #tpu.memory_space<vmem>>[vector<16xi32>, vector<16xi32>], vector<16xf32>, vector<16xi1>
      tpu.vector_store_idx %arg14[%broadcast_in_dim3A_358, %iota3A], %select_n3A_348 masked %broadcast_in_dim3A_357 : memref<512x16xf32, #tpu.memory_space<vmem>>[vector<16xi32>, vector<16xi32>], vector<16xf32>, vector<16xi1>
      %broadcast_in_dim3A_359 = vector.broadcast %select_n3A_340 : f32 to vector<16xf32>
      tpu.vector_store_idx %arg15[%broadcast_in_dim3A_358, %iota3A], %broadcast_in_dim3A_359 masked %broadcast_in_dim3A_357 : memref<520x16xf32, #tpu.memory_space<vmem>>[vector<16xi32>, vector<16xi32>], vector<16xf32>, vector<16xi1>
      %mul3A_360 = arith.mulf %get3A_355, %get3A_355 : vector<16xf32>
      %add3A_361 = arith.constant 1.000000e+00 : f32
      %add3A_362 = arith.addf %select_n3A_340, %add3A_361 : f32
      %jit3A_363 = arith.constant 1.000000e+00 : f32
      %select_n3A_364 = arith.select %ne3A_356, %jit3A_363, %add3A_362 : f32
      %add3A_365 = arith.addf %select_n3A_342, %get3A_355 : vector<16xf32>
      %select_n3A_366 = arith.select %ne3A_356, %get3A_355, %add3A_365 : vector<16xf32>
      %add3A_367 = arith.addf %select_n3A_344, %mul3A_360 : vector<16xf32>
      %select_n3A_368 = arith.select %ne3A_356, %mul3A_360, %add3A_367 : vector<16xf32>
      %max3A_369 = arith.maximumf %select_n3A_346, %get3A_355 : vector<16xf32>
      %select_n3A_370 = arith.select %ne3A_356, %get3A_355, %max3A_369 : vector<16xf32>
      %min3A_371 = arith.minimumf %select_n3A_348, %get3A_355 : vector<16xf32>
      %select_n3A_372 = arith.select %ne3A_356, %get3A_355, %min3A_371 : vector<16xf32>
      %slice3A_373 = vector.extract_strided_slice %get3A_158 {offsets = [9], sizes = [1], strides = [1]} : vector<16xi32> to vector<1xi32>
      %squeeze3A_374 = vector.extract %slice3A_373[0] : i32 from vector<1xi32>
      %add3A_375 = arith.constant 9 : i32
      %add3A_376 = arith.addi %mul3A_156, %add3A_375 : i32
      %get3A_377 = arith.index_cast %add3A_376 : i32 to index
      %get3A_378 = arith.constant 0 : index
      %get3A_379 = tpu.vector_load %arg9[%get3A_377, %get3A_378] {strides = array<i32>} : memref<2512x16xf32, #tpu.memory_space<vmem>>, vector<16xf32>,
      %ne3A_380 = arith.cmpi ne, %squeeze3A_374, %squeeze3A_350 : i32
      %broadcast_in_dim3A_381 = vector.broadcast %ne3A_380 : i1 to vector<16xi1>
      %broadcast_in_dim3A_382 = vector.broadcast %squeeze3A_350 : i32 to vector<16xi32>
      tpu.vector_store_idx %arg11[%broadcast_in_dim3A_382, %iota3A], %select_n3A_366 masked %broadcast_in_dim3A_381 : memref<512x16xf32, #tpu.memory_space<vmem>>[vector<16xi32>, vector<16xi32>], vector<16xf32>, vector<16xi1>
      tpu.vector_store_idx %arg12[%broadcast_in_dim3A_382, %iota3A], %select_n3A_368 masked %broadcast_in_dim3A_381 : memref<512x16xf32, #tpu.memory_space<vmem>>[vector<16xi32>, vector<16xi32>], vector<16xf32>, vector<16xi1>
      tpu.vector_store_idx %arg13[%broadcast_in_dim3A_382, %iota3A], %select_n3A_370 masked %broadcast_in_dim3A_381 : memref<512x16xf32, #tpu.memory_space<vmem>>[vector<16xi32>, vector<16xi32>], vector<16xf32>, vector<16xi1>
      tpu.vector_store_idx %arg14[%broadcast_in_dim3A_382, %iota3A], %select_n3A_372 masked %broadcast_in_dim3A_381 : memref<512x16xf32, #tpu.memory_space<vmem>>[vector<16xi32>, vector<16xi32>], vector<16xf32>, vector<16xi1>
      %broadcast_in_dim3A_383 = vector.broadcast %select_n3A_364 : f32 to vector<16xf32>
      tpu.vector_store_idx %arg15[%broadcast_in_dim3A_382, %iota3A], %broadcast_in_dim3A_383 masked %broadcast_in_dim3A_381 : memref<520x16xf32, #tpu.memory_space<vmem>>[vector<16xi32>, vector<16xi32>], vector<16xf32>, vector<16xi1>
      %mul3A_384 = arith.mulf %get3A_379, %get3A_379 : vector<16xf32>
      %add3A_385 = arith.constant 1.000000e+00 : f32
      %add3A_386 = arith.addf %select_n3A_364, %add3A_385 : f32
      %jit3A_387 = arith.constant 1.000000e+00 : f32
      %select_n3A_388 = arith.select %ne3A_380, %jit3A_387, %add3A_386 : f32
      %add3A_389 = arith.addf %select_n3A_366, %get3A_379 : vector<16xf32>
      %select_n3A_390 = arith.select %ne3A_380, %get3A_379, %add3A_389 : vector<16xf32>
      %add3A_391 = arith.addf %select_n3A_368, %mul3A_384 : vector<16xf32>
      %select_n3A_392 = arith.select %ne3A_380, %mul3A_384, %add3A_391 : vector<16xf32>
      %max3A_393 = arith.maximumf %select_n3A_370, %get3A_379 : vector<16xf32>
      %select_n3A_394 = arith.select %ne3A_380, %get3A_379, %max3A_393 : vector<16xf32>
      %min3A_395 = arith.minimumf %select_n3A_372, %get3A_379 : vector<16xf32>
      %select_n3A_396 = arith.select %ne3A_380, %get3A_379, %min3A_395 : vector<16xf32>
      %slice3A_397 = vector.extract_strided_slice %get3A_158 {offsets = [10], sizes = [1], strides = [1]} : vector<16xi32> to vector<1xi32>
      %squeeze3A_398 = vector.extract %slice3A_397[0] : i32 from vector<1xi32>
      %add3A_399 = arith.constant 10 : i32
      %add3A_400 = arith.addi %mul3A_156, %add3A_399 : i32
      %get3A_401 = arith.index_cast %add3A_400 : i32 to index
      %get3A_402 = arith.constant 0 : index
      %get3A_403 = tpu.vector_load %arg9[%get3A_401, %get3A_402] {strides = array<i32>} : memref<2512x16xf32, #tpu.memory_space<vmem>>, vector<16xf32>,
      %ne3A_404 = arith.cmpi ne, %squeeze3A_398, %squeeze3A_374 : i32
      %broadcast_in_dim3A_405 = vector.broadcast %ne3A_404 : i1 to vector<16xi1>
      %broadcast_in_dim3A_406 = vector.broadcast %squeeze3A_374 : i32 to vector<16xi32>
      tpu.vector_store_idx %arg11[%broadcast_in_dim3A_406, %iota3A], %select_n3A_390 masked %broadcast_in_dim3A_405 : memref<512x16xf32, #tpu.memory_space<vmem>>[vector<16xi32>, vector<16xi32>], vector<16xf32>, vector<16xi1>
      tpu.vector_store_idx %arg12[%broadcast_in_dim3A_406, %iota3A], %select_n3A_392 masked %broadcast_in_dim3A_405 : memref<512x16xf32, #tpu.memory_space<vmem>>[vector<16xi32>, vector<16xi32>], vector<16xf32>, vector<16xi1>
      tpu.vector_store_idx %arg13[%broadcast_in_dim3A_406, %iota3A], %select_n3A_394 masked %broadcast_in_dim3A_405 : memref<512x16xf32, #tpu.memory_space<vmem>>[vector<16xi32>, vector<16xi32>], vector<16xf32>, vector<16xi1>
      tpu.vector_store_idx %arg14[%broadcast_in_dim3A_406, %iota3A], %select_n3A_396 masked %broadcast_in_dim3A_405 : memref<512x16xf32, #tpu.memory_space<vmem>>[vector<16xi32>, vector<16xi32>], vector<16xf32>, vector<16xi1>
      %broadcast_in_dim3A_407 = vector.broadcast %select_n3A_388 : f32 to vector<16xf32>
      tpu.vector_store_idx %arg15[%broadcast_in_dim3A_406, %iota3A], %broadcast_in_dim3A_407 masked %broadcast_in_dim3A_405 : memref<520x16xf32, #tpu.memory_space<vmem>>[vector<16xi32>, vector<16xi32>], vector<16xf32>, vector<16xi1>
      %mul3A_408 = arith.mulf %get3A_403, %get3A_403 : vector<16xf32>
      %add3A_409 = arith.constant 1.000000e+00 : f32
      %add3A_410 = arith.addf %select_n3A_388, %add3A_409 : f32
      %jit3A_411 = arith.constant 1.000000e+00 : f32
      %select_n3A_412 = arith.select %ne3A_404, %jit3A_411, %add3A_410 : f32
      %add3A_413 = arith.addf %select_n3A_390, %get3A_403 : vector<16xf32>
      %select_n3A_414 = arith.select %ne3A_404, %get3A_403, %add3A_413 : vector<16xf32>
      %add3A_415 = arith.addf %select_n3A_392, %mul3A_408 : vector<16xf32>
      %select_n3A_416 = arith.select %ne3A_404, %mul3A_408, %add3A_415 : vector<16xf32>
      %max3A_417 = arith.maximumf %select_n3A_394, %get3A_403 : vector<16xf32>
      %select_n3A_418 = arith.select %ne3A_404, %get3A_403, %max3A_417 : vector<16xf32>
      %min3A_419 = arith.minimumf %select_n3A_396, %get3A_403 : vector<16xf32>
      %select_n3A_420 = arith.select %ne3A_404, %get3A_403, %min3A_419 : vector<16xf32>
      %slice3A_421 = vector.extract_strided_slice %get3A_158 {offsets = [11], sizes = [1], strides = [1]} : vector<16xi32> to vector<1xi32>
      %squeeze3A_422 = vector.extract %slice3A_421[0] : i32 from vector<1xi32>
      %add3A_423 = arith.constant 11 : i32
      %add3A_424 = arith.addi %mul3A_156, %add3A_423 : i32
      %get3A_425 = arith.index_cast %add3A_424 : i32 to index
      %get3A_426 = arith.constant 0 : index
      %get3A_427 = tpu.vector_load %arg9[%get3A_425, %get3A_426] {strides = array<i32>} : memref<2512x16xf32, #tpu.memory_space<vmem>>, vector<16xf32>,
      %ne3A_428 = arith.cmpi ne, %squeeze3A_422, %squeeze3A_398 : i32
      %broadcast_in_dim3A_429 = vector.broadcast %ne3A_428 : i1 to vector<16xi1>
      %broadcast_in_dim3A_430 = vector.broadcast %squeeze3A_398 : i32 to vector<16xi32>
      tpu.vector_store_idx %arg11[%broadcast_in_dim3A_430, %iota3A], %select_n3A_414 masked %broadcast_in_dim3A_429 : memref<512x16xf32, #tpu.memory_space<vmem>>[vector<16xi32>, vector<16xi32>], vector<16xf32>, vector<16xi1>
      tpu.vector_store_idx %arg12[%broadcast_in_dim3A_430, %iota3A], %select_n3A_416 masked %broadcast_in_dim3A_429 : memref<512x16xf32, #tpu.memory_space<vmem>>[vector<16xi32>, vector<16xi32>], vector<16xf32>, vector<16xi1>
      tpu.vector_store_idx %arg13[%broadcast_in_dim3A_430, %iota3A], %select_n3A_418 masked %broadcast_in_dim3A_429 : memref<512x16xf32, #tpu.memory_space<vmem>>[vector<16xi32>, vector<16xi32>], vector<16xf32>, vector<16xi1>
      tpu.vector_store_idx %arg14[%broadcast_in_dim3A_430, %iota3A], %select_n3A_420 masked %broadcast_in_dim3A_429 : memref<512x16xf32, #tpu.memory_space<vmem>>[vector<16xi32>, vector<16xi32>], vector<16xf32>, vector<16xi1>
      %broadcast_in_dim3A_431 = vector.broadcast %select_n3A_412 : f32 to vector<16xf32>
      tpu.vector_store_idx %arg15[%broadcast_in_dim3A_430, %iota3A], %broadcast_in_dim3A_431 masked %broadcast_in_dim3A_429 : memref<520x16xf32, #tpu.memory_space<vmem>>[vector<16xi32>, vector<16xi32>], vector<16xf32>, vector<16xi1>
      %mul3A_432 = arith.mulf %get3A_427, %get3A_427 : vector<16xf32>
      %add3A_433 = arith.constant 1.000000e+00 : f32
      %add3A_434 = arith.addf %select_n3A_412, %add3A_433 : f32
      %jit3A_435 = arith.constant 1.000000e+00 : f32
      %select_n3A_436 = arith.select %ne3A_428, %jit3A_435, %add3A_434 : f32
      %add3A_437 = arith.addf %select_n3A_414, %get3A_427 : vector<16xf32>
      %select_n3A_438 = arith.select %ne3A_428, %get3A_427, %add3A_437 : vector<16xf32>
      %add3A_439 = arith.addf %select_n3A_416, %mul3A_432 : vector<16xf32>
      %select_n3A_440 = arith.select %ne3A_428, %mul3A_432, %add3A_439 : vector<16xf32>
      %max3A_441 = arith.maximumf %select_n3A_418, %get3A_427 : vector<16xf32>
      %select_n3A_442 = arith.select %ne3A_428, %get3A_427, %max3A_441 : vector<16xf32>
      %min3A_443 = arith.minimumf %select_n3A_420, %get3A_427 : vector<16xf32>
      %select_n3A_444 = arith.select %ne3A_428, %get3A_427, %min3A_443 : vector<16xf32>
      %slice3A_445 = vector.extract_strided_slice %get3A_158 {offsets = [12], sizes = [1], strides = [1]} : vector<16xi32> to vector<1xi32>
      %squeeze3A_446 = vector.extract %slice3A_445[0] : i32 from vector<1xi32>
      %add3A_447 = arith.constant 12 : i32
      %add3A_448 = arith.addi %mul3A_156, %add3A_447 : i32
      %get3A_449 = arith.index_cast %add3A_448 : i32 to index
      %get3A_450 = arith.constant 0 : index
      %get3A_451 = tpu.vector_load %arg9[%get3A_449, %get3A_450] {strides = array<i32>} : memref<2512x16xf32, #tpu.memory_space<vmem>>, vector<16xf32>,
      %ne3A_452 = arith.cmpi ne, %squeeze3A_446, %squeeze3A_422 : i32
      %broadcast_in_dim3A_453 = vector.broadcast %ne3A_452 : i1 to vector<16xi1>
      %broadcast_in_dim3A_454 = vector.broadcast %squeeze3A_422 : i32 to vector<16xi32>
      tpu.vector_store_idx %arg11[%broadcast_in_dim3A_454, %iota3A], %select_n3A_438 masked %broadcast_in_dim3A_453 : memref<512x16xf32, #tpu.memory_space<vmem>>[vector<16xi32>, vector<16xi32>], vector<16xf32>, vector<16xi1>
      tpu.vector_store_idx %arg12[%broadcast_in_dim3A_454, %iota3A], %select_n3A_440 masked %broadcast_in_dim3A_453 : memref<512x16xf32, #tpu.memory_space<vmem>>[vector<16xi32>, vector<16xi32>], vector<16xf32>, vector<16xi1>
      tpu.vector_store_idx %arg13[%broadcast_in_dim3A_454, %iota3A], %select_n3A_442 masked %broadcast_in_dim3A_453 : memref<512x16xf32, #tpu.memory_space<vmem>>[vector<16xi32>, vector<16xi32>], vector<16xf32>, vector<16xi1>
      tpu.vector_store_idx %arg14[%broadcast_in_dim3A_454, %iota3A], %select_n3A_444 masked %broadcast_in_dim3A_453 : memref<512x16xf32, #tpu.memory_space<vmem>>[vector<16xi32>, vector<16xi32>], vector<16xf32>, vector<16xi1>
      %broadcast_in_dim3A_455 = vector.broadcast %select_n3A_436 : f32 to vector<16xf32>
      tpu.vector_store_idx %arg15[%broadcast_in_dim3A_454, %iota3A], %broadcast_in_dim3A_455 masked %broadcast_in_dim3A_453 : memref<520x16xf32, #tpu.memory_space<vmem>>[vector<16xi32>, vector<16xi32>], vector<16xf32>, vector<16xi1>
      %mul3A_456 = arith.mulf %get3A_451, %get3A_451 : vector<16xf32>
      %add3A_457 = arith.constant 1.000000e+00 : f32
      %add3A_458 = arith.addf %select_n3A_436, %add3A_457 : f32
      %jit3A_459 = arith.constant 1.000000e+00 : f32
      %select_n3A_460 = arith.select %ne3A_452, %jit3A_459, %add3A_458 : f32
      %add3A_461 = arith.addf %select_n3A_438, %get3A_451 : vector<16xf32>
      %select_n3A_462 = arith.select %ne3A_452, %get3A_451, %add3A_461 : vector<16xf32>
      %add3A_463 = arith.addf %select_n3A_440, %mul3A_456 : vector<16xf32>
      %select_n3A_464 = arith.select %ne3A_452, %mul3A_456, %add3A_463 : vector<16xf32>
      %max3A_465 = arith.maximumf %select_n3A_442, %get3A_451 : vector<16xf32>
      %select_n3A_466 = arith.select %ne3A_452, %get3A_451, %max3A_465 : vector<16xf32>
      %min3A_467 = arith.minimumf %select_n3A_444, %get3A_451 : vector<16xf32>
      %select_n3A_468 = arith.select %ne3A_452, %get3A_451, %min3A_467 : vector<16xf32>
      %slice3A_469 = vector.extract_strided_slice %get3A_158 {offsets = [13], sizes = [1], strides = [1]} : vector<16xi32> to vector<1xi32>
      %squeeze3A_470 = vector.extract %slice3A_469[0] : i32 from vector<1xi32>
      %add3A_471 = arith.constant 13 : i32
      %add3A_472 = arith.addi %mul3A_156, %add3A_471 : i32
      %get3A_473 = arith.index_cast %add3A_472 : i32 to index
      %get3A_474 = arith.constant 0 : index
      %get3A_475 = tpu.vector_load %arg9[%get3A_473, %get3A_474] {strides = array<i32>} : memref<2512x16xf32, #tpu.memory_space<vmem>>, vector<16xf32>,
      %ne3A_476 = arith.cmpi ne, %squeeze3A_470, %squeeze3A_446 : i32
      %broadcast_in_dim3A_477 = vector.broadcast %ne3A_476 : i1 to vector<16xi1>
      %broadcast_in_dim3A_478 = vector.broadcast %squeeze3A_446 : i32 to vector<16xi32>
      tpu.vector_store_idx %arg11[%broadcast_in_dim3A_478, %iota3A], %select_n3A_462 masked %broadcast_in_dim3A_477 : memref<512x16xf32, #tpu.memory_space<vmem>>[vector<16xi32>, vector<16xi32>], vector<16xf32>, vector<16xi1>
      tpu.vector_store_idx %arg12[%broadcast_in_dim3A_478, %iota3A], %select_n3A_464 masked %broadcast_in_dim3A_477 : memref<512x16xf32, #tpu.memory_space<vmem>>[vector<16xi32>, vector<16xi32>], vector<16xf32>, vector<16xi1>
      tpu.vector_store_idx %arg13[%broadcast_in_dim3A_478, %iota3A], %select_n3A_466 masked %broadcast_in_dim3A_477 : memref<512x16xf32, #tpu.memory_space<vmem>>[vector<16xi32>, vector<16xi32>], vector<16xf32>, vector<16xi1>
      tpu.vector_store_idx %arg14[%broadcast_in_dim3A_478, %iota3A], %select_n3A_468 masked %broadcast_in_dim3A_477 : memref<512x16xf32, #tpu.memory_space<vmem>>[vector<16xi32>, vector<16xi32>], vector<16xf32>, vector<16xi1>
      %broadcast_in_dim3A_479 = vector.broadcast %select_n3A_460 : f32 to vector<16xf32>
      tpu.vector_store_idx %arg15[%broadcast_in_dim3A_478, %iota3A], %broadcast_in_dim3A_479 masked %broadcast_in_dim3A_477 : memref<520x16xf32, #tpu.memory_space<vmem>>[vector<16xi32>, vector<16xi32>], vector<16xf32>, vector<16xi1>
      %mul3A_480 = arith.mulf %get3A_475, %get3A_475 : vector<16xf32>
      %add3A_481 = arith.constant 1.000000e+00 : f32
      %add3A_482 = arith.addf %select_n3A_460, %add3A_481 : f32
      %jit3A_483 = arith.constant 1.000000e+00 : f32
      %select_n3A_484 = arith.select %ne3A_476, %jit3A_483, %add3A_482 : f32
      %add3A_485 = arith.addf %select_n3A_462, %get3A_475 : vector<16xf32>
      %select_n3A_486 = arith.select %ne3A_476, %get3A_475, %add3A_485 : vector<16xf32>
      %add3A_487 = arith.addf %select_n3A_464, %mul3A_480 : vector<16xf32>
      %select_n3A_488 = arith.select %ne3A_476, %mul3A_480, %add3A_487 : vector<16xf32>
      %max3A_489 = arith.maximumf %select_n3A_466, %get3A_475 : vector<16xf32>
      %select_n3A_490 = arith.select %ne3A_476, %get3A_475, %max3A_489 : vector<16xf32>
      %min3A_491 = arith.minimumf %select_n3A_468, %get3A_475 : vector<16xf32>
      %select_n3A_492 = arith.select %ne3A_476, %get3A_475, %min3A_491 : vector<16xf32>
      %slice3A_493 = vector.extract_strided_slice %get3A_158 {offsets = [14], sizes = [1], strides = [1]} : vector<16xi32> to vector<1xi32>
      %squeeze3A_494 = vector.extract %slice3A_493[0] : i32 from vector<1xi32>
      %add3A_495 = arith.constant 14 : i32
      %add3A_496 = arith.addi %mul3A_156, %add3A_495 : i32
      %get3A_497 = arith.index_cast %add3A_496 : i32 to index
      %get3A_498 = arith.constant 0 : index
      %get3A_499 = tpu.vector_load %arg9[%get3A_497, %get3A_498] {strides = array<i32>} : memref<2512x16xf32, #tpu.memory_space<vmem>>, vector<16xf32>,
      %ne3A_500 = arith.cmpi ne, %squeeze3A_494, %squeeze3A_470 : i32
      %broadcast_in_dim3A_501 = vector.broadcast %ne3A_500 : i1 to vector<16xi1>
      %broadcast_in_dim3A_502 = vector.broadcast %squeeze3A_470 : i32 to vector<16xi32>
      tpu.vector_store_idx %arg11[%broadcast_in_dim3A_502, %iota3A], %select_n3A_486 masked %broadcast_in_dim3A_501 : memref<512x16xf32, #tpu.memory_space<vmem>>[vector<16xi32>, vector<16xi32>], vector<16xf32>, vector<16xi1>
      tpu.vector_store_idx %arg12[%broadcast_in_dim3A_502, %iota3A], %select_n3A_488 masked %broadcast_in_dim3A_501 : memref<512x16xf32, #tpu.memory_space<vmem>>[vector<16xi32>, vector<16xi32>], vector<16xf32>, vector<16xi1>
      tpu.vector_store_idx %arg13[%broadcast_in_dim3A_502, %iota3A], %select_n3A_490 masked %broadcast_in_dim3A_501 : memref<512x16xf32, #tpu.memory_space<vmem>>[vector<16xi32>, vector<16xi32>], vector<16xf32>, vector<16xi1>
      tpu.vector_store_idx %arg14[%broadcast_in_dim3A_502, %iota3A], %select_n3A_492 masked %broadcast_in_dim3A_501 : memref<512x16xf32, #tpu.memory_space<vmem>>[vector<16xi32>, vector<16xi32>], vector<16xf32>, vector<16xi1>
      %broadcast_in_dim3A_503 = vector.broadcast %select_n3A_484 : f32 to vector<16xf32>
      tpu.vector_store_idx %arg15[%broadcast_in_dim3A_502, %iota3A], %broadcast_in_dim3A_503 masked %broadcast_in_dim3A_501 : memref<520x16xf32, #tpu.memory_space<vmem>>[vector<16xi32>, vector<16xi32>], vector<16xf32>, vector<16xi1>
      %mul3A_504 = arith.mulf %get3A_499, %get3A_499 : vector<16xf32>
      %add3A_505 = arith.constant 1.000000e+00 : f32
      %add3A_506 = arith.addf %select_n3A_484, %add3A_505 : f32
      %jit3A_507 = arith.constant 1.000000e+00 : f32
      %select_n3A_508 = arith.select %ne3A_500, %jit3A_507, %add3A_506 : f32
      %add3A_509 = arith.addf %select_n3A_486, %get3A_499 : vector<16xf32>
      %select_n3A_510 = arith.select %ne3A_500, %get3A_499, %add3A_509 : vector<16xf32>
      %add3A_511 = arith.addf %select_n3A_488, %mul3A_504 : vector<16xf32>
      %select_n3A_512 = arith.select %ne3A_500, %mul3A_504, %add3A_511 : vector<16xf32>
      %max3A_513 = arith.maximumf %select_n3A_490, %get3A_499 : vector<16xf32>
      %select_n3A_514 = arith.select %ne3A_500, %get3A_499, %max3A_513 : vector<16xf32>
      %min3A_515 = arith.minimumf %select_n3A_492, %get3A_499 : vector<16xf32>
      %select_n3A_516 = arith.select %ne3A_500, %get3A_499, %min3A_515 : vector<16xf32>
      %slice3A_517 = vector.extract_strided_slice %get3A_158 {offsets = [15], sizes = [1], strides = [1]} : vector<16xi32> to vector<1xi32>
      %squeeze3A_518 = vector.extract %slice3A_517[0] : i32 from vector<1xi32>
      %add3A_519 = arith.constant 15 : i32
      %add3A_520 = arith.addi %mul3A_156, %add3A_519 : i32
      %get3A_521 = arith.index_cast %add3A_520 : i32 to index
      %get3A_522 = arith.constant 0 : index
      %get3A_523 = tpu.vector_load %arg9[%get3A_521, %get3A_522] {strides = array<i32>} : memref<2512x16xf32, #tpu.memory_space<vmem>>, vector<16xf32>,
      %ne3A_524 = arith.cmpi ne, %squeeze3A_518, %squeeze3A_494 : i32
      %broadcast_in_dim3A_525 = vector.broadcast %ne3A_524 : i1 to vector<16xi1>
      %broadcast_in_dim3A_526 = vector.broadcast %squeeze3A_494 : i32 to vector<16xi32>
      tpu.vector_store_idx %arg11[%broadcast_in_dim3A_526, %iota3A], %select_n3A_510 masked %broadcast_in_dim3A_525 : memref<512x16xf32, #tpu.memory_space<vmem>>[vector<16xi32>, vector<16xi32>], vector<16xf32>, vector<16xi1>
      tpu.vector_store_idx %arg12[%broadcast_in_dim3A_526, %iota3A], %select_n3A_512 masked %broadcast_in_dim3A_525 : memref<512x16xf32, #tpu.memory_space<vmem>>[vector<16xi32>, vector<16xi32>], vector<16xf32>, vector<16xi1>
      tpu.vector_store_idx %arg13[%broadcast_in_dim3A_526, %iota3A], %select_n3A_514 masked %broadcast_in_dim3A_525 : memref<512x16xf32, #tpu.memory_space<vmem>>[vector<16xi32>, vector<16xi32>], vector<16xf32>, vector<16xi1>
      tpu.vector_store_idx %arg14[%broadcast_in_dim3A_526, %iota3A], %select_n3A_516 masked %broadcast_in_dim3A_525 : memref<512x16xf32, #tpu.memory_space<vmem>>[vector<16xi32>, vector<16xi32>], vector<16xf32>, vector<16xi1>
      %broadcast_in_dim3A_527 = vector.broadcast %select_n3A_508 : f32 to vector<16xf32>
      tpu.vector_store_idx %arg15[%broadcast_in_dim3A_526, %iota3A], %broadcast_in_dim3A_527 masked %broadcast_in_dim3A_525 : memref<520x16xf32, #tpu.memory_space<vmem>>[vector<16xi32>, vector<16xi32>], vector<16xf32>, vector<16xi1>
      %mul3A_528 = arith.mulf %get3A_523, %get3A_523 : vector<16xf32>
      %add3A_529 = arith.constant 1.000000e+00 : f32
      %add3A_530 = arith.addf %select_n3A_508, %add3A_529 : f32
      %jit3A_531 = arith.constant 1.000000e+00 : f32
      %select_n3A_532 = arith.select %ne3A_524, %jit3A_531, %add3A_530 : f32
      %add3A_533 = arith.addf %select_n3A_510, %get3A_523 : vector<16xf32>
      %select_n3A_534 = arith.select %ne3A_524, %get3A_523, %add3A_533 : vector<16xf32>
      %add3A_535 = arith.addf %select_n3A_512, %mul3A_528 : vector<16xf32>
      %select_n3A_536 = arith.select %ne3A_524, %mul3A_528, %add3A_535 : vector<16xf32>
      %max3A_537 = arith.maximumf %select_n3A_514, %get3A_523 : vector<16xf32>
      %select_n3A_538 = arith.select %ne3A_524, %get3A_523, %max3A_537 : vector<16xf32>
      %min3A_539 = arith.minimumf %select_n3A_516, %get3A_523 : vector<16xf32>
      %select_n3A_540 = arith.select %ne3A_524, %get3A_523, %min3A_539 : vector<16xf32>
      scf.yield %squeeze3A_518, %select_n3A_532, %select_n3A_534, %select_n3A_536, %select_n3A_538, %select_n3A_540 : i32, f32, vector<16xf32>, vector<16xf32>, vector<16xf32>, vector<16xf32>
    }
    %broadcast_in_dim3A_95 = vector.broadcast %while3A_94#0 : i32 to vector<16xi32>
    tpu.vector_store_idx %arg11[%broadcast_in_dim3A_95, %iota3A], %while3A_94#2 : memref<512x16xf32, #tpu.memory_space<vmem>>[vector<16xi32>, vector<16xi32>], vector<16xf32>,
    tpu.vector_store_idx %arg12[%broadcast_in_dim3A_95, %iota3A], %while3A_94#3 : memref<512x16xf32, #tpu.memory_space<vmem>>[vector<16xi32>, vector<16xi32>], vector<16xf32>,
    tpu.vector_store_idx %arg13[%broadcast_in_dim3A_95, %iota3A], %while3A_94#4 : memref<512x16xf32, #tpu.memory_space<vmem>>[vector<16xi32>, vector<16xi32>], vector<16xf32>,
    tpu.vector_store_idx %arg14[%broadcast_in_dim3A_95, %iota3A], %while3A_94#5 : memref<512x16xf32, #tpu.memory_space<vmem>>[vector<16xi32>, vector<16xi32>], vector<16xf32>,
    %broadcast_in_dim3A_96 = vector.broadcast %while3A_94#1 : f32 to vector<16xf32>
    tpu.vector_store_idx %arg15[%broadcast_in_dim3A_95, %iota3A], %broadcast_in_dim3A_96 : memref<520x16xf32, #tpu.memory_space<vmem>>[vector<16xi32>, vector<16xi32>], vector<16xf32>,
    %dma_start3A_97 = arith.constant 0 : i32
    %dma_start3A_98 = tpu.memref_slice %arg4[%select_n3A_30, %dma_start3A_97, %mul3A_34] : memref<4x512x128xf32, #tpu.memory_space<hbm>> -> memref<1x512x16xf32, #tpu.memory_space<hbm>>
    %dma_start3A_99 = tpu.memref_squeeze %dma_start3A_98 : memref<1x512x16xf32, #tpu.memory_space<hbm>> -> memref<512x16xf32, #tpu.memory_space<hbm>>
    %dma_start3A_100 = arith.constant 0 : i32
    %dma_start3A_101 = tpu.memref_slice %arg4[%select_n3A_30, %dma_start3A_100, %mul3A_34] : memref<4x512x128xf32, #tpu.memory_space<hbm>> -> memref<1x512x16xf32, #tpu.memory_space<hbm>>
    %dma_start3A_102 = tpu.memref_squeeze %dma_start3A_101 : memref<1x512x16xf32, #tpu.memory_space<hbm>> -> memref<512x16xf32, #tpu.memory_space<hbm>>
    tpu.enqueue_dma source(%arg11 : memref<512x16xf32, #tpu.memory_space<vmem>>) target(%dma_start3A_102 : memref<512x16xf32, #tpu.memory_space<hbm>>) target_semaphore(%arg18 : memref<!tpu.dma_semaphore, #tpu.memory_space<semaphore_mem>>)
    %dma_start3A_103 = arith.constant 0 : i32
    %dma_start3A_104 = tpu.memref_slice %arg5[%select_n3A_30, %dma_start3A_103, %mul3A_34] : memref<4x512x128xf32, #tpu.memory_space<hbm>> -> memref<1x512x16xf32, #tpu.memory_space<hbm>>
    %dma_start3A_105 = tpu.memref_squeeze %dma_start3A_104 : memref<1x512x16xf32, #tpu.memory_space<hbm>> -> memref<512x16xf32, #tpu.memory_space<hbm>>
    %dma_start3A_106 = arith.constant 0 : i32
    %dma_start3A_107 = tpu.memref_slice %arg5[%select_n3A_30, %dma_start3A_106, %mul3A_34] : memref<4x512x128xf32, #tpu.memory_space<hbm>> -> memref<1x512x16xf32, #tpu.memory_space<hbm>>
    %dma_start3A_108 = tpu.memref_squeeze %dma_start3A_107 : memref<1x512x16xf32, #tpu.memory_space<hbm>> -> memref<512x16xf32, #tpu.memory_space<hbm>>
    tpu.enqueue_dma source(%arg12 : memref<512x16xf32, #tpu.memory_space<vmem>>) target(%dma_start3A_108 : memref<512x16xf32, #tpu.memory_space<hbm>>) target_semaphore(%arg18 : memref<!tpu.dma_semaphore, #tpu.memory_space<semaphore_mem>>)
    %dma_start3A_109 = arith.constant 0 : i32
    %dma_start3A_110 = tpu.memref_slice %arg6[%select_n3A_30, %dma_start3A_109, %mul3A_34] : memref<4x512x128xf32, #tpu.memory_space<hbm>> -> memref<1x512x16xf32, #tpu.memory_space<hbm>>
    %dma_start3A_111 = tpu.memref_squeeze %dma_start3A_110 : memref<1x512x16xf32, #tpu.memory_space<hbm>> -> memref<512x16xf32, #tpu.memory_space<hbm>>
    %dma_start3A_112 = arith.constant 0 : i32
    %dma_start3A_113 = tpu.memref_slice %arg6[%select_n3A_30, %dma_start3A_112, %mul3A_34] : memref<4x512x128xf32, #tpu.memory_space<hbm>> -> memref<1x512x16xf32, #tpu.memory_space<hbm>>
    %dma_start3A_114 = tpu.memref_squeeze %dma_start3A_113 : memref<1x512x16xf32, #tpu.memory_space<hbm>> -> memref<512x16xf32, #tpu.memory_space<hbm>>
    tpu.enqueue_dma source(%arg13 : memref<512x16xf32, #tpu.memory_space<vmem>>) target(%dma_start3A_114 : memref<512x16xf32, #tpu.memory_space<hbm>>) target_semaphore(%arg18 : memref<!tpu.dma_semaphore, #tpu.memory_space<semaphore_mem>>)
    %dma_start3A_115 = arith.constant 0 : i32
    %dma_start3A_116 = tpu.memref_slice %arg7[%select_n3A_30, %dma_start3A_115, %mul3A_34] : memref<4x512x128xf32, #tpu.memory_space<hbm>> -> memref<1x512x16xf32, #tpu.memory_space<hbm>>
    %dma_start3A_117 = tpu.memref_squeeze %dma_start3A_116 : memref<1x512x16xf32, #tpu.memory_space<hbm>> -> memref<512x16xf32, #tpu.memory_space<hbm>>
    %dma_start3A_118 = arith.constant 0 : i32
    %dma_start3A_119 = tpu.memref_slice %arg7[%select_n3A_30, %dma_start3A_118, %mul3A_34] : memref<4x512x128xf32, #tpu.memory_space<hbm>> -> memref<1x512x16xf32, #tpu.memory_space<hbm>>
    %dma_start3A_120 = tpu.memref_squeeze %dma_start3A_119 : memref<1x512x16xf32, #tpu.memory_space<hbm>> -> memref<512x16xf32, #tpu.memory_space<hbm>>
    tpu.enqueue_dma source(%arg14 : memref<512x16xf32, #tpu.memory_space<vmem>>) target(%dma_start3A_120 : memref<512x16xf32, #tpu.memory_space<hbm>>) target_semaphore(%arg18 : memref<!tpu.dma_semaphore, #tpu.memory_space<semaphore_mem>>)
    %dma_wait3A_121 = arith.constant 0 : i32
    %dma_wait3A_122 = tpu.memref_slice %arg4[%select_n3A_30, %dma_wait3A_121, %mul3A_34] : memref<4x512x128xf32, #tpu.memory_space<hbm>> -> memref<1x512x16xf32, #tpu.memory_space<hbm>>
    %dma_wait3A_123 = tpu.memref_squeeze %dma_wait3A_122 : memref<1x512x16xf32, #tpu.memory_space<hbm>> -> memref<512x16xf32, #tpu.memory_space<hbm>>
    %dma_wait3A_124 = arith.constant 0 : i32
    %dma_wait3A_125 = tpu.memref_slice %arg4[%select_n3A_30, %dma_wait3A_124, %mul3A_34] : memref<4x512x128xf32, #tpu.memory_space<hbm>> -> memref<1x512x16xf32, #tpu.memory_space<hbm>>
    %dma_wait3A_126 = tpu.memref_squeeze %dma_wait3A_125 : memref<1x512x16xf32, #tpu.memory_space<hbm>> -> memref<512x16xf32, #tpu.memory_space<hbm>>
    tpu.wait_dma2 semaphore(%arg18 : memref<!tpu.dma_semaphore, #tpu.memory_space<semaphore_mem>>) src(%arg11 : memref<512x16xf32, #tpu.memory_space<vmem>>) dst(%dma_wait3A_126 : memref<512x16xf32, #tpu.memory_space<hbm>>)
    %dma_wait3A_127 = arith.constant 0 : i32
    %dma_wait3A_128 = tpu.memref_slice %arg5[%select_n3A_30, %dma_wait3A_127, %mul3A_34] : memref<4x512x128xf32, #tpu.memory_space<hbm>> -> memref<1x512x16xf32, #tpu.memory_space<hbm>>
    %dma_wait3A_129 = tpu.memref_squeeze %dma_wait3A_128 : memref<1x512x16xf32, #tpu.memory_space<hbm>> -> memref<512x16xf32, #tpu.memory_space<hbm>>
    %dma_wait3A_130 = arith.constant 0 : i32
    %dma_wait3A_131 = tpu.memref_slice %arg5[%select_n3A_30, %dma_wait3A_130, %mul3A_34] : memref<4x512x128xf32, #tpu.memory_space<hbm>> -> memref<1x512x16xf32, #tpu.memory_space<hbm>>
    %dma_wait3A_132 = tpu.memref_squeeze %dma_wait3A_131 : memref<1x512x16xf32, #tpu.memory_space<hbm>> -> memref<512x16xf32, #tpu.memory_space<hbm>>
    tpu.wait_dma2 semaphore(%arg18 : memref<!tpu.dma_semaphore, #tpu.memory_space<semaphore_mem>>) src(%arg12 : memref<512x16xf32, #tpu.memory_space<vmem>>) dst(%dma_wait3A_132 : memref<512x16xf32, #tpu.memory_space<hbm>>)
    %dma_wait3A_133 = arith.constant 0 : i32
    %dma_wait3A_134 = tpu.memref_slice %arg6[%select_n3A_30, %dma_wait3A_133, %mul3A_34] : memref<4x512x128xf32, #tpu.memory_space<hbm>> -> memref<1x512x16xf32, #tpu.memory_space<hbm>>
    %dma_wait3A_135 = tpu.memref_squeeze %dma_wait3A_134 : memref<1x512x16xf32, #tpu.memory_space<hbm>> -> memref<512x16xf32, #tpu.memory_space<hbm>>
    %dma_wait3A_136 = arith.constant 0 : i32
    %dma_wait3A_137 = tpu.memref_slice %arg6[%select_n3A_30, %dma_wait3A_136, %mul3A_34] : memref<4x512x128xf32, #tpu.memory_space<hbm>> -> memref<1x512x16xf32, #tpu.memory_space<hbm>>
    %dma_wait3A_138 = tpu.memref_squeeze %dma_wait3A_137 : memref<1x512x16xf32, #tpu.memory_space<hbm>> -> memref<512x16xf32, #tpu.memory_space<hbm>>
    tpu.wait_dma2 semaphore(%arg18 : memref<!tpu.dma_semaphore, #tpu.memory_space<semaphore_mem>>) src(%arg13 : memref<512x16xf32, #tpu.memory_space<vmem>>) dst(%dma_wait3A_138 : memref<512x16xf32, #tpu.memory_space<hbm>>)
    %dma_wait3A_139 = arith.constant 0 : i32
    %dma_wait3A_140 = tpu.memref_slice %arg7[%select_n3A_30, %dma_wait3A_139, %mul3A_34] : memref<4x512x128xf32, #tpu.memory_space<hbm>> -> memref<1x512x16xf32, #tpu.memory_space<hbm>>
    %dma_wait3A_141 = tpu.memref_squeeze %dma_wait3A_140 : memref<1x512x16xf32, #tpu.memory_space<hbm>> -> memref<512x16xf32, #tpu.memory_space<hbm>>
    %dma_wait3A_142 = arith.constant 0 : i32
    %dma_wait3A_143 = tpu.memref_slice %arg7[%select_n3A_30, %dma_wait3A_142, %mul3A_34] : memref<4x512x128xf32, #tpu.memory_space<hbm>> -> memref<1x512x16xf32, #tpu.memory_space<hbm>>
    %dma_wait3A_144 = tpu.memref_squeeze %dma_wait3A_143 : memref<1x512x16xf32, #tpu.memory_space<hbm>> -> memref<512x16xf32, #tpu.memory_space<hbm>>
    tpu.wait_dma2 semaphore(%arg18 : memref<!tpu.dma_semaphore, #tpu.memory_space<semaphore_mem>>) src(%arg14 : memref<512x16xf32, #tpu.memory_space<vmem>>) dst(%dma_wait3A_144 : memref<512x16xf32, #tpu.memory_space<hbm>>)
    %eq3A_145 = arith.constant 0 : i32
    %eq3A_146 = arith.cmpi eq, %select_n3A, %eq3A_145 : i32
    %convert_element_type3A = arith.extui %eq3A_146 : i1 to i32
    %cond3A = arith.constant 0 : i32
    %cond3A_147 = arith.cmpi ne, %convert_element_type3A, %cond3A : i32
    scf.if %cond3A_147 {
      %convert_element_type3A_148 = arith.sitofp %squeeze3A : i32 to f32
      %broadcast_in_dim3A_149 = vector.broadcast %convert_element_type3A_148 : f32 to vector<16xf32>
      %swap3A = arith.constant 512 : i32
      %swap3A_150 = arith.index_cast %swap3A : i32 to index
      %swap3A_151 = arith.constant 0 : index
      %swap3A_152 = tpu.vector_load %arg15[%swap3A_150, %swap3A_151] {strides = array<i32>} : memref<520x16xf32, #tpu.memory_space<vmem>>, vector<16xf32>,
      tpu.vector_store %arg15[%swap3A_150, %swap3A_151], %broadcast_in_dim3A_149 {strides = array<i32>} : memref<520x16xf32, #tpu.memory_space<vmem>>, vector<16xf32>,
      %convert_element_type3A_153 = arith.sitofp %while3A_94#0 : i32 to f32
      %broadcast_in_dim3A_154 = vector.broadcast %convert_element_type3A_153 : f32 to vector<16xf32>
      %swap3A_155 = arith.constant 513 : i32
      %swap3A_156 = arith.index_cast %swap3A_155 : i32 to index
      %swap3A_157 = arith.constant 0 : index
      %swap3A_158 = tpu.vector_load %arg15[%swap3A_156, %swap3A_157] {strides = array<i32>} : memref<520x16xf32, #tpu.memory_space<vmem>>, vector<16xf32>,
      tpu.vector_store %arg15[%swap3A_156, %swap3A_157], %broadcast_in_dim3A_154 {strides = array<i32>} : memref<520x16xf32, #tpu.memory_space<vmem>>, vector<16xf32>,
      "tpu.region"() ({
        %run_scoped3A = tpu.sem_alloc : memref<!tpu.dma_semaphore, #tpu.memory_space<semaphore_mem>>
        %dma_start3A_159 = arith.constant 0 : i32
        %dma_start3A_160 = arith.constant 0 : i32
        %dma_start3A_161 = tpu.memref_slice %arg8[%select_n3A_30, %dma_start3A_159, %dma_start3A_160] : memref<4x520x128xf32, #tpu.memory_space<hbm>> -> memref<1x520x16xf32, #tpu.memory_space<hbm>>
        %dma_start3A_162 = tpu.memref_squeeze %dma_start3A_161 : memref<1x520x16xf32, #tpu.memory_space<hbm>> -> memref<520x16xf32, #tpu.memory_space<hbm>>
        %dma_start3A_163 = arith.constant 0 : i32
        %dma_start3A_164 = arith.constant 0 : i32
        %dma_start3A_165 = tpu.memref_slice %arg8[%select_n3A_30, %dma_start3A_163, %dma_start3A_164] : memref<4x520x128xf32, #tpu.memory_space<hbm>> -> memref<1x520x16xf32, #tpu.memory_space<hbm>>
        %dma_start3A_166 = tpu.memref_squeeze %dma_start3A_165 : memref<1x520x16xf32, #tpu.memory_space<hbm>> -> memref<520x16xf32, #tpu.memory_space<hbm>>
        tpu.enqueue_dma source(%arg15 : memref<520x16xf32, #tpu.memory_space<vmem>>) target(%dma_start3A_166 : memref<520x16xf32, #tpu.memory_space<hbm>>) target_semaphore(%run_scoped3A : memref<!tpu.dma_semaphore, #tpu.memory_space<semaphore_mem>>)
        %dma_wait3A_167 = arith.constant 0 : i32
        %dma_wait3A_168 = arith.constant 0 : i32
        %dma_wait3A_169 = tpu.memref_slice %arg8[%select_n3A_30, %dma_wait3A_167, %dma_wait3A_168] : memref<4x520x128xf32, #tpu.memory_space<hbm>> -> memref<1x520x16xf32, #tpu.memory_space<hbm>>
        %dma_wait3A_170 = tpu.memref_squeeze %dma_wait3A_169 : memref<1x520x16xf32, #tpu.memory_space<hbm>> -> memref<520x16xf32, #tpu.memory_space<hbm>>
        %dma_wait3A_171 = arith.constant 0 : i32
        %dma_wait3A_172 = arith.constant 0 : i32
        %dma_wait3A_173 = tpu.memref_slice %arg8[%select_n3A_30, %dma_wait3A_171, %dma_wait3A_172] : memref<4x520x128xf32, #tpu.memory_space<hbm>> -> memref<1x520x16xf32, #tpu.memory_space<hbm>>
        %dma_wait3A_174 = tpu.memref_squeeze %dma_wait3A_173 : memref<1x520x16xf32, #tpu.memory_space<hbm>> -> memref<520x16xf32, #tpu.memory_space<hbm>>
        tpu.wait_dma2 semaphore(%run_scoped3A : memref<!tpu.dma_semaphore, #tpu.memory_space<semaphore_mem>>) src(%arg15 : memref<520x16xf32, #tpu.memory_space<vmem>>) dst(%dma_wait3A_174 : memref<520x16xf32, #tpu.memory_space<hbm>>)
        tpu.yield
      }) : () -> ()
    } else {
    }
    return
  }
}

module attributes {stable_mosaic.version = 14 : i64} {
  func.func @_tc_finish_body(%arg0: memref<4x512x128xf32, #tpu.memory_space<vmem>>, %arg1: memref<4x512x128xf32, #tpu.memory_space<vmem>>, %arg2: memref<4x512x128xf32, #tpu.memory_space<vmem>>, %arg3: memref<4x512x128xf32, #tpu.memory_space<vmem>>, %arg4: memref<4x520x128xf32, #tpu.memory_space<vmem>>, %arg5: memref<512x128xf32, #tpu.memory_space<vmem>>, %arg6: memref<640x256xf32, #tpu.memory_space<vmem>>, %arg7: memref<1x256xf32, #tpu.memory_space<vmem>>, %arg8: memref<1x256xf32, #tpu.memory_space<vmem>>, %arg9: memref<1x256xf32, #tpu.memory_space<vmem>>, %arg10: memref<256x128xf32, #tpu.memory_space<vmem>>, %arg11: memref<1x128xf32, #tpu.memory_space<vmem>>, %arg12: memref<512x128xf32, #tpu.memory_space<vmem>>) attributes {dimension_semantics = [], scalar_prefetch = 0 : i64, scratch_operands = 0 : i64, tpu.core_type = #tpu.core_type<tc>} {
    %iota3A = tpu.iota {dimensions = array<i32: 0>} : vector<512x1xi32>
    %convert_element_type3A = arith.sitofp %iota3A : vector<512x1xi32> to vector<512x1xf32>
    %broadcast_in_dim3A = arith.constant 0.000000e+00 : f32
    %broadcast_in_dim3A_0 = vector.broadcast %broadcast_in_dim3A : f32 to vector<512x128xf32>
    %broadcast_in_dim3A_1 = arith.constant 0.000000e+00 : f32
    %broadcast_in_dim3A_2 = vector.broadcast %broadcast_in_dim3A_1 : f32 to vector<512x128xf32>
    %broadcast_in_dim3A_3 = arith.constant 0xFF800000 : f32
    %broadcast_in_dim3A_4 = vector.broadcast %broadcast_in_dim3A_3 : f32 to vector<512x128xf32>
    %broadcast_in_dim3A_5 = arith.constant 0x7F800000 : f32
    %broadcast_in_dim3A_6 = vector.broadcast %broadcast_in_dim3A_5 : f32 to vector<512x128xf32>
    %broadcast_in_dim3A_7 = arith.constant 0.000000e+00 : f32
    %broadcast_in_dim3A_8 = vector.broadcast %broadcast_in_dim3A_7 : f32 to vector<512x1xf32>
    %get3A = arith.constant 0 : index
    %get3A_9 = arith.constant 512 : index
    %get3A_10 = arith.constant 0 : index
    %get3A_11 = vector.load %arg4[%get3A, %get3A_9, %get3A_10] : memref<4x520x128xf32, #tpu.memory_space<vmem>>, vector<1x1x1xf32>
    %get3A_12 = vector.shape_cast %get3A_11 : vector<1x1x1xf32> to vector<1x1xf32>
    %get3A_13 = arith.constant 0 : index
    %get3A_14 = arith.constant 513 : index
    %get3A_15 = arith.constant 0 : index
    %get3A_16 = vector.load %arg4[%get3A_13, %get3A_14, %get3A_15] : memref<4x520x128xf32, #tpu.memory_space<vmem>>, vector<1x1x1xf32>
    %get3A_17 = vector.shape_cast %get3A_16 : vector<1x1x1xf32> to vector<1x1xf32>
    %ge3A = vector.broadcast %get3A_12 : vector<1x1xf32> to vector<512x1xf32>
    %ge3A_18 = arith.cmpf oge, %convert_element_type3A, %ge3A : vector<512x1xf32>
    %le3A = vector.broadcast %get3A_17 : vector<1x1xf32> to vector<512x1xf32>
    %le3A_19 = arith.cmpf ole, %convert_element_type3A, %le3A : vector<512x1xf32>
    %and3A = arith.andi %ge3A_18, %le3A_19 : vector<512x1xi1>
    %get3A_20 = arith.constant 0 : index
    %get3A_21 = arith.constant 0 : index
    %get3A_22 = arith.constant 0 : index
    %get3A_23 = vector.load %arg0[%get3A_20, %get3A_21, %get3A_22] : memref<4x512x128xf32, #tpu.memory_space<vmem>>, vector<1x512x128xf32>
    %get3A_24 = vector.shape_cast %get3A_23 : vector<1x512x128xf32> to vector<512x128xf32>
    %jit3A = arith.constant 0.000000e+00 : f32
    %broadcast_in_dim3A_25 = vector.shape_cast %and3A : vector<512x1xi1> to vector<512x1xi1>
    %broadcast_in_dim3A_26 = vector.broadcast %broadcast_in_dim3A_25 : vector<512x1xi1> to vector<512x128xi1>
    %broadcast_in_dim3A_27 = vector.broadcast %jit3A : f32 to vector<512x128xf32>
    %select_n3A = arith.select %broadcast_in_dim3A_26, %get3A_24, %broadcast_in_dim3A_27 : vector<512x128xi1>, vector<512x128xf32>
    %add3A = arith.addf %broadcast_in_dim3A_0, %select_n3A : vector<512x128xf32>
    %get3A_28 = arith.constant 0 : index
    %get3A_29 = arith.constant 0 : index
    %get3A_30 = arith.constant 0 : index
    %get3A_31 = vector.load %arg1[%get3A_28, %get3A_29, %get3A_30] : memref<4x512x128xf32, #tpu.memory_space<vmem>>, vector<1x512x128xf32>
    %get3A_32 = vector.shape_cast %get3A_31 : vector<1x512x128xf32> to vector<512x128xf32>
    %jit3A_33 = arith.constant 0.000000e+00 : f32
    %broadcast_in_dim3A_34 = vector.shape_cast %and3A : vector<512x1xi1> to vector<512x1xi1>
    %broadcast_in_dim3A_35 = vector.broadcast %broadcast_in_dim3A_34 : vector<512x1xi1> to vector<512x128xi1>
    %broadcast_in_dim3A_36 = vector.broadcast %jit3A_33 : f32 to vector<512x128xf32>
    %select_n3A_37 = arith.select %broadcast_in_dim3A_35, %get3A_32, %broadcast_in_dim3A_36 : vector<512x128xi1>, vector<512x128xf32>
    %add3A_38 = arith.addf %broadcast_in_dim3A_2, %select_n3A_37 : vector<512x128xf32>
    %get3A_39 = arith.constant 0 : index
    %get3A_40 = arith.constant 0 : index
    %get3A_41 = arith.constant 0 : index
    %get3A_42 = vector.load %arg2[%get3A_39, %get3A_40, %get3A_41] : memref<4x512x128xf32, #tpu.memory_space<vmem>>, vector<1x512x128xf32>
    %get3A_43 = vector.shape_cast %get3A_42 : vector<1x512x128xf32> to vector<512x128xf32>
    %jit3A_44 = arith.constant 0xFF800000 : f32
    %broadcast_in_dim3A_45 = vector.shape_cast %and3A : vector<512x1xi1> to vector<512x1xi1>
    %broadcast_in_dim3A_46 = vector.broadcast %broadcast_in_dim3A_45 : vector<512x1xi1> to vector<512x128xi1>
    %broadcast_in_dim3A_47 = vector.broadcast %jit3A_44 : f32 to vector<512x128xf32>
    %select_n3A_48 = arith.select %broadcast_in_dim3A_46, %get3A_43, %broadcast_in_dim3A_47 : vector<512x128xi1>, vector<512x128xf32>
    %max3A = arith.maximumf %broadcast_in_dim3A_4, %select_n3A_48 : vector<512x128xf32>
    %get3A_49 = arith.constant 0 : index
    %get3A_50 = arith.constant 0 : index
    %get3A_51 = arith.constant 0 : index
    %get3A_52 = vector.load %arg3[%get3A_49, %get3A_50, %get3A_51] : memref<4x512x128xf32, #tpu.memory_space<vmem>>, vector<1x512x128xf32>
    %get3A_53 = vector.shape_cast %get3A_52 : vector<1x512x128xf32> to vector<512x128xf32>
    %jit3A_54 = arith.constant 0x7F800000 : f32
    %broadcast_in_dim3A_55 = vector.shape_cast %and3A : vector<512x1xi1> to vector<512x1xi1>
    %broadcast_in_dim3A_56 = vector.broadcast %broadcast_in_dim3A_55 : vector<512x1xi1> to vector<512x128xi1>
    %broadcast_in_dim3A_57 = vector.broadcast %jit3A_54 : f32 to vector<512x128xf32>
    %select_n3A_58 = arith.select %broadcast_in_dim3A_56, %get3A_53, %broadcast_in_dim3A_57 : vector<512x128xi1>, vector<512x128xf32>
    %min3A = arith.minimumf %broadcast_in_dim3A_6, %select_n3A_58 : vector<512x128xf32>
    %get3A_59 = arith.constant 0 : index
    %get3A_60 = arith.constant 0 : index
    %get3A_61 = arith.constant 0 : index
    %get3A_62 = vector.load %arg4[%get3A_59, %get3A_60, %get3A_61] : memref<4x520x128xf32, #tpu.memory_space<vmem>>, vector<1x512x1xf32>
    %get3A_63 = vector.shape_cast %get3A_62 : vector<1x512x1xf32> to vector<512x1xf32>
    %jit3A_64 = arith.constant 0.000000e+00 : f32
    %broadcast_in_dim3A_65 = vector.broadcast %jit3A_64 : f32 to vector<512x1xf32>
    %select_n3A_66 = arith.select %and3A, %get3A_63, %broadcast_in_dim3A_65 : vector<512x1xi1>, vector<512x1xf32>
    %add3A_67 = arith.addf %broadcast_in_dim3A_8, %select_n3A_66 : vector<512x1xf32>
    %get3A_68 = arith.constant 1 : index
    %get3A_69 = arith.constant 512 : index
    %get3A_70 = arith.constant 0 : index
    %get3A_71 = vector.load %arg4[%get3A_68, %get3A_69, %get3A_70] : memref<4x520x128xf32, #tpu.memory_space<vmem>>, vector<1x1x1xf32>
    %get3A_72 = vector.shape_cast %get3A_71 : vector<1x1x1xf32> to vector<1x1xf32>
    %get3A_73 = arith.constant 1 : index
    %get3A_74 = arith.constant 513 : index
    %get3A_75 = arith.constant 0 : index
    %get3A_76 = vector.load %arg4[%get3A_73, %get3A_74, %get3A_75] : memref<4x520x128xf32, #tpu.memory_space<vmem>>, vector<1x1x1xf32>
    %get3A_77 = vector.shape_cast %get3A_76 : vector<1x1x1xf32> to vector<1x1xf32>
    %ge3A_78 = vector.broadcast %get3A_72 : vector<1x1xf32> to vector<512x1xf32>
    %ge3A_79 = arith.cmpf oge, %convert_element_type3A, %ge3A_78 : vector<512x1xf32>
    %le3A_80 = vector.broadcast %get3A_77 : vector<1x1xf32> to vector<512x1xf32>
    %le3A_81 = arith.cmpf ole, %convert_element_type3A, %le3A_80 : vector<512x1xf32>
    %and3A_82 = arith.andi %ge3A_79, %le3A_81 : vector<512x1xi1>
    %get3A_83 = arith.constant 1 : index
    %get3A_84 = arith.constant 0 : index
    %get3A_85 = arith.constant 0 : index
    %get3A_86 = vector.load %arg0[%get3A_83, %get3A_84, %get3A_85] : memref<4x512x128xf32, #tpu.memory_space<vmem>>, vector<1x512x128xf32>
    %get3A_87 = vector.shape_cast %get3A_86 : vector<1x512x128xf32> to vector<512x128xf32>
    %jit3A_88 = arith.constant 0.000000e+00 : f32
    %broadcast_in_dim3A_89 = vector.shape_cast %and3A_82 : vector<512x1xi1> to vector<512x1xi1>
    %broadcast_in_dim3A_90 = vector.broadcast %broadcast_in_dim3A_89 : vector<512x1xi1> to vector<512x128xi1>
    %broadcast_in_dim3A_91 = vector.broadcast %jit3A_88 : f32 to vector<512x128xf32>
    %select_n3A_92 = arith.select %broadcast_in_dim3A_90, %get3A_87, %broadcast_in_dim3A_91 : vector<512x128xi1>, vector<512x128xf32>
    %add3A_93 = arith.addf %add3A, %select_n3A_92 : vector<512x128xf32>
    %get3A_94 = arith.constant 1 : index
    %get3A_95 = arith.constant 0 : index
    %get3A_96 = arith.constant 0 : index
    %get3A_97 = vector.load %arg1[%get3A_94, %get3A_95, %get3A_96] : memref<4x512x128xf32, #tpu.memory_space<vmem>>, vector<1x512x128xf32>
    %get3A_98 = vector.shape_cast %get3A_97 : vector<1x512x128xf32> to vector<512x128xf32>
    %jit3A_99 = arith.constant 0.000000e+00 : f32
    %broadcast_in_dim3A_100 = vector.shape_cast %and3A_82 : vector<512x1xi1> to vector<512x1xi1>
    %broadcast_in_dim3A_101 = vector.broadcast %broadcast_in_dim3A_100 : vector<512x1xi1> to vector<512x128xi1>
    %broadcast_in_dim3A_102 = vector.broadcast %jit3A_99 : f32 to vector<512x128xf32>
    %select_n3A_103 = arith.select %broadcast_in_dim3A_101, %get3A_98, %broadcast_in_dim3A_102 : vector<512x128xi1>, vector<512x128xf32>
    %add3A_104 = arith.addf %add3A_38, %select_n3A_103 : vector<512x128xf32>
    %get3A_105 = arith.constant 1 : index
    %get3A_106 = arith.constant 0 : index
    %get3A_107 = arith.constant 0 : index
    %get3A_108 = vector.load %arg2[%get3A_105, %get3A_106, %get3A_107] : memref<4x512x128xf32, #tpu.memory_space<vmem>>, vector<1x512x128xf32>
    %get3A_109 = vector.shape_cast %get3A_108 : vector<1x512x128xf32> to vector<512x128xf32>
    %jit3A_110 = arith.constant 0xFF800000 : f32
    %broadcast_in_dim3A_111 = vector.shape_cast %and3A_82 : vector<512x1xi1> to vector<512x1xi1>
    %broadcast_in_dim3A_112 = vector.broadcast %broadcast_in_dim3A_111 : vector<512x1xi1> to vector<512x128xi1>
    %broadcast_in_dim3A_113 = vector.broadcast %jit3A_110 : f32 to vector<512x128xf32>
    %select_n3A_114 = arith.select %broadcast_in_dim3A_112, %get3A_109, %broadcast_in_dim3A_113 : vector<512x128xi1>, vector<512x128xf32>
    %max3A_115 = arith.maximumf %max3A, %select_n3A_114 : vector<512x128xf32>
    %get3A_116 = arith.constant 1 : index
    %get3A_117 = arith.constant 0 : index
    %get3A_118 = arith.constant 0 : index
    %get3A_119 = vector.load %arg3[%get3A_116, %get3A_117, %get3A_118] : memref<4x512x128xf32, #tpu.memory_space<vmem>>, vector<1x512x128xf32>
    %get3A_120 = vector.shape_cast %get3A_119 : vector<1x512x128xf32> to vector<512x128xf32>
    %jit3A_121 = arith.constant 0x7F800000 : f32
    %broadcast_in_dim3A_122 = vector.shape_cast %and3A_82 : vector<512x1xi1> to vector<512x1xi1>
    %broadcast_in_dim3A_123 = vector.broadcast %broadcast_in_dim3A_122 : vector<512x1xi1> to vector<512x128xi1>
    %broadcast_in_dim3A_124 = vector.broadcast %jit3A_121 : f32 to vector<512x128xf32>
    %select_n3A_125 = arith.select %broadcast_in_dim3A_123, %get3A_120, %broadcast_in_dim3A_124 : vector<512x128xi1>, vector<512x128xf32>
    %min3A_126 = arith.minimumf %min3A, %select_n3A_125 : vector<512x128xf32>
    %get3A_127 = arith.constant 1 : index
    %get3A_128 = arith.constant 0 : index
    %get3A_129 = arith.constant 0 : index
    %get3A_130 = vector.load %arg4[%get3A_127, %get3A_128, %get3A_129] : memref<4x520x128xf32, #tpu.memory_space<vmem>>, vector<1x512x1xf32>
    %get3A_131 = vector.shape_cast %get3A_130 : vector<1x512x1xf32> to vector<512x1xf32>
    %jit3A_132 = arith.constant 0.000000e+00 : f32
    %broadcast_in_dim3A_133 = vector.broadcast %jit3A_132 : f32 to vector<512x1xf32>
    %select_n3A_134 = arith.select %and3A_82, %get3A_131, %broadcast_in_dim3A_133 : vector<512x1xi1>, vector<512x1xf32>
    %add3A_135 = arith.addf %add3A_67, %select_n3A_134 : vector<512x1xf32>
    %get3A_136 = arith.constant 2 : index
    %get3A_137 = arith.constant 512 : index
    %get3A_138 = arith.constant 0 : index
    %get3A_139 = vector.load %arg4[%get3A_136, %get3A_137, %get3A_138] : memref<4x520x128xf32, #tpu.memory_space<vmem>>, vector<1x1x1xf32>
    %get3A_140 = vector.shape_cast %get3A_139 : vector<1x1x1xf32> to vector<1x1xf32>
    %get3A_141 = arith.constant 2 : index
    %get3A_142 = arith.constant 513 : index
    %get3A_143 = arith.constant 0 : index
    %get3A_144 = vector.load %arg4[%get3A_141, %get3A_142, %get3A_143] : memref<4x520x128xf32, #tpu.memory_space<vmem>>, vector<1x1x1xf32>
    %get3A_145 = vector.shape_cast %get3A_144 : vector<1x1x1xf32> to vector<1x1xf32>
    %ge3A_146 = vector.broadcast %get3A_140 : vector<1x1xf32> to vector<512x1xf32>
    %ge3A_147 = arith.cmpf oge, %convert_element_type3A, %ge3A_146 : vector<512x1xf32>
    %le3A_148 = vector.broadcast %get3A_145 : vector<1x1xf32> to vector<512x1xf32>
    %le3A_149 = arith.cmpf ole, %convert_element_type3A, %le3A_148 : vector<512x1xf32>
    %and3A_150 = arith.andi %ge3A_147, %le3A_149 : vector<512x1xi1>
    %get3A_151 = arith.constant 2 : index
    %get3A_152 = arith.constant 0 : index
    %get3A_153 = arith.constant 0 : index
    %get3A_154 = vector.load %arg0[%get3A_151, %get3A_152, %get3A_153] : memref<4x512x128xf32, #tpu.memory_space<vmem>>, vector<1x512x128xf32>
    %get3A_155 = vector.shape_cast %get3A_154 : vector<1x512x128xf32> to vector<512x128xf32>
    %jit3A_156 = arith.constant 0.000000e+00 : f32
    %broadcast_in_dim3A_157 = vector.shape_cast %and3A_150 : vector<512x1xi1> to vector<512x1xi1>
    %broadcast_in_dim3A_158 = vector.broadcast %broadcast_in_dim3A_157 : vector<512x1xi1> to vector<512x128xi1>
    %broadcast_in_dim3A_159 = vector.broadcast %jit3A_156 : f32 to vector<512x128xf32>
    %select_n3A_160 = arith.select %broadcast_in_dim3A_158, %get3A_155, %broadcast_in_dim3A_159 : vector<512x128xi1>, vector<512x128xf32>
    %add3A_161 = arith.addf %add3A_93, %select_n3A_160 : vector<512x128xf32>
    %get3A_162 = arith.constant 2 : index
    %get3A_163 = arith.constant 0 : index
    %get3A_164 = arith.constant 0 : index
    %get3A_165 = vector.load %arg1[%get3A_162, %get3A_163, %get3A_164] : memref<4x512x128xf32, #tpu.memory_space<vmem>>, vector<1x512x128xf32>
    %get3A_166 = vector.shape_cast %get3A_165 : vector<1x512x128xf32> to vector<512x128xf32>
    %jit3A_167 = arith.constant 0.000000e+00 : f32
    %broadcast_in_dim3A_168 = vector.shape_cast %and3A_150 : vector<512x1xi1> to vector<512x1xi1>
    %broadcast_in_dim3A_169 = vector.broadcast %broadcast_in_dim3A_168 : vector<512x1xi1> to vector<512x128xi1>
    %broadcast_in_dim3A_170 = vector.broadcast %jit3A_167 : f32 to vector<512x128xf32>
    %select_n3A_171 = arith.select %broadcast_in_dim3A_169, %get3A_166, %broadcast_in_dim3A_170 : vector<512x128xi1>, vector<512x128xf32>
    %add3A_172 = arith.addf %add3A_104, %select_n3A_171 : vector<512x128xf32>
    %get3A_173 = arith.constant 2 : index
    %get3A_174 = arith.constant 0 : index
    %get3A_175 = arith.constant 0 : index
    %get3A_176 = vector.load %arg2[%get3A_173, %get3A_174, %get3A_175] : memref<4x512x128xf32, #tpu.memory_space<vmem>>, vector<1x512x128xf32>
    %get3A_177 = vector.shape_cast %get3A_176 : vector<1x512x128xf32> to vector<512x128xf32>
    %jit3A_178 = arith.constant 0xFF800000 : f32
    %broadcast_in_dim3A_179 = vector.shape_cast %and3A_150 : vector<512x1xi1> to vector<512x1xi1>
    %broadcast_in_dim3A_180 = vector.broadcast %broadcast_in_dim3A_179 : vector<512x1xi1> to vector<512x128xi1>
    %broadcast_in_dim3A_181 = vector.broadcast %jit3A_178 : f32 to vector<512x128xf32>
    %select_n3A_182 = arith.select %broadcast_in_dim3A_180, %get3A_177, %broadcast_in_dim3A_181 : vector<512x128xi1>, vector<512x128xf32>
    %max3A_183 = arith.maximumf %max3A_115, %select_n3A_182 : vector<512x128xf32>
    %get3A_184 = arith.constant 2 : index
    %get3A_185 = arith.constant 0 : index
    %get3A_186 = arith.constant 0 : index
    %get3A_187 = vector.load %arg3[%get3A_184, %get3A_185, %get3A_186] : memref<4x512x128xf32, #tpu.memory_space<vmem>>, vector<1x512x128xf32>
    %get3A_188 = vector.shape_cast %get3A_187 : vector<1x512x128xf32> to vector<512x128xf32>
    %jit3A_189 = arith.constant 0x7F800000 : f32
    %broadcast_in_dim3A_190 = vector.shape_cast %and3A_150 : vector<512x1xi1> to vector<512x1xi1>
    %broadcast_in_dim3A_191 = vector.broadcast %broadcast_in_dim3A_190 : vector<512x1xi1> to vector<512x128xi1>
    %broadcast_in_dim3A_192 = vector.broadcast %jit3A_189 : f32 to vector<512x128xf32>
    %select_n3A_193 = arith.select %broadcast_in_dim3A_191, %get3A_188, %broadcast_in_dim3A_192 : vector<512x128xi1>, vector<512x128xf32>
    %min3A_194 = arith.minimumf %min3A_126, %select_n3A_193 : vector<512x128xf32>
    %get3A_195 = arith.constant 2 : index
    %get3A_196 = arith.constant 0 : index
    %get3A_197 = arith.constant 0 : index
    %get3A_198 = vector.load %arg4[%get3A_195, %get3A_196, %get3A_197] : memref<4x520x128xf32, #tpu.memory_space<vmem>>, vector<1x512x1xf32>
    %get3A_199 = vector.shape_cast %get3A_198 : vector<1x512x1xf32> to vector<512x1xf32>
    %jit3A_200 = arith.constant 0.000000e+00 : f32
    %broadcast_in_dim3A_201 = vector.broadcast %jit3A_200 : f32 to vector<512x1xf32>
    %select_n3A_202 = arith.select %and3A_150, %get3A_199, %broadcast_in_dim3A_201 : vector<512x1xi1>, vector<512x1xf32>
    %add3A_203 = arith.addf %add3A_135, %select_n3A_202 : vector<512x1xf32>
    %get3A_204 = arith.constant 3 : index
    %get3A_205 = arith.constant 512 : index
    %get3A_206 = arith.constant 0 : index
    %get3A_207 = vector.load %arg4[%get3A_204, %get3A_205, %get3A_206] : memref<4x520x128xf32, #tpu.memory_space<vmem>>, vector<1x1x1xf32>
    %get3A_208 = vector.shape_cast %get3A_207 : vector<1x1x1xf32> to vector<1x1xf32>
    %get3A_209 = arith.constant 3 : index
    %get3A_210 = arith.constant 513 : index
    %get3A_211 = arith.constant 0 : index
    %get3A_212 = vector.load %arg4[%get3A_209, %get3A_210, %get3A_211] : memref<4x520x128xf32, #tpu.memory_space<vmem>>, vector<1x1x1xf32>
    %get3A_213 = vector.shape_cast %get3A_212 : vector<1x1x1xf32> to vector<1x1xf32>
    %ge3A_214 = vector.broadcast %get3A_208 : vector<1x1xf32> to vector<512x1xf32>
    %ge3A_215 = arith.cmpf oge, %convert_element_type3A, %ge3A_214 : vector<512x1xf32>
    %le3A_216 = vector.broadcast %get3A_213 : vector<1x1xf32> to vector<512x1xf32>
    %le3A_217 = arith.cmpf ole, %convert_element_type3A, %le3A_216 : vector<512x1xf32>
    %and3A_218 = arith.andi %ge3A_215, %le3A_217 : vector<512x1xi1>
    %get3A_219 = arith.constant 3 : index
    %get3A_220 = arith.constant 0 : index
    %get3A_221 = arith.constant 0 : index
    %get3A_222 = vector.load %arg0[%get3A_219, %get3A_220, %get3A_221] : memref<4x512x128xf32, #tpu.memory_space<vmem>>, vector<1x512x128xf32>
    %get3A_223 = vector.shape_cast %get3A_222 : vector<1x512x128xf32> to vector<512x128xf32>
    %jit3A_224 = arith.constant 0.000000e+00 : f32
    %broadcast_in_dim3A_225 = vector.shape_cast %and3A_218 : vector<512x1xi1> to vector<512x1xi1>
    %broadcast_in_dim3A_226 = vector.broadcast %broadcast_in_dim3A_225 : vector<512x1xi1> to vector<512x128xi1>
    %broadcast_in_dim3A_227 = vector.broadcast %jit3A_224 : f32 to vector<512x128xf32>
    %select_n3A_228 = arith.select %broadcast_in_dim3A_226, %get3A_223, %broadcast_in_dim3A_227 : vector<512x128xi1>, vector<512x128xf32>
    %add3A_229 = arith.addf %add3A_161, %select_n3A_228 : vector<512x128xf32>
    %get3A_230 = arith.constant 3 : index
    %get3A_231 = arith.constant 0 : index
    %get3A_232 = arith.constant 0 : index
    %get3A_233 = vector.load %arg1[%get3A_230, %get3A_231, %get3A_232] : memref<4x512x128xf32, #tpu.memory_space<vmem>>, vector<1x512x128xf32>
    %get3A_234 = vector.shape_cast %get3A_233 : vector<1x512x128xf32> to vector<512x128xf32>
    %jit3A_235 = arith.constant 0.000000e+00 : f32
    %broadcast_in_dim3A_236 = vector.shape_cast %and3A_218 : vector<512x1xi1> to vector<512x1xi1>
    %broadcast_in_dim3A_237 = vector.broadcast %broadcast_in_dim3A_236 : vector<512x1xi1> to vector<512x128xi1>
    %broadcast_in_dim3A_238 = vector.broadcast %jit3A_235 : f32 to vector<512x128xf32>
    %select_n3A_239 = arith.select %broadcast_in_dim3A_237, %get3A_234, %broadcast_in_dim3A_238 : vector<512x128xi1>, vector<512x128xf32>
    %add3A_240 = arith.addf %add3A_172, %select_n3A_239 : vector<512x128xf32>
    %get3A_241 = arith.constant 3 : index
    %get3A_242 = arith.constant 0 : index
    %get3A_243 = arith.constant 0 : index
    %get3A_244 = vector.load %arg2[%get3A_241, %get3A_242, %get3A_243] : memref<4x512x128xf32, #tpu.memory_space<vmem>>, vector<1x512x128xf32>
    %get3A_245 = vector.shape_cast %get3A_244 : vector<1x512x128xf32> to vector<512x128xf32>
    %jit3A_246 = arith.constant 0xFF800000 : f32
    %broadcast_in_dim3A_247 = vector.shape_cast %and3A_218 : vector<512x1xi1> to vector<512x1xi1>
    %broadcast_in_dim3A_248 = vector.broadcast %broadcast_in_dim3A_247 : vector<512x1xi1> to vector<512x128xi1>
    %broadcast_in_dim3A_249 = vector.broadcast %jit3A_246 : f32 to vector<512x128xf32>
    %select_n3A_250 = arith.select %broadcast_in_dim3A_248, %get3A_245, %broadcast_in_dim3A_249 : vector<512x128xi1>, vector<512x128xf32>
    %max3A_251 = arith.maximumf %max3A_183, %select_n3A_250 : vector<512x128xf32>
    %get3A_252 = arith.constant 3 : index
    %get3A_253 = arith.constant 0 : index
    %get3A_254 = arith.constant 0 : index
    %get3A_255 = vector.load %arg3[%get3A_252, %get3A_253, %get3A_254] : memref<4x512x128xf32, #tpu.memory_space<vmem>>, vector<1x512x128xf32>
    %get3A_256 = vector.shape_cast %get3A_255 : vector<1x512x128xf32> to vector<512x128xf32>
    %jit3A_257 = arith.constant 0x7F800000 : f32
    %broadcast_in_dim3A_258 = vector.shape_cast %and3A_218 : vector<512x1xi1> to vector<512x1xi1>
    %broadcast_in_dim3A_259 = vector.broadcast %broadcast_in_dim3A_258 : vector<512x1xi1> to vector<512x128xi1>
    %broadcast_in_dim3A_260 = vector.broadcast %jit3A_257 : f32 to vector<512x128xf32>
    %select_n3A_261 = arith.select %broadcast_in_dim3A_259, %get3A_256, %broadcast_in_dim3A_260 : vector<512x128xi1>, vector<512x128xf32>
    %min3A_262 = arith.minimumf %min3A_194, %select_n3A_261 : vector<512x128xf32>
    %get3A_263 = arith.constant 3 : index
    %get3A_264 = arith.constant 0 : index
    %get3A_265 = arith.constant 0 : index
    %get3A_266 = vector.load %arg4[%get3A_263, %get3A_264, %get3A_265] : memref<4x520x128xf32, #tpu.memory_space<vmem>>, vector<1x512x1xf32>
    %get3A_267 = vector.shape_cast %get3A_266 : vector<1x512x1xf32> to vector<512x1xf32>
    %jit3A_268 = arith.constant 0.000000e+00 : f32
    %broadcast_in_dim3A_269 = vector.broadcast %jit3A_268 : f32 to vector<512x1xf32>
    %select_n3A_270 = arith.select %and3A_218, %get3A_267, %broadcast_in_dim3A_269 : vector<512x1xi1>, vector<512x1xf32>
    %add3A_271 = arith.addf %add3A_203, %select_n3A_270 : vector<512x1xf32>
    %max3A_272 = arith.constant 1.000000e+00 : f32
    %max3A_273 = vector.broadcast %max3A_272 : f32 to vector<512x1xf32>
    %max3A_274 = arith.maximumf %add3A_271, %max3A_273 : vector<512x1xf32>
    %div3A = vector.broadcast %max3A_274 : vector<512x1xf32> to vector<512x128xf32>
    %div3A_275 = arith.divf %add3A_229, %div3A : vector<512x128xf32>
    %div3A_276 = vector.broadcast %max3A_274 : vector<512x1xf32> to vector<512x128xf32>
    %div3A_277 = arith.divf %add3A_240, %div3A_276 : vector<512x128xf32>
    %mul3A = arith.mulf %div3A_275, %div3A_275 : vector<512x128xf32>
    %sub3A = arith.subf %div3A_277, %mul3A : vector<512x128xf32>
    %max3A_278 = arith.constant 0.000000e+00 : f32
    %max3A_279 = vector.broadcast %max3A_278 : f32 to vector<512x128xf32>
    %max3A_280 = arith.maximumf %sub3A, %max3A_279 : vector<512x128xf32>
    %add3A_281 = arith.constant 9.99999974E-6 : f32
    %add3A_282 = vector.broadcast %add3A_281 : f32 to vector<512x128xf32>
    %add3A_283 = arith.addf %max3A_280, %add3A_282 : vector<512x128xf32>
    %sqrt3A = math.sqrt %add3A_283 : vector<512x128xf32>
    %gt3A = arith.constant 0.000000e+00 : f32
    %gt3A_284 = vector.broadcast %gt3A : f32 to vector<512x1xf32>
    %gt3A_285 = arith.cmpf ogt, %add3A_271, %gt3A_284 : vector<512x1xf32>
    %jit3A_286 = arith.constant 0.000000e+00 : f32
    %broadcast_in_dim3A_287 = vector.shape_cast %gt3A_285 : vector<512x1xi1> to vector<512x1xi1>
    %broadcast_in_dim3A_288 = vector.broadcast %broadcast_in_dim3A_287 : vector<512x1xi1> to vector<512x128xi1>
    %broadcast_in_dim3A_289 = vector.broadcast %jit3A_286 : f32 to vector<512x128xf32>
    %select_n3A_290 = arith.select %broadcast_in_dim3A_288, %div3A_275, %broadcast_in_dim3A_289 : vector<512x128xi1>, vector<512x128xf32>
    %jit3A_291 = arith.constant 0.00316227763 : f32
    %broadcast_in_dim3A_292 = vector.shape_cast %gt3A_285 : vector<512x1xi1> to vector<512x1xi1>
    %broadcast_in_dim3A_293 = vector.broadcast %broadcast_in_dim3A_292 : vector<512x1xi1> to vector<512x128xi1>
    %broadcast_in_dim3A_294 = vector.broadcast %jit3A_291 : f32 to vector<512x128xf32>
    %select_n3A_295 = arith.select %broadcast_in_dim3A_293, %sqrt3A, %broadcast_in_dim3A_294 : vector<512x128xi1>, vector<512x128xf32>
    %jit3A_296 = arith.constant 0.000000e+00 : f32
    %broadcast_in_dim3A_297 = vector.shape_cast %gt3A_285 : vector<512x1xi1> to vector<512x1xi1>
    %broadcast_in_dim3A_298 = vector.broadcast %broadcast_in_dim3A_297 : vector<512x1xi1> to vector<512x128xi1>
    %broadcast_in_dim3A_299 = vector.broadcast %jit3A_296 : f32 to vector<512x128xf32>
    %select_n3A_300 = arith.select %broadcast_in_dim3A_298, %max3A_251, %broadcast_in_dim3A_299 : vector<512x128xi1>, vector<512x128xf32>
    %jit3A_301 = arith.constant 0.000000e+00 : f32
    %broadcast_in_dim3A_302 = vector.shape_cast %gt3A_285 : vector<512x1xi1> to vector<512x1xi1>
    %broadcast_in_dim3A_303 = vector.broadcast %broadcast_in_dim3A_302 : vector<512x1xi1> to vector<512x128xi1>
    %broadcast_in_dim3A_304 = vector.broadcast %jit3A_301 : f32 to vector<512x128xf32>
    %select_n3A_305 = arith.select %broadcast_in_dim3A_303, %min3A_262, %broadcast_in_dim3A_304 : vector<512x128xi1>, vector<512x128xf32>
    %get3A_306 = arith.constant 0 : index
    %get3A_307 = arith.constant 0 : index
    %get3A_308 = vector.load %arg5[%get3A_306, %get3A_307] : memref<512x128xf32, #tpu.memory_space<vmem>>, vector<512x128xf32>
    %concatenate3A = tpu.concatenate %get3A_308, %select_n3A_290, %select_n3A_295, %select_n3A_300, %select_n3A_305 in 1 : vector<512x128xf32>, vector<512x128xf32>, vector<512x128xf32>, vector<512x128xf32>, vector<512x128xf32> -> vector<512x640xf32>
    %get3A_309 = arith.constant 0 : index
    %get3A_310 = arith.constant 0 : index
    %get3A_311 = vector.load %arg6[%get3A_309, %get3A_310] : memref<640x256xf32, #tpu.memory_space<vmem>>, vector<640x256xf32>
    %dot_general3A = arith.constant dense<0.000000e+00> : vector<512x256xf32>
    %dot_general3A_312 = tpu.matmul %concatenate3A, %get3A_311, %dot_general3A {dimension_numbers = #tpu.dot_dimension_numbers<[1], [0], [0], [1], [0, 0, 1, 1], [], []>, transpose_lhs_hint = false} : vector<512x640xf32>, vector<640x256xf32>, vector<512x256xf32> -> vector<512x256xf32>
    %get3A_313 = arith.constant 0 : index
    %get3A_314 = arith.constant 0 : index
    %get3A_315 = vector.load %arg7[%get3A_313, %get3A_314] : memref<1x256xf32, #tpu.memory_space<vmem>>, vector<1x256xf32>
    %add3A_316 = vector.broadcast %get3A_315 : vector<1x256xf32> to vector<512x256xf32>
    %add3A_317 = arith.addf %dot_general3A_312, %add3A_316 : vector<512x256xf32>
    %gt3A_318 = arith.constant 0.000000e+00 : f32
    %gt3A_319 = vector.broadcast %gt3A_318 : f32 to vector<512x256xf32>
    %gt3A_320 = arith.cmpf ogt, %add3A_317, %gt3A_319 : vector<512x256xf32>
    %exp3A = math.exp %add3A_317 : vector<512x256xf32>
    %sub3A_321 = arith.constant 1.000000e+00 : f32
    %sub3A_322 = vector.broadcast %sub3A_321 : f32 to vector<512x256xf32>
    %sub3A_323 = arith.subf %exp3A, %sub3A_322 : vector<512x256xf32>
    %mul3A_324 = arith.constant 1.67326319 : f32
    %mul3A_325 = vector.broadcast %mul3A_324 : f32 to vector<512x256xf32>
    %mul3A_326 = arith.mulf %mul3A_325, %sub3A_323 : vector<512x256xf32>
    %select_n3A_327 = arith.select %gt3A_320, %add3A_317, %mul3A_326 : vector<512x256xi1>, vector<512x256xf32>
    %mul3A_328 = arith.constant 1.05070102 : f32
    %mul3A_329 = vector.broadcast %mul3A_328 : f32 to vector<512x256xf32>
    %mul3A_330 = arith.mulf %mul3A_329, %select_n3A_327 : vector<512x256xf32>
    %reduce_sum3A = arith.constant dense<0.000000e+00> : vector<512xf32>
    %reduce_sum3A_331 = vector.multi_reduction <add>, %mul3A_330, %reduce_sum3A [1] : vector<512x256xf32> to vector<512xf32>
    %broadcast_in_dim3A_332 = vector.shape_cast %reduce_sum3A_331 : vector<512xf32> to vector<512x1xf32>
    %div3A_333 = arith.constant 2.560000e+02 : f32
    %div3A_334 = vector.broadcast %div3A_333 : f32 to vector<512x1xf32>
    %div3A_335 = arith.divf %broadcast_in_dim3A_332, %div3A_334 : vector<512x1xf32>
    %sub3A_336 = vector.broadcast %div3A_335 : vector<512x1xf32> to vector<512x256xf32>
    %sub3A_337 = arith.subf %mul3A_330, %sub3A_336 : vector<512x256xf32>
    %integer_pow3A = arith.mulf %sub3A_337, %sub3A_337 : vector<512x256xf32>
    %reduce_sum3A_338 = arith.constant dense<0.000000e+00> : vector<512xf32>
    %reduce_sum3A_339 = vector.multi_reduction <add>, %integer_pow3A, %reduce_sum3A_338 [1] : vector<512x256xf32> to vector<512xf32>
    %broadcast_in_dim3A_340 = vector.shape_cast %reduce_sum3A_339 : vector<512xf32> to vector<512x1xf32>
    %div3A_341 = arith.constant 2.560000e+02 : f32
    %div3A_342 = vector.broadcast %div3A_341 : f32 to vector<512x1xf32>
    %div3A_343 = arith.divf %broadcast_in_dim3A_340, %div3A_342 : vector<512x1xf32>
    %sub3A_344 = vector.broadcast %div3A_335 : vector<512x1xf32> to vector<512x256xf32>
    %sub3A_345 = arith.subf %mul3A_330, %sub3A_344 : vector<512x256xf32>
    %add3A_346 = arith.constant 9.99999974E-6 : f32
    %add3A_347 = vector.broadcast %add3A_346 : f32 to vector<512x1xf32>
    %add3A_348 = arith.addf %div3A_343, %add3A_347 : vector<512x1xf32>
    %sqrt3A_349 = math.sqrt %add3A_348 : vector<512x1xf32>
    %div3A_350 = vector.broadcast %sqrt3A_349 : vector<512x1xf32> to vector<512x256xf32>
    %div3A_351 = arith.divf %sub3A_345, %div3A_350 : vector<512x256xf32>
    %get3A_352 = arith.constant 0 : index
    %get3A_353 = arith.constant 0 : index
    %get3A_354 = vector.load %arg8[%get3A_352, %get3A_353] : memref<1x256xf32, #tpu.memory_space<vmem>>, vector<1x256xf32>
    %mul3A_355 = vector.broadcast %get3A_354 : vector<1x256xf32> to vector<512x256xf32>
    %mul3A_356 = arith.mulf %div3A_351, %mul3A_355 : vector<512x256xf32>
    %get3A_357 = arith.constant 0 : index
    %get3A_358 = arith.constant 0 : index
    %get3A_359 = vector.load %arg9[%get3A_357, %get3A_358] : memref<1x256xf32, #tpu.memory_space<vmem>>, vector<1x256xf32>
    %add3A_360 = vector.broadcast %get3A_359 : vector<1x256xf32> to vector<512x256xf32>
    %add3A_361 = arith.addf %mul3A_356, %add3A_360 : vector<512x256xf32>
    %get3A_362 = arith.constant 0 : index
    %get3A_363 = arith.constant 0 : index
    %get3A_364 = vector.load %arg10[%get3A_362, %get3A_363] : memref<256x128xf32, #tpu.memory_space<vmem>>, vector<256x128xf32>
    %dot_general3A_365 = arith.constant dense<0.000000e+00> : vector<512x128xf32>
    %dot_general3A_366 = tpu.matmul %add3A_361, %get3A_364, %dot_general3A_365 {dimension_numbers = #tpu.dot_dimension_numbers<[1], [0], [0], [1], [0, 0, 1, 1], [], []>, transpose_lhs_hint = false} : vector<512x256xf32>, vector<256x128xf32>, vector<512x128xf32> -> vector<512x128xf32>
    %get3A_367 = arith.constant 0 : index
    %get3A_368 = arith.constant 0 : index
    %get3A_369 = vector.load %arg11[%get3A_367, %get3A_368] : memref<1x128xf32, #tpu.memory_space<vmem>>, vector<1x128xf32>
    %add3A_370 = vector.broadcast %get3A_369 : vector<1x128xf32> to vector<512x128xf32>
    %add3A_371 = arith.addf %dot_general3A_366, %add3A_370 : vector<512x128xf32>
    %swap3A = arith.constant 0 : index
    %swap3A_372 = arith.constant 0 : index
    %swap3A_373 = vector.load %arg12[%swap3A, %swap3A_372] : memref<512x128xf32, #tpu.memory_space<vmem>>, vector<512x128xf32>
    tpu.vector_store %arg12[%swap3A, %swap3A_372], %add3A_371 {strides = array<i32>} : memref<512x128xf32, #tpu.memory_space<vmem>>, vector<512x128xf32>,
    return
  }
}

</mosaic_0001>

<sc_bundles>
// kernel: kernel.4.cloned.1.call-start
scs
__scs_entry_jumppad:
0x0: {  	(pc) =	sbr.rel $0x88, $3  }
0x1: {  	(tag) =	ssettag $0x0;
	lr =	simm.s32 $0x1  }
0x2: {  	[smem:$0x3F98] =	sst lr;
	_ =	strace $0xD0000000  }
0x3: {  	_ = 	snop  }
0x4: {  	_ = 	snop  }
0x5: {  	_ = 	snop  }
0x6: {  	_ = 	snop  }
0x7: {  	_ = 	snop  }
__scs_overlays_trampoline_lowered:
0x8: {  	[smem:$0x3FA7] =	sst s0  }
0x9: {  	[smem:$0x3FA8] =	sst s1  }
0xa: {  	[smem:$0x3FA9] =	sst s2  }
0xb: {  	[smem:$0x3FAA] =	sst s3  }
0xc: {  	[smem:$0x3FAB] =	sst s4  }
0xd: {  	[smem:$0x3FAC] =	sst s5  }
0xe: {  	[smem:$0x3FAD] =	sst s6  }
0xf: {  	[smem:$0x3FAE] =	sst s7  }
0x10: {  	[smem:$0x3FAF] =	sst s8  }
0x11: {  	[smem:$0x3FB0] =	sst s9;
	s0 =	simm.s32 @!p0 $0x0  }
0x12: {  	s1 =	sld [smem:$0x3F96];
	s0 =	simm.s32 @p0 $0x1  }
0x13: {  	[smem:$0x3FB1] =	sst s0;
	s0 =	simm.s32 @!p1 $0x0  }
0x14: {  	s2 =	sld [smem:$0x3F95];
	s0 =	simm.s32 @p1 $0x1  }
0x15: {  	[smem:$0x3FB2] =	sst s0;
	s0 =	simm.s32 @!p2 $0x0  }
0x16: {  	s3 =	sld [smem:$0x3FDB];
	s0 =	simm.s32 @p2 $0x1  }
0x17: {  	s4 =	simm.s32 $0x1BF5;
	[smem:$0x3FB4] =	sst s0  }
0x18: {  	s0 =	sld [smem:$0x3F97];
	_ =	swait.ge [sflag:s4], $0x0  }
0x19: {  	s7 =	sld [smem:$0x3F98]  }
0x1a: {  	s8 =	sadd.s32 $0xFFFFE003, lr  }
0x1b: {  	s9 =	sadd.s32 $0xFFFFFEF7, lr;
	s5 =	simm.s32 $0xFFFFFFFF;
	p2 =	slt.u32 s8, $0xFFFFF086  }
0x1c: {  	p1 =	slt.u32 s9, $0xF7A;
	s5 =	simm.s32 @!p2 $0x0  }
0x1d: {  	s5 =	simm.s32 @p1 $0x1;
	p0 =	seq.s32 s7, s2  }
0x1e: {  	s7 =	smul.u32 @!p0 $0xF7A, s2;
	p2 =	seq.s32 @!p0 s5, $0x0  }
0x1f: {  	s9 =	smul.u32 $0xF7A, s1;
	s8 =	simm.s32 @!p0 $0x1BF5;
	p2 =	por !p2, p0  }
0x20: {  	[sflag:s8] =	ssyncset.s32 @!p0 $0xFFFFF086;
	s6 =	sadd.s32 @!p0 s3, s7;
	s7 =	simm.s32 @!p0 $0x108  }
0x21: {  	s3 =	sadd.s32 s3, s9;
	s6 =	sadd.s32 @!p0 $0x88, s6;
	s7 =	simm.s32 @p2 $0x1082  }
0x22: {  	[simem:s7], [sflag:s8] =	dma.local @!p0 [hbm:s6], $0xF7A  }
0x23: {  	s9 =	sor.u32 $0xD0000000, s2;
	s6 =	simm.s32 $0x108;
	_ =	swait.ge @!p0 [sflag:s8], $0x0  }
0x24: {  	s3 =	sadd.s32 $0x88, s3;
	s6 =	simm.s32 @!p1 $0x1082;
	[sflag:s4] =	ssyncset.s32 $0xFFFFF086  }
0x25: {  	[simem:s6], [sflag:s4] =	dma.local [hbm:s3], $0xF7A  }
0x26: {  	[smem:$0x3F98] =	sst s1;
	(tag) =	ssettag s2;
	_ =	strace s9  }
0x27: {  	s1 =	sld [smem:$0x3FA8]  }
0x28: {  	s2 =	sld [smem:$0x3FA9]  }
0x29: {  	s4 =	sld [smem:$0x3FAB]  }
0x2a: {  	p0 =	seq.s32 s5, $0x0;
	s5 =	sld [smem:$0x3FAC]  }
0x2b: {  	s6 =	sld [smem:$0x3FAD]  }
0x2c: {  	s7 =	sld [smem:$0x3FAE]  }
0x2d: {  	s3 =	simm.s32 $0x108;
	s8 =	sld [smem:$0x3FAF]  }
0x2e: {  	s3 =	simm.s32 @!p0 $0x1082;
	s9 =	sld [smem:$0x3FB0]  }
0x2f: {  	lr =	sadd.s32 s0, s3;
	s0 =	sld [smem:$0x3FA7]  }
0x30: {  	s3 =	sld [smem:$0x3FAA]  }
0x31: {  	[smem:$0x3FB3] =	sst s10  }
0x32: {  	s10 =	sld [smem:$0x3FB1];
	_ =	sdelay $0x3  }
0x33: {  	p0 =	seq.s32 s10, $0x1;
	s10 =	sld [smem:$0x3FB3];
	_ =	sdelay $0x3  }
0x34: {  	[smem:$0x3FB3] =	sst s10  }
0x35: {  	s10 =	sld [smem:$0x3FB2];
	_ =	sdelay $0x3  }
0x36: {  	p1 =	seq.s32 s10, $0x1;
	s10 =	sld [smem:$0x3FB3];
	_ =	sdelay $0x3  }
0x37: {  	[smem:$0x3FB3] =	sst s10  }
0x38: {  	s10 =	sld [smem:$0x3FB4]  }
0x39: {  	_ = 	snop;
	(pc) =	sbr.ind lr, $3  }
0x3a: {  	_ = 	snop  }
0x3b: {  	_ = 	snop  }
0x3c: {  	p2 =	seq.s32 s10, $0x1;
	s10 =	sld [smem:$0x3FB3]  }
0x3d: {  	_ =	shalt  }
0x3e: {  	_ =	shalt  }
0x3f: {  	_ =	shalt  }
0x40: {  	_ =	shalt  }
0x41: {  	_ =	shalt  }
0x42: {  	_ =	shalt  }
0x43: {  	_ =	shalt  }
0x44: {  	_ =	shalt  }
0x45: {  	_ =	shalt  }
0x46: {  	_ =	shalt  }
0x47: {  	_ =	shalt  }
0x48: {  	_ =	shalt  }
0x49: {  	_ =	shalt  }
0x4a: {  	_ =	shalt  }
0x4b: {  	_ =	shalt  }
0x4c: {  	_ =	shalt  }
0x4d: {  	_ =	shalt  }
0x4e: {  	_ =	shalt  }
0x4f: {  	_ =	shalt  }
0x50: {  	_ =	shalt  }
0x51: {  	_ =	shalt  }
0x52: {  	_ =	shalt  }
0x53: {  	_ =	shalt  }
0x54: {  	_ =	shalt  }
0x55: {  	_ =	shalt  }
0x56: {  	_ =	shalt  }
0x57: {  	_ =	shalt  }
0x58: {  	_ =	shalt  }
0x59: {  	_ =	shalt  }
0x5a: {  	_ =	shalt  }
0x5b: {  	_ =	shalt  }
0x5c: {  	_ =	shalt  }
0x5d: {  	_ =	shalt  }
0x5e: {  	_ =	shalt  }
0x5f: {  	_ =	shalt  }
0x60: {  	_ =	shalt  }
0x61: {  	_ =	shalt  }
0x62: {  	_ =	shalt  }
0x63: {  	_ =	shalt  }
0x64: {  	_ =	shalt  }
0x65: {  	_ =	shalt  }
0x66: {  	_ =	shalt  }
0x67: {  	_ =	shalt  }
0x68: {  	_ =	shalt  }
0x69: {  	_ =	shalt  }
0x6a: {  	_ =	shalt  }
0x6b: {  	_ =	shalt  }
0x6c: {  	_ =	shalt  }
0x6d: {  	_ =	shalt  }
0x6e: {  	_ =	shalt  }
0x6f: {  	_ =	shalt  }
0x70: {  	_ =	shalt  }
0x71: {  	_ =	shalt  }
0x72: {  	_ =	shalt  }
0x73: {  	_ =	shalt  }
0x74: {  	_ =	shalt  }
0x75: {  	_ =	shalt  }
0x76: {  	_ =	shalt  }
0x77: {  	_ =	shalt  }
0x78: {  	_ =	shalt  }
0x79: {  	_ =	shalt  }
0x7a: {  	_ =	shalt  }
0x7b: {  	_ =	shalt  }
0x7c: {  	_ =	shalt  }
0x7d: {  	_ =	shalt  }
0x7e: {  	_ =	shalt  }
0x7f: {  	_ =	shalt  }
0x80: {  	_ =	shalt  }
0x81: {  	_ =	shalt  }
0x82: {  	_ =	shalt  }
0x83: {  	_ =	shalt  }
0x84: {  	_ =	shalt  }
0x85: {  	_ =	shalt  }
0x86: {  	_ =	shalt  }
0x87: {  	_ =	shalt  }
.Lfunc_end0:
.L_simem_size_0:
called_computation_lowered:
.L_overlay_start_0:
0x88: {  	s2 =	sld [smem:$0x3FD9]  }
0x89: {  	s3 =	sld [smem:$0x3FFE];
	_ =	sdelay $0x1  }
0x8a: {  	s1 =	srdreg.scid  }
0x8b: {  	s0 =	sand.u32 $0x1, s1  }
0x8c: {  	s17 =	sshll.u32 s0, $0xA;
	s2 =	sadd.s32 s3, s2  }
0x8d: {  	s2 =	sadd.s32 s2, s17  }
0x8e: {  	[smem:$0x3FBF] =	sst s2  }
0x8f: {  	_ = 	snop  }
0x90: {  	s2 =	sld [smem:$0x3FC9]  }
0x91: {  	s18 =	sld [smem:$0x3FC7];
	(tm) =	ssettm $0x1  }
0x92: {  	s4 =	sld [smem:$0x3FFB];
	_ =	sdelay $0x3  }
0x93: {  	_ =	strace s4  }
0x94: {  	s4 =	sld [smem:$0x3FFC];
	_ =	sdelay $0x3  }
0x95: {  	_ =	strace s4  }
0x96: {  	s4 =	sld [smem:$0x3FFD];
	_ =	sdelay $0x3  }
0x97: {  	_ =	strace s4  }
0x98: {  	_ =	strace $0x8FFFFFFF  }
0x99: {  	s19 =	sld [smem:$0x3FDB];
	_ =	sdelay $0x1  }
0x9a: {  	s5 =	simm.s32 $_scs_section_size  }
0x9b: {  	s6 =	simm.s32 $_size__tile_overlayer_lowered;
	s7 =	simm.s32 $_tile_overlayer_lowered  }
0x9c: {  	s22 =	simm.s32 $0x1BFF;
	s21 =	sshll.u32 s7, $0x1;
	s4 =	sadd.s32 s5, s19  }
0x9d: {  	s8 =	simm.s32 $0x0;
	s20 =	sshll.u32 s6, $0x1;
	s6 =	sadd.s32 s21, s4  }
0x9e: {  	[timem:s8], [sflag:s22] =	dma.local [hbm:s6], s20  }
0x9f: {  	_ =	swait.ge [sflag:s22], s20  }
0xa0: {  	s5 =	ssub.s32 $0x0, s20;
	[sflag:s22] =	ssyncset.done $0x0  }
0xa1: {  	[sflag:s22] =	ssyncadd.s32 s5;
	_ =	sdelay $0x1  }
0xa2: {  	s23 =	simm.s32 $0x1B8B  }
0xa3: {  	_ =	swait.ge [sflag:s23], $0x1  }
0xa4: {  	[sflag:s23] =	ssyncset.done $0x0  }
0xa5: {  	s25 =	simm.s32 $0x1B8E;
	s24 =	sld [smem:$0x3FFE];
	[sflag:s23] =	ssyncadd.s32 $0xFFFFFFFF  }
0xa6: {  	s26 =	simm.s32 $execute0_lowered;
	[smem:$0x3FD2] =	sst s25  }
0xa7: {  	s6 =	sshll.u32 s26, $0x1;
	_ =	strace $0x80000046;
	[dreg:$0x1] =	wrdreg $0xFFFFFFFF  }
0xa8: {  	s28 =	simm.s32 $_size_execute0_lowered;
	s4 =	sadd.s32 s4, s6;
	[dreg:$0x0] =	wrdreg $0x0  }
0xa9: {  	s6 =	sshll.u32 s28, $0x1;
	[dreg:$0x2] =	wrdreg s4  }
0xaa: {  	[dreg:$0x3] =	wrdreg s6  }
0xab: {  	[dreg:$0x4] =	wrdreg $0xC0  }
0xac: {  	_ =	task [dreg:s8], $0x5FFFF  }
0xad: {  	[dreg:$0x1] =	wrdreg $0xFFFFFFFF  }
0xae: {  	[dreg:$0x0] =	wrdreg $0x60  }
0xaf: {  	[dreg:$0x2] =	wrdreg s2  }
0xb0: {  	[dreg:$0x3] =	wrdreg s18  }
0xb1: {  	[dreg:$0x4] =	wrdreg s24  }
0xb2: {  	[dreg:$0x5] =	wrdreg $0x9  }
0xb3: {  	_ =	task.clear_ibuf [dreg:s8], $0x6FFFF;
	_ =	strace $0x90000046  }
0xb4: {  	s29 =	simm.s32 $0x9;
	_ =	strace $0x80000048  }
0xb5: {  	_ =	swait.ge [sflag:s29], $0x1  }
0xb6: {  	[sflag:s29] =	ssyncadd.s32 $0xFFFFFFFF  }
0xb7: {  	_ =	strace $0x90000048  }
0xb8: {  	_ =	sfence  }
0xb9: {  	s30 =	sld [smem:$0x0];
	_ =	sdelay $0x2  }
0xba: {  	s31 =	sshll.u32 s1, $0xD;
	s1 =	sshrl.u32 s1, $0x2  }
0xbb: {  	s3 =	sand.u32 $0x4000, s31;
	s1 =	sadd.s32 s1, s30  }
0xbc: {  	s0 =	sor.u32 s3, s0;
	s1 =	sshll.u32 s1, $0x11  }
0xbd: {  	s0 =	sor.u32 s1, s0  }
0xbe: {  	s0 =	sadd.s32 $0x8F2B, s0  }
0xbf: {  	[sflag:s0] =	ssyncadd.remote.s32 $0x1  }
0xc0: {  	_ =	sfence.sel $0xFFFF  }
0xc1: {  	[dreg:$0x0] =	wrdreg $0xFFFFFFFF;
	(pc) =	sbr.abs _section_cstart, $3  }
0xc2: {  	[dreg:$0x1] =	wrdreg $0xFFFFFFFF  }
0xc3: {  	_ =	task.clear_ibuf [dreg:s8], $0x2FFFF;
	_ =	strace $0x9FFFFFFF  }
0xc4: {  	(tm) =	ssettm $0x7FFFFFFF  }
0xc5: {  	_ =	shalt  }
tec
execute0_lowered:
.L_overlay_start_1:
0x0: {  	(tag) =	ssettag $0x1  }
0x1: {  	s2 =	rddreg [dreg:$0x0]  }
0x2: {  	s3 =	stileid.u32;
	s4 =	rddreg [dreg:$0x1]  }
0x3: {  	s0 =	srdreg.scid;
	s25 =	rddreg [dreg:$0x2];
	s8 =	simm.s32 $0x0  }
0x4: {  	s14 =	simm.s32 $0x10;
	s15 =	simm.s32 $0x80;
	s16 =	simm.s32 $0x1  }
0x5: {  	s17 =	simm.s32 $0x126E0;
	s18 =	simm.s32 $0x2;
	s19 =	simm.s32 $0xA6E0  }
0x6: {  	s20 =	simm.s32 $0xC6E0;
	s21 =	simm.s32 $0xE6E0;
	s22 =	simm.s32 $0x106E0  }
0x7: {  	s23 =	simm.s32 $0x3;
	s24 =	simm.s32 $0x0;
	s1 =	sshll.u32 s3, $0x1  }
0x8: {  	s0 =	sand.u32 $0x1, s0;
	s6 =	sshrl.u32 s3, $0x1;
	s1 =	sand.u32 $0x2, s1  }
0x9: {  	[smem:$0x7FF] =	sst s8;
	s3 =	simm.s32 $0x9D;
	s1 =	sor.u32 s0, s1  }
0xa: {  	s5 =	sshll.u32 s6, $0x4;
	_ =	strace $0x80000047;
	s26 =	smul.u32 $0x2080, s1  }
0xb: {  	s0 =	ssub.s32 $0x2, s0;
	s7 =	sshll.u32 s1, $0x10;
	s10 =	smul.u32 $0x4E000, s1  }
0xc: {  	s9 =	sshrl.u32 s0, $0x1;
	p0 =	seq.s32 s1, $0x3;
	s1 =	smul.u32 $0x138, s1  }
0xd: {  	s7 =	sor.u32 s5, s7;
	s0 =	ssub.s32 s0, s9;
	s3 =	simm.s32 @!p0 $0x9C  }
0xe: {  	s7 =	sshrl.u32 s7, $0x3;
	s5 =	sor.u32 s5, s10;
	s1 =	sadd.s32 s4, s1  }
0xf: {  	s12 =	smax.u32 s0, $0x1;
	s7 =	sadd.s32 s7, s25;
	s28 =	sshrl.u32 s5, $0x3  }
0x10: {  	[dreg:$0x4] =	wrdreg s1;
	s5 =	simm.s32 $0x9C0;
	s1 =	sadd.s32 s2, s28  }
0x11: {  	s5 =	simm.s32 @!p0 $0x9B0;
	s29 =	sadd.s32 $0xA200, s7;
	[dreg:$0x5] =	wrdreg s1  }
0x12: {  	s30 =	sadd.s32 $0x12200, s7;
	p0 =	sne.s32 s6, $0x0;
	[dreg:$0x6] =	wrdreg s29  }
0x13: {  	s31 =	sadd.s32 $0x1A200, s7;
	[dreg:$0x7] =	wrdreg s30;
	s0 =	simm.s32 @!p0 $0x0  }
0x14: {  	s8 =	sadd.s32 s26, s25;
	[dreg:$0x8] =	wrdreg s31;
	s0 =	simm.s32 @p0 $0x1  }
0x15: {  	v0 =	vlaneseq.u32;
	v1 =	vimm.f32 $0.0e+00;
	vm0 =	vmxor vm0, vm0;
	s11 =	sadd.s32 $0x2000, s8;
	s10 =	sadd.s32 $0x22200, s7;
	[smem:$0x7FD] =	sst s0  }
.LBB2_1:
0x16: {  	s0 =	simm.s32 $0x0;
	s1 =	rddreg [dreg:$0x4];
	s2 =	simm.s32 $0x9D00  }
0x17: {  	[tilespmem:s2], [sflag:$0x1] =	stream.linear.gather [hbm4b:s1+s0], $0x9D0, $0x38;
	[tilespmem:$0x14760] =	vst v63  }
0x18: {  	s30 =	rddreg [dreg:$0x5]  }
0x19: {  	[tilespmem:s0], [sflag:$0x2] =	stream.strided.gather [hbm4b:s30+s14], $0x9D00, s15, s14, $0x38;
	[tilespmem:$0x14760] =	vst v63  }
0x1a: {  	_ =	swait.ge [sflag:s16], $0x9D0  }
0x1b: {  	[sflag:s16] =	ssyncset.done $0x0  }
0x1c: {  	[sflag:s16] =	ssyncadd.s32 $0xFFFFF630  }
0x1d: {  	v2 =	vld [tilespmem:$0x9D00]  }
0x1e: {  	v3 =	vld [tilespmem:s5+$0x9D00];
	_ =	sdelay $0x3  }
0x1f: {  	(v2sf) =	vpush v2, $0x0  }
0x20: {  	(v2sf) =	vpush v3, $0xF;
	_ =	sdelay $0xd  }
0x21: {  	s0 =	spop (v2sf)  }
0x22: {  	s31 =	spop (v2sf)  }
0x23: {  	s1 =	sadd.s32 $0x1, s31  }
0x24: {  	p0 =	sge.s32 s0, s1  }
.Ltmp0:
0x25: {  	_ = 	snop;
	(pc) =	sbr.rel @p0 .LBB2_8-.Ltmp0, $1  }
0x26: {  	_ =	sdelay $0x3  }
0x27: {  	s2 =	sadd.s32 $0x1, s0  }
0x28: {  	p1 =	sne.s32 s1, s2  }
.Ltmp1:
0x29: {  	_ = 	snop;
	(pc) =	sbr.rel @!p1 .LBB2_7-.Ltmp1, $2  }
0x2a: {  	_ =	sdelay $0x2  }
0x2b: {  	p0 =	por $0x0, $0x0;
	s4 =	smov.u32 s0  }
0x2c: {  	s4 =	sadd.s32 $0x1, s2  }
0x2d: {  	p1 =	sne.s32 s1, s4  }
.Ltmp2:
0x2e: {  	_ = 	snop;
	(pc) =	sbr.rel @!p1 .LBB2_4-.Ltmp2, $3  }
0x2f: {  	_ =	sdelay $0x1  }
0x30: {  	s6 =	sshll.u32 s0, $0x4  }
0x31: {  	p0 =	por $0x1, $0x1;
	v2 =	vor.u32 s6, v0  }
.LBB2_5:
0x32: {  	s6 =	sshll.u32 s2, $0x4;
	s2 =	smov.u32 s4;
	s4 =	sadd.s32 $0x1, s4  }
0x33: {  	p1 =	sne.s32 s1, s4  }
.Ltmp3:
0x34: {  	_ = 	snop;
	(pc) =	sbr.rel @p1 .LBB2_5-.Ltmp3, $3  }
0x35: {  	_ =	sdelay $0x1  }
0x36: {  	[tilespmem:v2+s17+$0x0] =	vst.idx.msk $0xffff, v1  }
0x37: {  	v2 =	vor.u32 s6, v0  }
0x38: {  	s4 =	smov.u32 s2  }
.LBB2_7:
0x39: {  	s1 =	sshll.u32 s4, $0x4  }
0x3a: {  	v3 =	vor.u32 s1, v0;
	_ =	sdelay $0x3  }
0x3b: {  	[tilespmem:v2+s17+$0x0] =	vst.idx.msk @p0 $0xffff, v1  }
0x3c: {  	[tilespmem:v3+s17+$0x0] =	vst.idx.msk $0xffff, v1  }
.LBB2_8:
0x3d: {  	p0 =	sne.s32 s3, $0x1  }
.Ltmp4:
0x3e: {  	_ = 	snop;
	(pc) =	sbr.rel @!p0 .LBB2_9-.Ltmp4, $4  }
0x3f: {  	_ =	swait.ge [sflag:s18], $0x9D00  }
0x40: {  	[sflag:s18] =	ssyncset.done $0x0  }
0x41: {  	s31 =	simm.f32 $0.0e+00;
	s1 =	simm.s32 $0x9D00;
	[sflag:s18] =	ssyncadd.s32 $0xFFFF6300  }
0x42: {  	v2 =	vimm.f32 $0.0e+00;
	v15 =	vimm.f32 $-Inf;
	v13 =	vimm.f32 $+Inf;
	s26 =	simm.s32 $0x80;
	s28 =	sadd.s32 $0xFFFFFFFF, s3;
	p1 =	por $0x0, $0x0;
	v3 =	vld [tilespmem:s1+$0x0]  }
0x43: {  	_ =	sdelay $0x3  }
0x44: {  	(v2sf) =	vpush v3, $0x0;
	_ =	sdelay $0x6  }
0x45: {  	(v2sf) =	vpush v3, $0x1;
	_ =	sdelay $0x6  }
0x46: {  	(v2sf) =	vpush v3, $0x2  }
0x47: {  	s1 =	spop (v2sf)  }
0x48: {  	vm1 =	vmmov vm0;
	p1 =	sne.s32 s1, s0  }
0x49: {  	s2 =	sshll.u32 s0, $0x4;
	vm1 =	vmneg @p1 vm1  }
0x4a: {  	v5 =	vor.u32 s2, v0;
	(v2sf) =	vpush v3, $0x9  }
0x4b: {  	(v2sf) =	vpush v3, $0xA  }
0x4c: {  	(v2sf) =	vpush v3, $0xE  }
0x4d: {  	v6 =	vld [tilespmem:s26+$0xFFFFFF80];
	(v2sf) =	vpush v3, $0x3  }
0x4e: {  	v4 =	vshll.u32 v3, $0x4;
	s8 =	spop (v2sf)  }
0x4f: {  	vm2 =	vmmov vm0;
	v7 =	vbroadcast v4, $0x0;
	p2 =	sne.s32 s8, s1;
	[tilespmem:v5+s19+$0x0] =	vst.idx.msk vm1, v2  }
0x50: {  	vm2 =	vmneg @p2 vm2;
	[tilespmem:v5+s20+$0x0] =	vst.idx.msk vm1, v2  }
0x51: {  	v7 =	vor.u32 v0, v7;
	[tilespmem:v5+s21+$0x0] =	vst.idx.msk vm1, v15  }
0x52: {  	v9 =	vmov s31;
	v8 =	vmul.f32 v6, v6;
	[tilespmem:v5+s22+$0x0] =	vst.idx.msk vm1, v13  }
0x53: {  	v10 =	vadd.f32 v6, v2;
	[tilespmem:v5+s17+$0x0] =	vst.idx.msk vm1, v9  }
0x54: {  	(v2sf) =	vpush v3, $0x4;
	v5 =	vadd.f32 v8, v2;
	v9 =	vld [tilespmem:s26+$0xFFFFFF90]  }
0x55: {  	v11 =	vbroadcast v4, $0x1;
	s4 =	spop (v2sf);
	v10 =	vpsel p1, v6, v10  }
0x56: {  	s6 =	sadd.f32 $1.000000000e+00, s31;
	v44 =	vmax.f32 v15, v6;
	p0 =	sne.s32 s4, s8;
	vm1 =	vmmov vm0;
	[tilespmem:v7+s19+$0x0] =	vst.idx.msk vm2, v10;
	v5 =	vpsel p1, v8, v5  }
0x57: {  	v12 =	vmin.f32 v13, v6;
	vm1 =	vmneg @p0 vm1;
	v8 =	vpsel p1, v6, v44;
	[tilespmem:v7+s20+$0x0] =	vst.idx.msk vm2, v5  }
0x58: {  	v11 =	vor.u32 v0, v11;
	s6 =	simm.s32 @p1 $0x3F800000;
	v6 =	vpsel p1, v6, v12;
	[tilespmem:v7+s21+$0x0] =	vst.idx.msk vm2, v8  }
0x59: {  	v12 =	vmov s6;
	s25 =	spop (v2sf);
	[tilespmem:v7+s22+$0x0] =	vst.idx.msk vm2, v6;
	v13 =	vmul.f32 v9, v9  }
0x5a: {  	s13 =	spop (v2sf);
	[tilespmem:v7+s17+$0x0] =	vst.idx.msk vm2, v12;
	v7 =	vadd.f32 v9, v10  }
0x5b: {  	(v2sf) =	vpush v3, $0x5;
	s1 =	spop (v2sf);
	v45 =	vld [tilespmem:s26+$0xFFFFFFA0];
	v5 =	vadd.f32 v13, v5  }
0x5c: {  	s9 =	spop (v2sf);
	v12 =	vbroadcast v4, $0x2;
	v7 =	vpsel p2, v9, v7  }
0x5d: {  	s6 =	sadd.f32 $1.000000000e+00, s6;
	v8 =	vmax.f32 v8, v9;
	vm2 =	vmmov vm0;
	p1 =	sne.s32 s9, s4;
	[tilespmem:v11+s19+$0x0] =	vst.idx.msk vm1, v7;
	v5 =	vpsel p2, v13, v5  }
0x5e: {  	v6 =	vmin.f32 v6, v9;
	v8 =	vpsel p2, v9, v8;
	vm2 =	vmneg @p1 vm2;
	[tilespmem:v11+s20+$0x0] =	vst.idx.msk vm1, v5  }
0x5f: {  	s6 =	simm.s32 @p2 $0x3F800000;
	v6 =	vpsel p2, v9, v6;
	v46 =	vor.u32 v0, v12;
	[tilespmem:v11+s21+$0x0] =	vst.idx.msk vm1, v8  }
0x60: {  	v13 =	vmov s6;
	v12 =	vmul.f32 v45, v45;
	[tilespmem:v11+s22+$0x0] =	vst.idx.msk vm1, v6  }
0x61: {  	v7 =	vadd.f32 v45, v7;
	[tilespmem:v11+s17+$0x0] =	vst.idx.msk vm1, v13  }
0x62: {  	(v2sf) =	vpush v3, $0x6;
	v5 =	vadd.f32 v12, v5;
	v11 =	vld [tilespmem:s26+$0xFFFFFFB0]  }
0x63: {  	s7 =	spop (v2sf);
	v8 =	vmax.f32 v8, v45;
	v7 =	vpsel p0, v45, v7  }
0x64: {  	s6 =	sadd.f32 $1.000000000e+00, s6;
	p2 =	sne.s32 s7, s9;
	v13 =	vbroadcast v4, $0x3;
	vm1 =	vmmov vm0;
	[tilespmem:v46+s19+$0x0] =	vst.idx.msk vm2, v7;
	v5 =	vpsel p0, v12, v5  }
0x65: {  	v6 =	vmin.f32 v6, v45;
	v8 =	vpsel p0, v45, v8;
	vm1 =	vmneg @p2 vm1;
	[tilespmem:v46+s20+$0x0] =	vst.idx.msk vm2, v5  }
0x66: {  	s6 =	simm.s32 @p0 $0x3F800000;
	v6 =	vpsel p0, v45, v6;
	v47 =	vor.u32 v0, v13;
	[tilespmem:v46+s21+$0x0] =	vst.idx.msk vm2, v8  }
0x67: {  	v12 =	vmov s6;
	[tilespmem:v46+s22+$0x0] =	vst.idx.msk vm2, v6;
	v13 =	vmul.f32 v11, v11  }
0x68: {  	[tilespmem:v46+s17+$0x0] =	vst.idx.msk vm2, v12;
	v7 =	vadd.f32 v11, v7  }
0x69: {  	(v2sf) =	vpush v3, $0x7;
	v9 =	vld [tilespmem:s26+$0xFFFFFFC0];
	v5 =	vadd.f32 v13, v5  }
0x6a: {  	s8 =	spop (v2sf);
	v12 =	vbroadcast v4, $0x4;
	v7 =	vpsel p1, v11, v7  }
0x6b: {  	s4 =	sadd.f32 $1.000000000e+00, s6;
	p0 =	sne.s32 s8, s7;
	v8 =	vmax.f32 v8, v11;
	vm2 =	vmmov vm0;
	[tilespmem:v47+s19+$0x0] =	vst.idx.msk vm1, v7;
	v5 =	vpsel p1, v13, v5  }
0x6c: {  	v6 =	vmin.f32 v6, v11;
	v8 =	vpsel p1, v11, v8;
	vm2 =	vmneg @p0 vm2;
	[tilespmem:v47+s20+$0x0] =	vst.idx.msk vm1, v5  }
0x6d: {  	s4 =	simm.s32 @p1 $0x3F800000;
	v6 =	vpsel p1, v11, v6;
	v48 =	vor.u32 v0, v12;
	[tilespmem:v47+s21+$0x0] =	vst.idx.msk vm1, v8  }
0x6e: {  	v13 =	vmov s4;
	v12 =	vmul.f32 v9, v9;
	[tilespmem:v47+s22+$0x0] =	vst.idx.msk vm1, v6  }
0x6f: {  	v7 =	vadd.f32 v9, v7;
	[tilespmem:v47+s17+$0x0] =	vst.idx.msk vm1, v13  }
0x70: {  	(v2sf) =	vpush v3, $0x8;
	v5 =	vadd.f32 v12, v5;
	v10 =	vld [tilespmem:s26+$0xFFFFFFD0]  }
0x71: {  	s9 =	spop (v2sf);
	v8 =	vmax.f32 v8, v9;
	v7 =	vpsel p2, v9, v7  }
0x72: {  	p3 =	sne.s32 s9, s8;
	s4 =	sadd.f32 $1.000000000e+00, s4;
	v13 =	vbroadcast v4, $0x5;
	vm1 =	vmmov vm0;
	[tilespmem:v48+s19+$0x0] =	vst.idx.msk vm2, v7;
	v5 =	vpsel p2, v12, v5  }
0x73: {  	v6 =	vmin.f32 v6, v9;
	v8 =	vpsel p2, v9, v8;
	vm1 =	vmneg @p3 vm1;
	[tilespmem:v48+s20+$0x0] =	vst.idx.msk vm2, v5  }
0x74: {  	s4 =	simm.s32 @p2 $0x3F800000;
	v6 =	vpsel p2, v9, v6;
	v49 =	vor.u32 v0, v13;
	[tilespmem:v48+s21+$0x0] =	vst.idx.msk vm2, v8  }
0x75: {  	v12 =	vmov s4;
	[tilespmem:v48+s22+$0x0] =	vst.idx.msk vm2, v6;
	v13 =	vmul.f32 v10, v10  }
0x76: {  	[tilespmem:v48+s17+$0x0] =	vst.idx.msk vm2, v12;
	v7 =	vadd.f32 v10, v7  }
0x77: {  	v11 =	vld [tilespmem:s26+$0xFFFFFFE0];
	v5 =	vadd.f32 v13, v5  }
0x78: {  	s7 =	spop (v2sf);
	v12 =	vbroadcast v4, $0x6;
	v7 =	vpsel p0, v10, v7  }
0x79: {  	p1 =	sne.s32 s7, s9;
	s4 =	sadd.f32 $1.000000000e+00, s4;
	v8 =	vmax.f32 v8, v10;
	vm2 =	vmmov vm0;
	[tilespmem:v49+s19+$0x0] =	vst.idx.msk vm1, v7;
	v5 =	vpsel p0, v13, v5  }
0x7a: {  	v6 =	vmin.f32 v6, v10;
	v8 =	vpsel p0, v10, v8;
	vm2 =	vmneg @p1 vm2;
	[tilespmem:v49+s20+$0x0] =	vst.idx.msk vm1, v5  }
0x7b: {  	s4 =	simm.s32 @p0 $0x3F800000;
	v6 =	vpsel p0, v10, v6;
	v50 =	vor.u32 v0, v12;
	[tilespmem:v49+s21+$0x0] =	vst.idx.msk vm1, v8  }
0x7c: {  	v13 =	vmov s4;
	v12 =	vmul.f32 v11, v11;
	[tilespmem:v49+s22+$0x0] =	vst.idx.msk vm1, v6  }
0x7d: {  	v7 =	vadd.f32 v11, v7;
	[tilespmem:v49+s17+$0x0] =	vst.idx.msk vm1, v13  }
0x7e: {  	v5 =	vadd.f32 v12, v5;
	v9 =	vld [tilespmem:s26+$0xFFFFFFF0]  }
0x7f: {  	s8 =	spop (v2sf);
	v8 =	vmax.f32 v8, v11;
	v7 =	vpsel p3, v11, v7  }
0x80: {  	p2 =	sne.s32 s8, s7;
	s4 =	sadd.f32 $1.000000000e+00, s4;
	v13 =	vbroadcast v4, $0x7;
	vm1 =	vmmov vm0;
	[tilespmem:v50+s19+$0x0] =	vst.idx.msk vm2, v7;
	v5 =	vpsel p3, v12, v5  }
0x81: {  	v6 =	vmin.f32 v6, v11;
	v8 =	vpsel p3, v11, v8;
	vm1 =	vmneg @p2 vm1;
	[tilespmem:v50+s20+$0x0] =	vst.idx.msk vm2, v5  }
0x82: {  	s4 =	simm.s32 @p3 $0x3F800000;
	v6 =	vpsel p3, v11, v6;
	v51 =	vor.u32 v0, v13;
	[tilespmem:v50+s21+$0x0] =	vst.idx.msk vm2, v8  }
0x83: {  	v12 =	vmov s4;
	[tilespmem:v50+s22+$0x0] =	vst.idx.msk vm2, v6;
	v13 =	vmul.f32 v9, v9  }
0x84: {  	[tilespmem:v50+s17+$0x0] =	vst.idx.msk vm2, v12;
	v7 =	vadd.f32 v9, v7  }
0x85: {  	(v2sf) =	vpush v3, $0xB;
	v10 =	vld [tilespmem:s26+$0x0];
	v5 =	vadd.f32 v13, v5  }
0x86: {  	v12 =	vbroadcast v4, $0x8;
	v7 =	vpsel p1, v9, v7  }
0x87: {  	p0 =	sne.s32 s25, s8;
	s2 =	sadd.f32 $1.000000000e+00, s4;
	v8 =	vmax.f32 v8, v9;
	vm2 =	vmmov vm0;
	[tilespmem:v51+s19+$0x0] =	vst.idx.msk vm1, v7;
	v5 =	vpsel p1, v13, v5  }
0x88: {  	v6 =	vmin.f32 v6, v9;
	v8 =	vpsel p1, v9, v8;
	vm2 =	vmneg @p0 vm2;
	[tilespmem:v51+s20+$0x0] =	vst.idx.msk vm1, v5  }
0x89: {  	s2 =	simm.s32 @p1 $0x3F800000;
	v6 =	vpsel p1, v9, v6;
	v52 =	vor.u32 v0, v12;
	[tilespmem:v51+s21+$0x0] =	vst.idx.msk vm1, v8  }
0x8a: {  	v13 =	vmov s2;
	v12 =	vmul.f32 v10, v10;
	[tilespmem:v51+s22+$0x0] =	vst.idx.msk vm1, v6  }
0x8b: {  	v7 =	vadd.f32 v10, v7;
	[tilespmem:v51+s17+$0x0] =	vst.idx.msk vm1, v13  }
0x8c: {  	(v2sf) =	vpush v3, $0xC;
	v5 =	vadd.f32 v12, v5;
	v11 =	vld [tilespmem:s26+$0x10]  }
0x8d: {  	v8 =	vmax.f32 v8, v10;
	v7 =	vpsel p2, v10, v7  }
0x8e: {  	s2 =	sadd.f32 $1.000000000e+00, s2;
	p1 =	sne.s32 s13, s25;
	v13 =	vbroadcast v4, $0x9;
	vm1 =	vmmov vm0;
	[tilespmem:v52+s19+$0x0] =	vst.idx.msk vm2, v7;
	v5 =	vpsel p2, v12, v5  }
0x8f: {  	v6 =	vmin.f32 v6, v10;
	v8 =	vpsel p2, v10, v8;
	vm1 =	vmneg @p1 vm1;
	[tilespmem:v52+s20+$0x0] =	vst.idx.msk vm2, v5  }
0x90: {  	s2 =	simm.s32 @p2 $0x3F800000;
	v6 =	vpsel p2, v10, v6;
	v53 =	vor.u32 v0, v13;
	[tilespmem:v52+s21+$0x0] =	vst.idx.msk vm2, v8  }
0x91: {  	v12 =	vmov s2;
	[tilespmem:v52+s22+$0x0] =	vst.idx.msk vm2, v6;
	v13 =	vmul.f32 v11, v11  }
0x92: {  	[tilespmem:v52+s17+$0x0] =	vst.idx.msk vm2, v12;
	v7 =	vadd.f32 v11, v7  }
0x93: {  	(v2sf) =	vpush v3, $0xD;
	v9 =	vld [tilespmem:s26+$0x20];
	v5 =	vadd.f32 v13, v5  }
0x94: {  	s9 =	spop (v2sf);
	v12 =	vbroadcast v4, $0xA;
	v7 =	vpsel p0, v11, v7  }
0x95: {  	s2 =	sadd.f32 $1.000000000e+00, s2;
	p2 =	sne.s32 s9, s13;
	v8 =	vmax.f32 v8, v11;
	vm2 =	vmmov vm0;
	[tilespmem:v53+s19+$0x0] =	vst.idx.msk vm1, v7;
	v5 =	vpsel p0, v13, v5  }
0x96: {  	v6 =	vmin.f32 v6, v11;
	v8 =	vpsel p0, v11, v8;
	vm2 =	vmneg @p2 vm2;
	[tilespmem:v53+s20+$0x0] =	vst.idx.msk vm1, v5  }
0x97: {  	s2 =	simm.s32 @p0 $0x3F800000;
	v6 =	vpsel p0, v11, v6;
	v54 =	vor.u32 v0, v12;
	[tilespmem:v53+s21+$0x0] =	vst.idx.msk vm1, v8  }
0x98: {  	v13 =	vmov s2;
	v12 =	vmul.f32 v9, v9;
	[tilespmem:v53+s22+$0x0] =	vst.idx.msk vm1, v6  }
0x99: {  	v7 =	vadd.f32 v9, v7;
	[tilespmem:v53+s17+$0x0] =	vst.idx.msk vm1, v13  }
0x9a: {  	v5 =	vadd.f32 v12, v5;
	v10 =	vld [tilespmem:s26+$0x30]  }
0x9b: {  	s13 =	spop (v2sf);
	v8 =	vmax.f32 v8, v9;
	v7 =	vpsel p1, v9, v7  }
0x9c: {  	s2 =	sadd.f32 $1.000000000e+00, s2;
	p0 =	sne.s32 s13, s9;
	v13 =	vbroadcast v4, $0xB;
	vm1 =	vmmov vm0;
	[tilespmem:v54+s19+$0x0] =	vst.idx.msk vm2, v7;
	v5 =	vpsel p1, v12, v5  }
0x9d: {  	v6 =	vmin.f32 v6, v9;
	v8 =	vpsel p1, v9, v8;
	vm1 =	vmneg @p0 vm1;
	[tilespmem:v54+s20+$0x0] =	vst.idx.msk vm2, v5  }
0x9e: {  	s2 =	simm.s32 @p1 $0x3F800000;
	v6 =	vpsel p1, v9, v6;
	v55 =	vor.u32 v0, v13;
	[tilespmem:v54+s21+$0x0] =	vst.idx.msk vm2, v8  }
0x9f: {  	v12 =	vmov s2;
	[tilespmem:v54+s22+$0x0] =	vst.idx.msk vm2, v6;
	v13 =	vmul.f32 v10, v10  }
0xa0: {  	[tilespmem:v54+s17+$0x0] =	vst.idx.msk vm2, v12;
	v7 =	vadd.f32 v10, v7  }
0xa1: {  	(v2sf) =	vpush v3, $0xF;
	v3 =	vld [tilespmem:s26+$0x40];
	v5 =	vadd.f32 v13, v5  }
0xa2: {  	v56 =	vbroadcast v4, $0xC;
	s25 =	spop (v2sf);
	v7 =	vpsel p2, v10, v7  }
0xa3: {  	s2 =	sadd.f32 $1.000000000e+00, s2;
	p1 =	sne.s32 s25, s13;
	v8 =	vmax.f32 v8, v10;
	vm2 =	vmmov vm0;
	[tilespmem:v55+s19+$0x0] =	vst.idx.msk vm1, v7;
	v5 =	vpsel p2, v13, v5  }
0xa4: {  	v6 =	vmin.f32 v6, v10;
	v8 =	vpsel p2, v10, v8;
	vm2 =	vmneg @p1 vm2;
	[tilespmem:v55+s20+$0x0] =	vst.idx.msk vm1, v5  }
0xa5: {  	v57 =	vor.u32 v0, v56;
	s2 =	simm.s32 @p2 $0x3F800000;
	v6 =	vpsel p2, v10, v6;
	[tilespmem:v55+s21+$0x0] =	vst.idx.msk vm1, v8  }
0xa6: {  	v12 =	vmov s2;
	v58 =	vmul.f32 v3, v3;
	[tilespmem:v55+s22+$0x0] =	vst.idx.msk vm1, v6  }
0xa7: {  	v7 =	vadd.f32 v3, v7;
	[tilespmem:v55+s17+$0x0] =	vst.idx.msk vm1, v12  }
0xa8: {  	v5 =	vadd.f32 v58, v5;
	v9 =	vld [tilespmem:s26+$0x50]  }
0xa9: {  	v8 =	vmax.f32 v8, v3;
	v7 =	vpsel p0, v3, v7  }
0xaa: {  	p3 =	sne.s32 s1, s25;
	s2 =	sadd.f32 $1.000000000e+00, s2;
	v12 =	vbroadcast v4, $0xD;
	vm1 =	vmmov vm0;
	[tilespmem:v57+s19+$0x0] =	vst.idx.msk vm2, v7;
	v5 =	vpsel p0, v58, v5  }
0xab: {  	v6 =	vmin.f32 v6, v3;
	v8 =	vpsel p0, v3, v8;
	vm1 =	vmneg @p3 vm1;
	[tilespmem:v57+s20+$0x0] =	vst.idx.msk vm2, v5  }
0xac: {  	s2 =	simm.s32 @p0 $0x3F800000;
	v3 =	vpsel p0, v3, v6;
	v6 =	vor.u32 v0, v12;
	[tilespmem:v57+s21+$0x0] =	vst.idx.msk vm2, v8  }
0xad: {  	v59 =	vmov s2;
	[tilespmem:v57+s22+$0x0] =	vst.idx.msk vm2, v3;
	v12 =	vmul.f32 v9, v9  }
0xae: {  	[tilespmem:v57+s17+$0x0] =	vst.idx.msk vm2, v59;
	v7 =	vadd.f32 v9, v7  }
0xaf: {  	v10 =	vld [tilespmem:s26+$0x60];
	v5 =	vadd.f32 v12, v5  }
0xb0: {  	s25 =	spop (v2sf);
	v4 =	vbroadcast v4, $0xE;
	v7 =	vpsel p1, v9, v7  }
0xb1: {  	s2 =	sadd.f32 $1.000000000e+00, s2;
	p2 =	sne.s32 s25, s1;
	v8 =	vmax.f32 v8, v9;
	vm2 =	vmmov vm0;
	[tilespmem:v6+s19+$0x0] =	vst.idx.msk vm1, v7;
	v5 =	vpsel p1, v12, v5  }
0xb2: {  	v3 =	vmin.f32 v3, v9;
	v8 =	vpsel p1, v9, v8;
	vm2 =	vmneg @p2 vm2;
	[tilespmem:v6+s20+$0x0] =	vst.idx.msk vm1, v5  }
0xb3: {  	s2 =	simm.s32 @p1 $0x3F800000;
	v4 =	vor.u32 v0, v4;
	v3 =	vpsel p1, v9, v3;
	[tilespmem:v6+s21+$0x0] =	vst.idx.msk vm1, v8  }
0xb4: {  	v61 =	vmov s2;
	v60 =	vmul.f32 v10, v10;
	[tilespmem:v6+s22+$0x0] =	vst.idx.msk vm1, v3  }
0xb5: {  	v7 =	vadd.f32 v10, v7;
	[tilespmem:v6+s17+$0x0] =	vst.idx.msk vm1, v61  }
0xb6: {  	v5 =	vadd.f32 v60, v5;
	v6 =	vld [tilespmem:s26+$0x70]  }
0xb7: {  	v7 =	vpsel p3, v10, v7  }
0xb8: {  	s1 =	sadd.f32 $1.000000000e+00, s2;
	v8 =	vmax.f32 v8, v10;
	[tilespmem:v4+s19+$0x0] =	vst.idx.msk vm2, v7;
	v5 =	vpsel p3, v60, v5  }
0xb9: {  	p0 =	sne.s32 s28, $0x1;
	v3 =	vmin.f32 v3, v10;
	v8 =	vpsel p3, v10, v8;
	[tilespmem:v4+s20+$0x0] =	vst.idx.msk vm2, v5  }
.Ltmp5:
0xba: {  	s1 =	simm.s32 @p3 $0x3F800000;
	v3 =	vpsel p3, v10, v3;
	[tilespmem:v4+s21+$0x0] =	vst.idx.msk vm2, v8;
	(pc) =	sbr.rel @!p0 .LBB2_11-.Ltmp5, $4  }
0xbb: {  	v62 =	vmov s1;
	[tilespmem:v4+s22+$0x0] =	vst.idx.msk vm2, v3;
	v7 =	vadd.f32 v6, v7  }
0xbc: {  	s31 =	sadd.f32 $1.000000000e+00, s1;
	[tilespmem:v4+s17+$0x0] =	vst.idx.msk vm2, v62;
	v4 =	vmul.f32 v6, v6;
	v8 =	vmax.f32 v8, v6  }
0xbd: {  	s30 =	simm.s32 $0x9D10;
	v63 =	vmin.f32 v3, v6;
	v15 =	vpsel p2, v6, v8  }
0xbe: {  	s29 =	sadd.s32 $0xFFFFFFFF, s28;
	s28 =	simm.s32 $0x80;
	s31 =	simm.s32 @p2 $0x3F800000;
	v3 =	vld [tilespmem:s30+$0x0];
	v13 =	vpsel p2, v6, v63;
	v18 =	vpsel p2, v6, v7;
	v5 =	vadd.f32 v4, v5  }
.LBB2_12:
0xbf: {  	_ =	sdelay $0x3  }
0xc0: {  	(v2sf) =	vpush v3, $0x0;
	_ =	sdelay $0x1  }
0xc1: {  	(v2sf) =	vpush v3, $0x1  }
0xc2: {  	(v2sf) =	vpush v3, $0x2  }
0xc3: {  	(v2sf) =	vpush v3, $0x9  }
0xc4: {  	(v2sf) =	vpush v3, $0xA;
	_ =	sdelay $0x7  }
0xc5: {  	(v2sf) =	vpush v3, $0xE  }
0xc6: {  	p0 =	sne.s32 s29, $0x1  }
0xc7: {  	s1 =	simm.s32 @!p0 $0x0;
	s2 =	spop (v2sf)  }
0xc8: {  	vm1 =	vmmov vm0;
	s1 =	simm.s32 @p0 $0x1;
	p0 =	sne.s32 s2, s25  }
0xc9: {  	s4 =	sshll.u32 s25, $0x4;
	s8 =	spop (v2sf);
	vm1 =	vmneg @p0 vm1  }
0xca: {  	v23 =	vor.u32 s4, v0;
	s6 =	spop (v2sf)  }
0xcb: {  	s28 =	sadd.s32 $0x100, s28;
	s13 =	spop (v2sf)  }
0xcc: {  	v24 =	vld [tilespmem:s28+$0xFFFFFF80];
	s25 =	spop (v2sf);
	(v2sf) =	vpush v3, $0x3  }
0xcd: {  	v19 =	vpsel p2, v4, v5;
	v4 =	vshll.u32 v3, $0x4  }
0xce: {  	vm2 =	vmmov vm0;
	v20 =	vbroadcast v4, $0x0;
	p1 =	sne.s32 s8, s2  }
0xcf: {  	vm2 =	vmneg @p1 vm2;
	[tilespmem:v23+s19+$0x0] =	vst.idx.msk vm1, v18  }
0xd0: {  	v20 =	vor.u32 v0, v20;
	[tilespmem:v23+s20+$0x0] =	vst.idx.msk vm1, v19  }
0xd1: {  	v25 =	vmul.f32 v24, v24;
	[tilespmem:v23+s21+$0x0] =	vst.idx.msk vm1, v15  }
0xd2: {  	v26 =	vmov s31;
	v18 =	vadd.f32 v24, v18;
	[tilespmem:v23+s22+$0x0] =	vst.idx.msk vm1, v13  }
0xd3: {  	v19 =	vadd.f32 v25, v19;
	[tilespmem:v23+s17+$0x0] =	vst.idx.msk vm1, v26  }
0xd4: {  	[smem:$0x7FC] =	sst s1;
	s1 =	spop (v2sf);
	(v2sf) =	vpush v3, $0x4;
	v18 =	vpsel p0, v24, v18;
	v23 =	vld [tilespmem:s28+$0xFFFFFF90]  }
0xd5: {  	s7 =	sadd.f32 $1.000000000e+00, s31;
	v21 =	vbroadcast v4, $0x1;
	v15 =	vmax.f32 v15, v24;
	v19 =	vpsel p0, v25, v19;
	[tilespmem:v20+s19+$0x0] =	vst.idx.msk vm2, v18  }
0xd6: {  	p2 =	sne.s32 s6, s8;
	v15 =	vpsel p0, v24, v15;
	v13 =	vmin.f32 v13, v24;
	vm1 =	vmmov vm0;
	[tilespmem:v20+s20+$0x0] =	vst.idx.msk vm2, v19  }
0xd7: {  	s7 =	simm.s32 @p0 $0x3F800000;
	v13 =	vpsel p0, v24, v13;
	vm1 =	vmneg @p2 vm1;
	[tilespmem:v20+s21+$0x0] =	vst.idx.msk vm2, v15  }
0xd8: {  	v21 =	vor.u32 v0, v21;
	v39 =	vmov s7;
	[tilespmem:v20+s22+$0x0] =	vst.idx.msk vm2, v13  }
0xd9: {  	[tilespmem:v20+s17+$0x0] =	vst.idx.msk vm2, v39;
	v20 =	vmul.f32 v23, v23  }
0xda: {  	(v2sf) =	vpush v3, $0x5;
	v18 =	vadd.f32 v23, v18;
	v24 =	vld [tilespmem:s28+$0xFFFFFFA0]  }
0xdb: {  	v22 =	vbroadcast v4, $0x2;
	s9 =	spop (v2sf);
	v19 =	vadd.f32 v20, v19  }
0xdc: {  	vm2 =	vmmov vm0;
	v15 =	vmax.f32 v15, v23;
	v18 =	vpsel p1, v23, v18;
	p0 =	sne.s32 s9, s6  }
0xdd: {  	s4 =	sadd.f32 $1.000000000e+00, s7;
	v13 =	vmin.f32 v13, v23;
	[tilespmem:v21+s19+$0x0] =	vst.idx.msk vm1, v18;
	vm2 =	vmneg @p0 vm2;
	v19 =	vpsel p1, v20, v19  }
0xde: {  	v15 =	vpsel p1, v23, v15;
	v20 =	vor.u32 v0, v22;
	[tilespmem:v21+s20+$0x0] =	vst.idx.msk vm1, v19  }
0xdf: {  	s4 =	simm.s32 @p1 $0x3F800000;
	v13 =	vpsel p1, v23, v13;
	v40 =	vmul.f32 v24, v24;
	[tilespmem:v21+s21+$0x0] =	vst.idx.msk vm1, v15  }
0xe0: {  	v41 =	vmov s4;
	v18 =	vadd.f32 v24, v18;
	[tilespmem:v21+s22+$0x0] =	vst.idx.msk vm1, v13  }
0xe1: {  	v19 =	vadd.f32 v40, v19;
	[tilespmem:v21+s17+$0x0] =	vst.idx.msk vm1, v41  }
0xe2: {  	s2 =	sadd.f32 $1.000000000e+00, s4;
	(v2sf) =	vpush v3, $0x6;
	v15 =	vmax.f32 v15, v24;
	v18 =	vpsel p2, v24, v18;
	v21 =	vld [tilespmem:s28+$0xFFFFFFB0]  }
0xe3: {  	v17 =	vbroadcast v4, $0x3;
	s6 =	spop (v2sf);
	v13 =	vmin.f32 v13, v24;
	v19 =	vpsel p2, v40, v19;
	[tilespmem:v20+s19+$0x0] =	vst.idx.msk vm2, v18  }
0xe4: {  	s2 =	simm.s32 @p2 $0x3F800000;
	v15 =	vpsel p2, v24, v15;
	v13 =	vpsel p2, v24, v13;
	vm1 =	vmmov vm0;
	p2 =	sne.s32 s6, s9;
	[tilespmem:v20+s20+$0x0] =	vst.idx.msk vm2, v19  }
0xe5: {  	vm1 =	vmneg @p2 vm1;
	[tilespmem:v20+s21+$0x0] =	vst.idx.msk vm2, v15  }
0xe6: {  	v17 =	vor.u32 v0, v17;
	v42 =	vmov s2;
	[tilespmem:v20+s22+$0x0] =	vst.idx.msk vm2, v13  }
0xe7: {  	v16 =	vbroadcast v4, $0x4;
	[tilespmem:v20+s17+$0x0] =	vst.idx.msk vm2, v42;
	v20 =	vmul.f32 v21, v21  }
0xe8: {  	(v2sf) =	vpush v3, $0x7;
	v18 =	vadd.f32 v21, v18;
	v22 =	vld [tilespmem:s28+$0xFFFFFFC0]  }
0xe9: {  	v16 =	vor.u32 v0, v16;
	s8 =	spop (v2sf);
	v19 =	vadd.f32 v20, v19  }
0xea: {  	p1 =	sne.s32 s8, s6;
	vm2 =	vmmov vm0;
	v15 =	vmax.f32 v15, v21;
	v18 =	vpsel p0, v21, v18  }
0xeb: {  	s2 =	sadd.f32 $1.000000000e+00, s2;
	v13 =	vmin.f32 v13, v21;
	vm2 =	vmneg @p1 vm2;
	[tilespmem:v17+s19+$0x0] =	vst.idx.msk vm1, v18;
	v19 =	vpsel p0, v20, v19  }
0xec: {  	v15 =	vpsel p0, v21, v15;
	v13 =	vpsel p0, v21, v13;
	[tilespmem:v17+s20+$0x0] =	vst.idx.msk vm1, v19  }
0xed: {  	s2 =	simm.s32 @p0 $0x3F800000;
	v20 =	vmul.f32 v22, v22;
	v18 =	vadd.f32 v22, v18;
	[tilespmem:v17+s21+$0x0] =	vst.idx.msk vm1, v15  }
0xee: {  	v43 =	vmov s2;
	[tilespmem:v17+s22+$0x0] =	vst.idx.msk vm1, v13  }
0xef: {  	[tilespmem:v17+s17+$0x0] =	vst.idx.msk vm1, v43;
	v17 =	vpsel p2, v22, v18;
	v18 =	vadd.f32 v20, v19  }
0xf0: {  	(v2sf) =	vpush v3, $0x8;
	v19 =	vld [tilespmem:s28+$0xFFFFFFD0]  }
0xf1: {  	v14 =	vbroadcast v4, $0x5;
	s2 =	sadd.f32 $1.000000000e+00, s2;
	s9 =	spop (v2sf);
	v15 =	vmax.f32 v15, v22;
	[tilespmem:v16+s19+$0x0] =	vst.idx.msk vm2, v17;
	v18 =	vpsel p2, v20, v18  }
0xf2: {  	p0 =	sne.s32 s9, s8;
	v13 =	vmin.f32 v13, v22;
	v15 =	vpsel p2, v22, v15;
	vm1 =	vmmov vm0;
	[tilespmem:v16+s20+$0x0] =	vst.idx.msk vm2, v18  }
0xf3: {  	s2 =	simm.s32 @p2 $0x3F800000;
	v13 =	vpsel p2, v22, v13;
	vm1 =	vmneg @p0 vm1;
	[tilespmem:v16+s21+$0x0] =	vst.idx.msk vm2, v15  }
0xf4: {  	v14 =	vor.u32 v0, v14;
	v20 =	vmov s2;
	[tilespmem:v16+s22+$0x0] =	vst.idx.msk vm2, v13  }
0xf5: {  	[tilespmem:v16+s17+$0x0] =	vst.idx.msk vm2, v20;
	v16 =	vmul.f32 v19, v19  }
0xf6: {  	v12 =	vbroadcast v4, $0x6;
	v17 =	vadd.f32 v19, v17;
	v20 =	vld [tilespmem:s28+$0xFFFFFFE0]  }
0xf7: {  	s8 =	spop (v2sf);
	v18 =	vadd.f32 v16, v18  }
0xf8: {  	v12 =	vor.u32 v0, v12;
	p4 =	sne.s32 s8, s9;
	vm2 =	vmmov vm0;
	v17 =	vpsel p1, v19, v17  }
0xf9: {  	s4 =	sadd.f32 $1.000000000e+00, s2;
	v15 =	vmax.f32 v15, v19;
	vm2 =	vmneg @p4 vm2;
	[tilespmem:v14+s19+$0x0] =	vst.idx.msk vm1, v17;
	v16 =	vpsel p1, v16, v18  }
0xfa: {  	v13 =	vmin.f32 v13, v19;
	v15 =	vpsel p1, v19, v15;
	[tilespmem:v14+s20+$0x0] =	vst.idx.msk vm1, v16  }
0xfb: {  	s4 =	simm.s32 @p1 $0x3F800000;
	v13 =	vpsel p1, v19, v13;
	[tilespmem:v14+s21+$0x0] =	vst.idx.msk vm1, v15;
	v18 =	vmul.f32 v20, v20  }
0xfc: {  	v19 =	vmov s4;
	v17 =	vadd.f32 v20, v17;
	[tilespmem:v14+s22+$0x0] =	vst.idx.msk vm1, v13  }
0xfd: {  	[tilespmem:v14+s17+$0x0] =	vst.idx.msk vm1, v19;
	v16 =	vadd.f32 v18, v16  }
0xfe: {  	v11 =	vbroadcast v4, $0x7;
	(v2sf) =	vpush v3, $0xB;
	v14 =	vpsel p0, v20, v17;
	v17 =	vld [tilespmem:s28+$0xFFFFFFF0]  }
0xff: {  	(v2sf) =	vpush v3, $0xC;
	s7 =	spop (v2sf);
	s2 =	sadd.f32 $1.000000000e+00, s4;
	v15 =	vmax.f32 v15, v20;
	[tilespmem:v12+s19+$0x0] =	vst.idx.msk vm2, v14;
	v16 =	vpsel p0, v18, v16  }
0x100: {  	p2 =	sne.s32 s7, s8;
	v13 =	vmin.f32 v13, v20;
	v15 =	vpsel p0, v20, v15;
	vm1 =	vmmov vm0;
	[tilespmem:v12+s20+$0x0] =	vst.idx.msk vm2, v16  }
0x101: {  	(v2sf) =	vpush v3, $0xD;
	s2 =	simm.s32 @p0 $0x3F800000;
	v13 =	vpsel p0, v20, v13;
	vm1 =	vmneg @p2 vm1;
	[tilespmem:v12+s21+$0x0] =	vst.idx.msk vm2, v15  }
0x102: {  	(v2sf) =	vpush v3, $0xF;
	v3 =	vor.u32 v0, v11;
	v44 =	vmov s2;
	[tilespmem:v12+s22+$0x0] =	vst.idx.msk vm2, v13  }
0x103: {  	[tilespmem:v12+s17+$0x0] =	vst.idx.msk vm2, v44;
	v45 =	vmul.f32 v17, v17  }
0x104: {  	v12 =	vadd.f32 v17, v14;
	v14 =	vmax.f32 v15, v17;
	v15 =	vld [tilespmem:s28+$0x0]  }
0x105: {  	v10 =	vbroadcast v4, $0x8;
	v16 =	vadd.f32 v45, v16  }
0x106: {  	p3 =	sne.s32 s13, s7;
	vm2 =	vmmov vm0;
	v12 =	vpsel p4, v17, v12  }
0x107: {  	v10 =	vor.u32 v0, v10;
	s31 =	sadd.f32 $1.000000000e+00, s2;
	vm2 =	vmneg @p3 vm2;
	[tilespmem:v3+s19+$0x0] =	vst.idx.msk vm1, v12;
	v11 =	vpsel p4, v45, v16  }
0x108: {  	v13 =	vmin.f32 v13, v17;
	v14 =	vpsel p4, v17, v14;
	[tilespmem:v3+s20+$0x0] =	vst.idx.msk vm1, v11  }
0x109: {  	s31 =	simm.s32 @p4 $0x3F800000;
	v13 =	vpsel p4, v17, v13;
	[tilespmem:v3+s21+$0x0] =	vst.idx.msk vm1, v14;
	v16 =	vmul.f32 v15, v15  }
0x10a: {  	v17 =	vmov s31;
	v12 =	vadd.f32 v15, v12;
	[tilespmem:v3+s22+$0x0] =	vst.idx.msk vm1, v13  }
0x10b: {  	v14 =	vmax.f32 v14, v15;
	[tilespmem:v3+s17+$0x0] =	vst.idx.msk vm1, v17;
	v11 =	vadd.f32 v16, v11  }
0x10c: {  	v3 =	vpsel p2, v15, v12;
	v12 =	vpsel p2, v15, v14;
	v14 =	vld [tilespmem:s28+$0x10]  }
0x10d: {  	s9 =	sadd.f32 $1.000000000e+00, s31;
	[tilespmem:v10+s19+$0x0] =	vst.idx.msk vm2, v3;
	v11 =	vpsel p2, v16, v11  }
0x10e: {  	v9 =	vbroadcast v4, $0x9;
	p1 =	sne.s32 s25, s13;
	v13 =	vmin.f32 v13, v15;
	vm1 =	vmmov vm0;
	[tilespmem:v10+s20+$0x0] =	vst.idx.msk vm2, v11  }
0x10f: {  	s9 =	simm.s32 @p2 $0x3F800000;
	v13 =	vpsel p2, v15, v13;
	vm1 =	vmneg @p1 vm1;
	[tilespmem:v10+s21+$0x0] =	vst.idx.msk vm2, v12  }
0x110: {  	v9 =	vor.u32 v0, v9;
	v15 =	vmov s9;
	[tilespmem:v10+s22+$0x0] =	vst.idx.msk vm2, v13  }
0x111: {  	[tilespmem:v10+s17+$0x0] =	vst.idx.msk vm2, v15;
	v46 =	vmul.f32 v14, v14  }
0x112: {  	v8 =	vbroadcast v4, $0xA;
	v3 =	vadd.f32 v14, v3;
	v15 =	vld [tilespmem:s28+$0x20]  }
0x113: {  	s2 =	spop (v2sf);
	v11 =	vadd.f32 v46, v11  }
0x114: {  	v8 =	vor.u32 v0, v8;
	p0 =	sne.s32 s2, s25;
	vm2 =	vmmov vm0;
	v3 =	vpsel p3, v14, v3  }
0x115: {  	s8 =	sadd.f32 $1.000000000e+00, s9;
	v12 =	vmax.f32 v12, v14;
	vm2 =	vmneg @p0 vm2;
	[tilespmem:v9+s19+$0x0] =	vst.idx.msk vm1, v3;
	v10 =	vpsel p3, v46, v11  }
0x116: {  	v13 =	vmin.f32 v13, v14;
	v12 =	vpsel p3, v14, v12;
	[tilespmem:v9+s20+$0x0] =	vst.idx.msk vm1, v10  }
0x117: {  	s8 =	simm.s32 @p3 $0x3F800000;
	v13 =	vpsel p3, v14, v13;
	[tilespmem:v9+s21+$0x0] =	vst.idx.msk vm1, v12;
	v47 =	vmul.f32 v15, v15  }
0x118: {  	v14 =	vmov s8;
	v3 =	vadd.f32 v15, v3;
	v12 =	vmax.f32 v12, v15;
	[tilespmem:v9+s22+$0x0] =	vst.idx.msk vm1, v13  }
0x119: {  	v13 =	vmin.f32 v13, v15;
	[tilespmem:v9+s17+$0x0] =	vst.idx.msk vm1, v14;
	v48 =	vadd.f32 v47, v10  }
0x11a: {  	v49 =	vpsel p1, v15, v12;
	v3 =	vpsel p1, v15, v3;
	v12 =	vpsel p1, v15, v13;
	v13 =	vld [tilespmem:s28+$0x30]  }
0x11b: {  	s13 =	spop (v2sf);
	s7 =	sadd.f32 $1.000000000e+00, s8;
	[tilespmem:v8+s19+$0x0] =	vst.idx.msk vm2, v3;
	v9 =	vpsel p1, v47, v48  }
0x11c: {  	v7 =	vbroadcast v4, $0xB;
	p6 =	sne.s32 s13, s2;
	vm1 =	vmmov vm0;
	[tilespmem:v8+s20+$0x0] =	vst.idx.msk vm2, v9  }
0x11d: {  	s7 =	simm.s32 @p1 $0x3F800000;
	vm1 =	vmneg @p6 vm1;
	[tilespmem:v8+s21+$0x0] =	vst.idx.msk vm2, v49  }
0x11e: {  	v7 =	vor.u32 v0, v7;
	v50 =	vmov s7;
	[tilespmem:v8+s22+$0x0] =	vst.idx.msk vm2, v12  }
0x11f: {  	[tilespmem:v8+s17+$0x0] =	vst.idx.msk vm2, v50;
	v51 =	vmul.f32 v13, v13  }
0x120: {  	v3 =	vadd.f32 v13, v3;
	v52 =	vmin.f32 v12, v13;
	v12 =	vld [tilespmem:s28+$0x40]  }
0x121: {  	s25 =	spop (v2sf);
	v9 =	vadd.f32 v51, v9  }
0x122: {  	v6 =	vbroadcast v4, $0xC;
	p5 =	sne.s32 s25, s13;
	vm2 =	vmmov vm0;
	v3 =	vpsel p0, v13, v3  }
0x123: {  	s6 =	sadd.f32 $1.000000000e+00, s7;
	v10 =	vmax.f32 v49, v13;
	vm2 =	vmneg @p5 vm2;
	[tilespmem:v7+s19+$0x0] =	vst.idx.msk vm1, v3;
	v8 =	vpsel p0, v51, v9  }
0x124: {  	v6 =	vor.u32 v0, v6;
	v10 =	vpsel p0, v13, v10;
	[tilespmem:v7+s20+$0x0] =	vst.idx.msk vm1, v8  }
0x125: {  	s6 =	simm.s32 @p0 $0x3F800000;
	v11 =	vpsel p0, v13, v52;
	[tilespmem:v7+s21+$0x0] =	vst.idx.msk vm1, v10;
	v53 =	vmul.f32 v12, v12  }
0x126: {  	v13 =	vmov s6;
	v3 =	vadd.f32 v12, v3;
	[tilespmem:v7+s22+$0x0] =	vst.idx.msk vm1, v11  }
0x127: {  	[tilespmem:v7+s17+$0x0] =	vst.idx.msk vm1, v13;
	v7 =	vadd.f32 v53, v8  }
0x128: {  	v3 =	vpsel p6, v12, v3;
	v56 =	vld [tilespmem:s28+$0x50]  }
0x129: {  	v5 =	vbroadcast v4, $0xD;
	s4 =	sadd.f32 $1.000000000e+00, s6;
	v10 =	vmax.f32 v10, v12;
	[tilespmem:v6+s19+$0x0] =	vst.idx.msk vm2, v3;
	v7 =	vpsel p6, v53, v7  }
0x12a: {  	p4 =	sne.s32 s1, s25;
	v11 =	vmin.f32 v11, v12;
	v54 =	vpsel p6, v12, v10;
	vm1 =	vmmov vm0;
	[tilespmem:v6+s20+$0x0] =	vst.idx.msk vm2, v7  }
0x12b: {  	s4 =	simm.s32 @p6 $0x3F800000;
	v55 =	vpsel p6, v12, v11;
	vm1 =	vmneg @p4 vm1;
	[tilespmem:v6+s21+$0x0] =	vst.idx.msk vm2, v54  }
0x12c: {  	v5 =	vor.u32 v0, v5;
	v57 =	vmov s4;
	[tilespmem:v6+s22+$0x0] =	vst.idx.msk vm2, v55  }
0x12d: {  	[tilespmem:v6+s17+$0x0] =	vst.idx.msk vm2, v57;
	v6 =	vmul.f32 v56, v56  }
0x12e: {  	v4 =	vbroadcast v4, $0xE;
	v3 =	vadd.f32 v56, v3;
	v59 =	vld [tilespmem:s28+$0x60]  }
0x12f: {  	s2 =	sadd.f32 $1.000000000e+00, s4;
	s25 =	spop (v2sf);
	v7 =	vadd.f32 v6, v7  }
0x130: {  	v4 =	vor.u32 v0, v4;
	p2 =	sne.s32 s25, s1;
	vm2 =	vmmov vm0;
	v3 =	vpsel p5, v56, v3  }
0x131: {  	s2 =	simm.s32 @p5 $0x3F800000;
	v8 =	vmax.f32 v54, v56;
	vm2 =	vmneg @p2 vm2;
	[tilespmem:v5+s19+$0x0] =	vst.idx.msk vm1, v3;
	v6 =	vpsel p5, v6, v7  }
0x132: {  	s13 =	sadd.f32 $1.000000000e+00, s2;
	v58 =	vmin.f32 v55, v56;
	v8 =	vpsel p5, v56, v8;
	[tilespmem:v5+s20+$0x0] =	vst.idx.msk vm1, v6  }
0x133: {  	v9 =	vpsel p5, v56, v58;
	[tilespmem:v5+s21+$0x0] =	vst.idx.msk vm1, v8;
	v7 =	vmul.f32 v59, v59  }
0x134: {  	v60 =	vmov s2;
	s13 =	simm.s32 @p4 $0x3F800000;
	v3 =	vadd.f32 v59, v3;
	[tilespmem:v5+s22+$0x0] =	vst.idx.msk vm1, v9  }
0x135: {  	s31 =	sadd.f32 $1.000000000e+00, s13;
	[tilespmem:v5+s17+$0x0] =	vst.idx.msk vm1, v60;
	v5 =	vadd.f32 v7, v6  }
0x136: {  	v62 =	vmov s13;
	s13 =	sld [smem:$0x7FC];
	v3 =	vpsel p4, v59, v3  }
0x137: {  	v8 =	vmax.f32 v8, v59;
	v6 =	vld [tilespmem:s28+$0x70];
	[tilespmem:v4+s19+$0x0] =	vst.idx.msk vm2, v3;
	v5 =	vpsel p4, v7, v5  }
0x138: {  	v9 =	vmin.f32 v9, v59;
	v7 =	vpsel p4, v59, v8;
	[tilespmem:v4+s20+$0x0] =	vst.idx.msk vm2, v5  }
0x139: {  	p0 =	seq.s32 s13, $0x1;
	v61 =	vpsel p4, v59, v9;
	[tilespmem:v4+s21+$0x0] =	vst.idx.msk vm2, v7  }
.Ltmp6:
0x13a: {  	[tilespmem:v4+s22+$0x0] =	vst.idx.msk vm2, v61;
	(pc) =	sbr.rel @p0 .LBB2_12-.Ltmp6, $4  }
0x13b: {  	[tilespmem:v4+s17+$0x0] =	vst.idx.msk vm2, v62  }
0x13c: {  	v4 =	vmul.f32 v6, v6;
	v63 =	vadd.f32 v6, v3;
	v7 =	vmax.f32 v7, v6  }
0x13d: {  	s30 =	sadd.s32 $0x10, s30;
	v8 =	vmin.f32 v61, v6;
	v15 =	vpsel p2, v6, v7  }
0x13e: {  	s29 =	sadd.s32 $0xFFFFFFFF, s29;
	s31 =	simm.s32 @p2 $0x3F800000;
	v3 =	vld [tilespmem:s30+$0x0];
	v13 =	vpsel p2, v6, v8;
	v18 =	vpsel p2, v6, v63;
	v5 =	vadd.f32 v4, v5  }
0x13f: {  	p1 =	por $0x1, $0x1  }
.LBB2_14:
0x140: {  	_ =	sdelay $0x2  }
0x141: {  	(v2sf) =	vpush v3, $0x0;
	_ =	sdelay $0x8  }
0x142: {  	(v2sf) =	vpush v3, $0x1;
	_ =	sdelay $0x4  }
0x143: {  	(v2sf) =	vpush v3, $0x2  }
0x144: {  	s1 =	spop (v2sf)  }
0x145: {  	vm1 =	vmmov vm0;
	p3 =	sne.s32 s1, s25  }
0x146: {  	s2 =	sshll.u32 s25, $0x4;
	vm1 =	vmneg @p3 vm1  }
0x147: {  	v6 =	vor.u32 s2, v0;
	_ =	sdelay $0x1  }
0x148: {  	(v2sf) =	vpush v3, $0x9  }
0x149: {  	p0 =	por !p2, !p1;
	s2 =	sadd.s32 @p1 $0x100, s28;
	(v2sf) =	vpush v3, $0xA  }
0x14a: {  	v5 =	vpsel p0, v5, v4;
	s26 =	smov.u32 @p1 s2;
	(v2sf) =	vpush v3, $0xE  }
0x14b: {  	v2 =	vpsel p1, v5, v2;
	v7 =	vld [tilespmem:s26+$0xFFFFFF80];
	(v2sf) =	vpush v3, $0x3;
	[tilespmem:v6+s19+$0x0] =	vst.idx.msk vm1, v18  }
0x14c: {  	v63 =	vshll.u32 v3, $0x4;
	s8 =	spop (v2sf);
	[tilespmem:v6+s20+$0x0] =	vst.idx.msk vm1, v2  }
0x14d: {  	vm2 =	vmmov vm0;
	v16 =	vbroadcast v63, $0x0;
	p1 =	sne.s32 s8, s1;
	[tilespmem:v6+s21+$0x0] =	vst.idx.msk vm1, v15  }
0x14e: {  	v8 =	vmov s31;
	vm2 =	vmneg @p1 vm2;
	[tilespmem:v6+s22+$0x0] =	vst.idx.msk vm1, v13  }
0x14f: {  	v5 =	vor.u32 v0, v16;
	[tilespmem:v6+s17+$0x0] =	vst.idx.msk vm1, v8  }
0x150: {  	v10 =	vbroadcast v63, $0x1;
	v9 =	vmul.f32 v7, v7;
	(v2sf) =	vpush v3, $0x4;
	v8 =	vld [tilespmem:s26+$0xFFFFFF90]  }
0x151: {  	v17 =	vadd.f32 v7, v18;
	s4 =	spop (v2sf)  }
0x152: {  	v10 =	vor.u32 v0, v10;
	p0 =	sne.s32 s4, s8;
	v2 =	vadd.f32 v9, v2;
	vm1 =	vmmov vm0  }
0x153: {  	v11 =	vmax.f32 v15, v7;
	v6 =	vpsel p3, v7, v17;
	vm1 =	vmneg @p0 vm1  }
0x154: {  	s2 =	sadd.f32 $1.000000000e+00, s31;
	v19 =	vmin.f32 v13, v7;
	v2 =	vpsel p3, v9, v2;
	[tilespmem:v5+s19+$0x0] =	vst.idx.msk vm2, v6  }
0x155: {  	v18 =	vpsel p3, v7, v11;
	[tilespmem:v5+s20+$0x0] =	vst.idx.msk vm2, v2;
	v20 =	vmul.f32 v8, v8  }
0x156: {  	s2 =	simm.s32 @p3 $0x3F800000;
	v7 =	vpsel p3, v7, v19;
	[tilespmem:v5+s21+$0x0] =	vst.idx.msk vm2, v18;
	v6 =	vadd.f32 v8, v6  }
0x157: {  	v12 =	vmov s2;
	s9 =	spop (v2sf);
	[tilespmem:v5+s22+$0x0] =	vst.idx.msk vm2, v7;
	v2 =	vadd.f32 v20, v2  }
0x158: {  	s13 =	spop (v2sf);
	[tilespmem:v5+s17+$0x0] =	vst.idx.msk vm2, v12;
	v6 =	vpsel p1, v8, v6  }
0x159: {  	s2 =	sadd.f32 $1.000000000e+00, s2;
	(v2sf) =	vpush v3, $0x5;
	s28 =	spop (v2sf);
	v5 =	vld [tilespmem:s26+$0xFFFFFFA0];
	v9 =	vmax.f32 v18, v8;
	[tilespmem:v10+s19+$0x0] =	vst.idx.msk vm1, v6;
	v2 =	vpsel p1, v20, v2  }
0x15a: {  	s6 =	spop (v2sf);
	v7 =	vmin.f32 v7, v8;
	v9 =	vpsel p1, v8, v9;
	[tilespmem:v10+s20+$0x0] =	vst.idx.msk vm1, v2  }
0x15b: {  	v21 =	vbroadcast v63, $0x2;
	s2 =	simm.s32 @p1 $0x3F800000;
	vm2 =	vmmov vm0;
	p2 =	sne.s32 s6, s4;
	v7 =	vpsel p1, v8, v7;
	[tilespmem:v10+s21+$0x0] =	vst.idx.msk vm1, v9  }
0x15c: {  	v23 =	vmov s2;
	vm2 =	vmneg @p2 vm2;
	[tilespmem:v10+s22+$0x0] =	vst.idx.msk vm1, v7  }
0x15d: {  	v22 =	vor.u32 v0, v21;
	[tilespmem:v10+s17+$0x0] =	vst.idx.msk vm1, v23  }
0x15e: {  	v25 =	vbroadcast v63, $0x3;
	(v2sf) =	vpush v3, $0x6;
	v24 =	vmul.f32 v5, v5;
	v10 =	vld [tilespmem:s26+$0xFFFFFFB0]  }
0x15f: {  	s29 =	spop (v2sf);
	v6 =	vadd.f32 v5, v6  }
0x160: {  	v11 =	vor.u32 v0, v25;
	p1 =	sne.s32 s29, s6;
	v2 =	vadd.f32 v24, v2;
	vm1 =	vmmov vm0  }
0x161: {  	v9 =	vmax.f32 v9, v5;
	v6 =	vpsel p0, v5, v6;
	vm1 =	vmneg @p1 vm1  }
0x162: {  	s2 =	sadd.f32 $1.000000000e+00, s2;
	v7 =	vmin.f32 v7, v5;
	v2 =	vpsel p0, v24, v2;
	[tilespmem:v22+s19+$0x0] =	vst.idx.msk vm2, v6  }
0x163: {  	v9 =	vpsel p0, v5, v9;
	[tilespmem:v22+s20+$0x0] =	vst.idx.msk vm2, v2;
	v26 =	vmul.f32 v10, v10  }
0x164: {  	s2 =	simm.s32 @p0 $0x3F800000;
	v5 =	vpsel p0, v5, v7;
	[tilespmem:v22+s21+$0x0] =	vst.idx.msk vm2, v9;
	v6 =	vadd.f32 v10, v6  }
0x165: {  	v27 =	vmov s2;
	[tilespmem:v22+s22+$0x0] =	vst.idx.msk vm2, v5;
	v2 =	vadd.f32 v26, v2  }
0x166: {  	[tilespmem:v22+s17+$0x0] =	vst.idx.msk vm2, v27;
	v6 =	vpsel p2, v10, v6  }
0x167: {  	s2 =	sadd.f32 $1.000000000e+00, s2;
	(v2sf) =	vpush v3, $0x7;
	v8 =	vld [tilespmem:s26+$0xFFFFFFC0];
	v9 =	vmax.f32 v9, v10;
	[tilespmem:v11+s19+$0x0] =	vst.idx.msk vm1, v6;
	v2 =	vpsel p2, v26, v2  }
0x168: {  	s30 =	spop (v2sf);
	v5 =	vmin.f32 v5, v10;
	v9 =	vpsel p2, v10, v9;
	[tilespmem:v11+s20+$0x0] =	vst.idx.msk vm1, v2  }
0x169: {  	v28 =	vbroadcast v63, $0x4;
	s2 =	simm.s32 @p2 $0x3F800000;
	p0 =	sne.s32 s30, s29;
	vm2 =	vmmov vm0;
	v5 =	vpsel p2, v10, v5;
	[tilespmem:v11+s21+$0x0] =	vst.idx.msk vm1, v9  }
0x16a: {  	v29 =	vmov s2;
	vm2 =	vmneg @p0 vm2;
	[tilespmem:v11+s22+$0x0] =	vst.idx.msk vm1, v5  }
0x16b: {  	v7 =	vor.u32 v0, v28;
	[tilespmem:v11+s17+$0x0] =	vst.idx.msk vm1, v29  }
0x16c: {  	(v2sf) =	vpush v3, $0x8;
	v30 =	vmul.f32 v8, v8;
	v10 =	vld [tilespmem:s26+$0xFFFFFFD0]  }
0x16d: {  	v31 =	vbroadcast v63, $0x5;
	s31 =	spop (v2sf);
	v6 =	vadd.f32 v8, v6  }
0x16e: {  	p2 =	sne.s32 s31, s30;
	v9 =	vmax.f32 v9, v8;
	v2 =	vadd.f32 v30, v2;
	vm1 =	vmmov vm0  }
0x16f: {  	v6 =	vpsel p1, v8, v6;
	v5 =	vmin.f32 v5, v8;
	vm1 =	vmneg @p2 vm1  }
0x170: {  	s2 =	sadd.f32 $1.000000000e+00, s2;
	v11 =	vor.u32 v0, v31;
	v2 =	vpsel p1, v30, v2;
	[tilespmem:v7+s19+$0x0] =	vst.idx.msk vm2, v6  }
0x171: {  	v9 =	vpsel p1, v8, v9;
	[tilespmem:v7+s20+$0x0] =	vst.idx.msk vm2, v2;
	v32 =	vmul.f32 v10, v10  }
0x172: {  	s2 =	simm.s32 @p1 $0x3F800000;
	v5 =	vpsel p1, v8, v5;
	[tilespmem:v7+s21+$0x0] =	vst.idx.msk vm2, v9;
	v6 =	vadd.f32 v10, v6  }
0x173: {  	v33 =	vmov s2;
	[tilespmem:v7+s22+$0x0] =	vst.idx.msk vm2, v5;
	v2 =	vadd.f32 v32, v2  }
0x174: {  	[tilespmem:v7+s17+$0x0] =	vst.idx.msk vm2, v33;
	v6 =	vpsel p0, v10, v6  }
0x175: {  	s2 =	sadd.f32 $1.000000000e+00, s2;
	v7 =	vld [tilespmem:s26+$0xFFFFFFE0];
	v9 =	vmax.f32 v9, v10;
	[tilespmem:v11+s19+$0x0] =	vst.idx.msk vm1, v6;
	v2 =	vpsel p0, v32, v2  }
0x176: {  	s7 =	spop (v2sf);
	v5 =	vmin.f32 v5, v10;
	v9 =	vpsel p0, v10, v9;
	[tilespmem:v11+s20+$0x0] =	vst.idx.msk vm1, v2  }
0x177: {  	v34 =	vbroadcast v63, $0x6;
	s2 =	simm.s32 @p0 $0x3F800000;
	p1 =	sne.s32 s7, s31;
	vm2 =	vmmov vm0;
	v5 =	vpsel p0, v10, v5;
	[tilespmem:v11+s21+$0x0] =	vst.idx.msk vm1, v9  }
0x178: {  	v35 =	vmov s2;
	vm2 =	vmneg @p1 vm2;
	[tilespmem:v11+s22+$0x0] =	vst.idx.msk vm1, v5  }
0x179: {  	v8 =	vor.u32 v0, v34;
	[tilespmem:v11+s17+$0x0] =	vst.idx.msk vm1, v35  }
0x17a: {  	v36 =	vmul.f32 v7, v7;
	v10 =	vld [tilespmem:s26+$0xFFFFFFF0]  }
0x17b: {  	v37 =	vbroadcast v63, $0x7;
	s8 =	spop (v2sf);
	v6 =	vadd.f32 v7, v6  }
0x17c: {  	p0 =	sne.s32 s8, s7;
	v9 =	vmax.f32 v9, v7;
	v2 =	vadd.f32 v36, v2;
	vm1 =	vmmov vm0  }
0x17d: {  	v6 =	vpsel p2, v7, v6;
	v5 =	vmin.f32 v5, v7;
	vm1 =	vmneg @p0 vm1  }
0x17e: {  	s2 =	sadd.f32 $1.000000000e+00, s2;
	v11 =	vor.u32 v0, v37;
	v2 =	vpsel p2, v36, v2;
	[tilespmem:v8+s19+$0x0] =	vst.idx.msk vm2, v6  }
0x17f: {  	v9 =	vpsel p2, v7, v9;
	[tilespmem:v8+s20+$0x0] =	vst.idx.msk vm2, v2;
	v38 =	vmul.f32 v10, v10  }
0x180: {  	s2 =	simm.s32 @p2 $0x3F800000;
	v5 =	vpsel p2, v7, v5;
	[tilespmem:v8+s21+$0x0] =	vst.idx.msk vm2, v9;
	v6 =	vadd.f32 v10, v6  }
0x181: {  	v39 =	vmov s2;
	[tilespmem:v8+s22+$0x0] =	vst.idx.msk vm2, v5;
	v2 =	vadd.f32 v38, v2  }
0x182: {  	[tilespmem:v8+s17+$0x0] =	vst.idx.msk vm2, v39;
	v6 =	vpsel p1, v10, v6  }
0x183: {  	s2 =	sadd.f32 $1.000000000e+00, s2;
	(v2sf) =	vpush v3, $0xB;
	v8 =	vld [tilespmem:s26+$0x0];
	v9 =	vmax.f32 v9, v10;
	[tilespmem:v11+s19+$0x0] =	vst.idx.msk vm1, v6;
	v2 =	vpsel p1, v38, v2  }
0x184: {  	v5 =	vmin.f32 v5, v10;
	v9 =	vpsel p1, v10, v9;
	[tilespmem:v11+s20+$0x0] =	vst.idx.msk vm1, v2  }
0x185: {  	v40 =	vbroadcast v63, $0x8;
	s2 =	simm.s32 @p1 $0x3F800000;
	p2 =	sne.s32 s9, s8;
	vm2 =	vmmov vm0;
	v5 =	vpsel p1, v10, v5;
	[tilespmem:v11+s21+$0x0] =	vst.idx.msk vm1, v9  }
0x186: {  	v41 =	vmov s2;
	vm2 =	vmneg @p2 vm2;
	[tilespmem:v11+s22+$0x0] =	vst.idx.msk vm1, v5  }
0x187: {  	v7 =	vor.u32 v0, v40;
	[tilespmem:v11+s17+$0x0] =	vst.idx.msk vm1, v41  }
0x188: {  	(v2sf) =	vpush v3, $0xC;
	v42 =	vmul.f32 v8, v8;
	v10 =	vld [tilespmem:s26+$0x10]  }
0x189: {  	v43 =	vbroadcast v63, $0x9;
	v6 =	vadd.f32 v8, v6  }
0x18a: {  	p1 =	sne.s32 s13, s9;
	v9 =	vmax.f32 v9, v8;
	v2 =	vadd.f32 v42, v2;
	vm1 =	vmmov vm0  }
0x18b: {  	v6 =	vpsel p0, v8, v6;
	v5 =	vmin.f32 v5, v8;
	vm1 =	vmneg @p1 vm1  }
0x18c: {  	s2 =	sadd.f32 $1.000000000e+00, s2;
	v11 =	vor.u32 v0, v43;
	v2 =	vpsel p0, v42, v2;
	[tilespmem:v7+s19+$0x0] =	vst.idx.msk vm2, v6  }
0x18d: {  	v9 =	vpsel p0, v8, v9;
	[tilespmem:v7+s20+$0x0] =	vst.idx.msk vm2, v2;
	v44 =	vmul.f32 v10, v10  }
0x18e: {  	s2 =	simm.s32 @p0 $0x3F800000;
	v5 =	vpsel p0, v8, v5;
	[tilespmem:v7+s21+$0x0] =	vst.idx.msk vm2, v9;
	v6 =	vadd.f32 v10, v6  }
0x18f: {  	v45 =	vmov s2;
	[tilespmem:v7+s22+$0x0] =	vst.idx.msk vm2, v5;
	v2 =	vadd.f32 v44, v2  }
0x190: {  	[tilespmem:v7+s17+$0x0] =	vst.idx.msk vm2, v45;
	v6 =	vpsel p2, v10, v6  }
0x191: {  	(v2sf) =	vpush v3, $0xD;
	s2 =	sadd.f32 $1.000000000e+00, s2;
	v7 =	vld [tilespmem:s26+$0x20];
	v9 =	vmax.f32 v9, v10;
	[tilespmem:v11+s19+$0x0] =	vst.idx.msk vm1, v6;
	v2 =	vpsel p2, v44, v2  }
0x192: {  	s9 =	spop (v2sf);
	v5 =	vmin.f32 v5, v10;
	v9 =	vpsel p2, v10, v9;
	[tilespmem:v11+s20+$0x0] =	vst.idx.msk vm1, v2  }
0x193: {  	v46 =	vbroadcast v63, $0xA;
	s2 =	simm.s32 @p2 $0x3F800000;
	p3 =	sne.s32 s9, s13;
	vm2 =	vmmov vm0;
	v5 =	vpsel p2, v10, v5;
	[tilespmem:v11+s21+$0x0] =	vst.idx.msk vm1, v9  }
0x194: {  	v47 =	vmov s2;
	vm2 =	vmneg @p3 vm2;
	[tilespmem:v11+s22+$0x0] =	vst.idx.msk vm1, v5  }
0x195: {  	v8 =	vor.u32 v0, v46;
	[tilespmem:v11+s17+$0x0] =	vst.idx.msk vm1, v47  }
0x196: {  	v48 =	vmul.f32 v7, v7;
	v10 =	vld [tilespmem:s26+$0x30]  }
0x197: {  	v49 =	vbroadcast v63, $0xB;
	s13 =	spop (v2sf);
	v6 =	vadd.f32 v7, v6  }
0x198: {  	p0 =	sne.s32 s13, s9;
	v9 =	vmax.f32 v9, v7;
	v2 =	vadd.f32 v48, v2;
	vm1 =	vmmov vm0  }
0x199: {  	v6 =	vpsel p1, v7, v6;
	v5 =	vmin.f32 v5, v7;
	vm1 =	vmneg @p0 vm1  }
0x19a: {  	s2 =	sadd.f32 $1.000000000e+00, s2;
	v11 =	vor.u32 v0, v49;
	v2 =	vpsel p1, v48, v2;
	[tilespmem:v8+s19+$0x0] =	vst.idx.msk vm2, v6  }
0x19b: {  	v9 =	vpsel p1, v7, v9;
	[tilespmem:v8+s20+$0x0] =	vst.idx.msk vm2, v2;
	v50 =	vmul.f32 v10, v10  }
0x19c: {  	s2 =	simm.s32 @p1 $0x3F800000;
	v5 =	vpsel p1, v7, v5;
	[tilespmem:v8+s21+$0x0] =	vst.idx.msk vm2, v9;
	v6 =	vadd.f32 v10, v6  }
0x19d: {  	v51 =	vmov s2;
	[tilespmem:v8+s22+$0x0] =	vst.idx.msk vm2, v5;
	v2 =	vadd.f32 v50, v2  }
0x19e: {  	[tilespmem:v8+s17+$0x0] =	vst.idx.msk vm2, v51;
	v6 =	vpsel p3, v10, v6  }
0x19f: {  	(v2sf) =	vpush v3, $0xF;
	s2 =	sadd.f32 $1.000000000e+00, s2;
	v8 =	vld [tilespmem:s26+$0x40];
	v3 =	vmax.f32 v9, v10;
	[tilespmem:v11+s19+$0x0] =	vst.idx.msk vm1, v6;
	v2 =	vpsel p3, v50, v2  }
0x1a0: {  	s25 =	spop (v2sf);
	v5 =	vmin.f32 v5, v10;
	v3 =	vpsel p3, v10, v3;
	[tilespmem:v11+s20+$0x0] =	vst.idx.msk vm1, v2  }
0x1a1: {  	v52 =	vbroadcast v63, $0xC;
	s2 =	simm.s32 @p3 $0x3F800000;
	p2 =	sne.s32 s25, s13;
	vm2 =	vmmov vm0;
	v5 =	vpsel p3, v10, v5;
	[tilespmem:v11+s21+$0x0] =	vst.idx.msk vm1, v3  }
0x1a2: {  	v53 =	vmov s2;
	vm2 =	vmneg @p2 vm2;
	[tilespmem:v11+s22+$0x0] =	vst.idx.msk vm1, v5  }
0x1a3: {  	v7 =	vor.u32 v0, v52;
	[tilespmem:v11+s17+$0x0] =	vst.idx.msk vm1, v53  }
0x1a4: {  	v55 =	vbroadcast v63, $0xD;
	v54 =	vmul.f32 v8, v8;
	v9 =	vld [tilespmem:s26+$0x50]  }
0x1a5: {  	v6 =	vadd.f32 v8, v6  }
0x1a6: {  	v56 =	vor.u32 v0, v55;
	p1 =	sne.s32 s28, s25;
	v2 =	vadd.f32 v54, v2;
	vm1 =	vmmov vm0  }
0x1a7: {  	v3 =	vmax.f32 v3, v8;
	v6 =	vpsel p0, v8, v6;
	vm1 =	vmneg @p1 vm1  }
0x1a8: {  	s2 =	sadd.f32 $1.000000000e+00, s2;
	v5 =	vmin.f32 v5, v8;
	v2 =	vpsel p0, v54, v2;
	[tilespmem:v7+s19+$0x0] =	vst.idx.msk vm2, v6  }
0x1a9: {  	v3 =	vpsel p0, v8, v3;
	[tilespmem:v7+s20+$0x0] =	vst.idx.msk vm2, v2;
	v57 =	vmul.f32 v9, v9  }
0x1aa: {  	s2 =	simm.s32 @p0 $0x3F800000;
	v5 =	vpsel p0, v8, v5;
	[tilespmem:v7+s21+$0x0] =	vst.idx.msk vm2, v3;
	v6 =	vadd.f32 v9, v6  }
0x1ab: {  	v58 =	vmov s2;
	[tilespmem:v7+s22+$0x0] =	vst.idx.msk vm2, v5;
	v2 =	vadd.f32 v57, v2  }
0x1ac: {  	[tilespmem:v7+s17+$0x0] =	vst.idx.msk vm2, v58;
	v6 =	vpsel p2, v9, v6  }
0x1ad: {  	s4 =	sadd.f32 $1.000000000e+00, s2;
	v7 =	vld [tilespmem:s26+$0x60];
	v3 =	vmax.f32 v3, v9;
	[tilespmem:v56+s19+$0x0] =	vst.idx.msk vm1, v6;
	v2 =	vpsel p2, v57, v2  }
0x1ae: {  	s2 =	spop (v2sf);
	v5 =	vmin.f32 v5, v9;
	v3 =	vpsel p2, v9, v3;
	[tilespmem:v56+s20+$0x0] =	vst.idx.msk vm1, v2  }
0x1af: {  	v59 =	vbroadcast v63, $0xE;
	s4 =	simm.s32 @p2 $0x3F800000;
	p0 =	sne.s32 s2, s28;
	vm2 =	vmmov vm0;
	v5 =	vpsel p2, v9, v5;
	[tilespmem:v56+s21+$0x0] =	vst.idx.msk vm1, v3  }
0x1b0: {  	v60 =	vmov s4;
	vm2 =	vmneg @p0 vm2;
	[tilespmem:v56+s22+$0x0] =	vst.idx.msk vm1, v5  }
0x1b1: {  	v8 =	vor.u32 v0, v59;
	[tilespmem:v56+s17+$0x0] =	vst.idx.msk vm1, v60  }
0x1b2: {  	v61 =	vmul.f32 v7, v7;
	v9 =	vld [tilespmem:s26+$0x70]  }
0x1b3: {  	v4 =	vbroadcast v63, $0xF;
	v6 =	vadd.f32 v7, v6  }
0x1b4: {  	v2 =	vadd.f32 v61, v2  }
0x1b5: {  	v4 =	vor.u32 v0, v4;
	v3 =	vmax.f32 v3, v7;
	v6 =	vpsel p1, v7, v6  }
0x1b6: {  	s1 =	sadd.f32 $1.000000000e+00, s4;
	v5 =	vmin.f32 v5, v7;
	v2 =	vpsel p1, v61, v2;
	[tilespmem:v8+s19+$0x0] =	vst.idx.msk vm2, v6  }
0x1b7: {  	v3 =	vpsel p1, v7, v3;
	[tilespmem:v8+s20+$0x0] =	vst.idx.msk vm2, v2;
	v62 =	vmul.f32 v9, v9  }
0x1b8: {  	s1 =	simm.s32 @p1 $0x3F800000;
	v5 =	vpsel p1, v7, v5;
	[tilespmem:v8+s21+$0x0] =	vst.idx.msk vm2, v3;
	v6 =	vadd.f32 v9, v6  }
0x1b9: {  	v63 =	vmov s1;
	[tilespmem:v8+s22+$0x0] =	vst.idx.msk vm2, v5;
	v2 =	vadd.f32 v62, v2  }
0x1ba: {  	[tilespmem:v8+s17+$0x0] =	vst.idx.msk vm2, v63;
	v6 =	vpsel p0, v9, v6  }
0x1bb: {  	s1 =	sadd.f32 $1.000000000e+00, s1;
	v3 =	vmax.f32 v3, v9;
	[tilespmem:v4+s19+$0x0] =	vst.idx.msk $0xffff, v6;
	v2 =	vpsel p0, v62, v2  }
0x1bc: {  	v5 =	vmin.f32 v5, v9;
	v3 =	vpsel p0, v9, v3;
	[tilespmem:v4+s20+$0x0] =	vst.idx.msk $0xffff, v2  }
0x1bd: {  	s1 =	simm.s32 @p0 $0x3F800000;
	v2 =	vpsel p0, v9, v5;
	[tilespmem:v4+s21+$0x0] =	vst.idx.msk $0xffff, v3  }
0x1be: {  	[tilespmem:v4+s22+$0x0] =	vst.idx.msk $0xffff, v2;
	v2 =	vmov s1  }
0x1bf: {  	s28 =	rddreg [dreg:$0x6];
	[tilespmem:v4+s17+$0x0] =	vst.idx.msk $0xffff, v2  }
0x1c0: {  	[hbm4b:s28+s14] =	stream.strided.scatter [tilespmem:s19], [sflag:$0x3], $0x2000, s15, s14, $0x38;
	[tilespmem:$0x14760] =	vst v63  }
0x1c1: {  	s29 =	rddreg [dreg:$0x7]  }
0x1c2: {  	[hbm4b:s29+s14] =	stream.strided.scatter [tilespmem:s20], [sflag:$0x3], $0x2000, s15, s14, $0x38;
	[tilespmem:$0x14760] =	vst v63  }
0x1c3: {  	s30 =	rddreg [dreg:$0x8]  }
0x1c4: {  	[hbm4b:s30+s14] =	stream.strided.scatter [tilespmem:s21], [sflag:$0x3], $0x2000, s15, s14, $0x38;
	[tilespmem:$0x14760] =	vst v63  }
0x1c5: {  	_ = 	snop  }
0x1c6: {  	[hbm4b:s10+s14] =	stream.strided.scatter [tilespmem:s22], [sflag:$0x3], $0x2000, s15, s14, $0x38;
	[tilespmem:$0x14760] =	vst v63  }
0x1c7: {  	_ =	swait.ge [sflag:s23], $0x2000  }
0x1c8: {  	[sflag:s23] =	ssyncset.done $0x0  }
0x1c9: {  	[sflag:s23] =	ssyncadd.s32 $0xFFFFE000  }
0x1ca: {  	_ =	swait.ge [sflag:s23], $0x2000  }
0x1cb: {  	[sflag:s23] =	ssyncset.done $0x0  }
0x1cc: {  	[sflag:s23] =	ssyncadd.s32 $0xFFFFE000  }
0x1cd: {  	_ =	swait.ge [sflag:s23], $0x2000  }
0x1ce: {  	[sflag:s23] =	ssyncset.done $0x0  }
0x1cf: {  	[sflag:s23] =	ssyncadd.s32 $0xFFFFE000  }
0x1d0: {  	_ =	swait.ge [sflag:s23], $0x2000  }
0x1d1: {  	s31 =	sld [smem:$0x7FD];
	_ =	sdelay $0x2  }
0x1d2: {  	p1 =	seq.s32 s31, $0x1  }
0x1d3: {  	s0 =	scvt.s32.f32 @!p1 s0  }
0x1d4: {  	[sflag:s23] =	ssyncset.done $0x0;
	s1 =	scvt.s32.f32 @!p1 s2  }
0x1d5: {  	s24 =	sadd.s32 $0x1, s24;
	[sflag:s23] =	ssyncadd.s32 $0xFFFFE000;
	v2 =	vmov @!p1 s0  }
0x1d6: {  	p0 =	sne.s32 s24, s12;
	[tilespmem:$0x146E0] =	vst @!p1 v2;
	v2 =	vmov @!p1 s1  }
0x1d7: {  	s2 =	simm.s32 @!p1 $0x126E0;
	s0 =	simm.s32 @!p1 $0x10;
	s1 =	simm.s32 @!p1 $0x80;
	[tilespmem:$0x146F0] =	vst @!p1 v2  }
0x1d8: {  	[hbm4b:s11+s0] =	stream.strided.scatter @!p1 [tilespmem:s2], [sflag:$0x4], $0x2080, s1, s0, $0x38;
	[tilespmem:$0x14760] =	vst v63  }
.Ltmp7:
0x1d9: {  	_ = 	snop;
	(pc) =	sbr.rel @p0 .LBB2_1-.Ltmp7, $4  }
.Ltmp8:
0x1da: {  	s0 =	simm.s32 @!p1 $0x4;
	(pc) =	sbr.rel @!p0 .LBB2_15-.Ltmp8, $4  }
0x1db: {  	_ =	swait.ge @!p1 [sflag:s0], $0x2080  }
0x1dc: {  	[sflag:s0] =	ssyncset.done @!p1 $0x0  }
0x1dd: {  	[sflag:s0] =	ssyncadd.s32 @!p1 $0xFFFFDF80  }
0x1de: {  	_ = 	snop  }
.LBB2_9:
.Ltmp9:
0x1df: {  	(pc) =	sbr.rel .LBB2_14-.Ltmp9, $2  }
0x1e0: {  	_ =	sdelay $0x2  }
0x1e1: {  	s28 =	simm.s32 $0x80;
	s25 =	smov.u32 s0;
	v18 =	vimm.f32 $0.0e+00  }
.LBB2_11:
.Ltmp10:
0x1e2: {  	(pc) =	sbr.rel .LBB2_14-.Ltmp10, $2  }
0x1e3: {  	_ =	sdelay $0x2  }
0x1e4: {  	s28 =	simm.s32 $0x80;
	p1 =	por $0x1, $0x1  }
.LBB2_4:
.Ltmp11:
0x1e5: {  	(pc) =	sbr.rel .LBB2_7-.Ltmp11, $2  }
0x1e6: {  	_ =	sdelay $0x2  }
0x1e7: {  	s4 =	smov.u32 s2  }
.LBB2_15:
0x1e8: {  	_ =	sfence.sel $0x180000  }
0x1e9: {  	[bflag:$0x0] =	sbarrier.arrive $0xFFFF  }
0x1ea: {  	_ =	strace $0x90000047  }
0x1eb: {  	s0 =	stileid.u32;
	[bflag:$0x2] =	sbarrier.arrive $0xFFFF  }
0x1ec: {  	p0 =	sne.s32 s0, $0x0;
	s0 =	rddreg [dreg:$0x3]  }
0x1ed: {  	s0 =	sadd.s32 @!p0 $0x100000, s0  }
0x1ee: {  	[sflag:s0] =	ssyncadd.tile.s32 @!p0 $0x1;
	_ =	shalt  }
.Lfunc_end2:
_tile_overlayer_lowered:
.L_overlay_start_2:
0x1ef: {  	(tag) =	ssettag $0x2  }
0x1f0: {  	s0 =	rddreg [dreg:$0x0];
	s2 =	stileid.u32  }
0x1f1: {  	s1 =	rddreg [dreg:$0x1];
	p0 =	sne.s32 s2, $0x0  }
0x1f2: {  	s3 =	rddreg [dreg:$0x2];
	[bflag:$0x3] =	sbarrier.arrive $0xFFFF;
	s2 =	simm.s32 @!p0 $0x1C04  }
0x1f3: {  	[timem:s3], [sflag:s2] =	dma.local @!p0 [hbm:s0], s1  }
0x1f4: {  	s0 =	simm.s32 @!p0 $0x4  }
0x1f5: {  	_ =	swait.ge @!p0 [sflag:s0], s1  }
0x1f6: {  	s1 =	ssub.s32 @!p0 $0x0, s1;
	[sflag:s0] =	ssyncset.done @!p0 $0x0  }
0x1f7: {  	[sflag:s0] =	ssyncadd.s32 @!p0 s1  }
0x1f8: {  	[bflag:$0x3] =	sbarrier.arrive $0xFFFF  }
0x1f9: {  	_ =	shalt  }

</sc_bundles>
